<compile_context>
chip_gen: v7x
topology: tpu7x:2x2x1
jax: 0.10.2.dev20260603
libtpu: 0.0.44.dev20260713+nightly
codegen_flags: <defaults>
</compile_context>

<pallas_src>
import functools

import jax
import jax.numpy as jnp
from jax import lax
from jax.experimental import pallas as pl
from jax.experimental.pallas import tpu as pltpu
from jax.experimental.pallas import tpu_sc as plsc

B = 1024
D_IN = 2048
NUM_LATENTS = 32768
K = 32
BLK = 1024
NB = NUM_LATENTS // BLK

_NEG = float('-inf')


def _encode_body(x_ref, bdec_ref, w_ref, benc_ref, tv_out, ti_out, tv, ti,
                 *, bc):
    j = pl.program_id(0)

    @pl.when(j == 0)
    def _init():
        tv[...] = jnp.full((bc, K), _NEG, jnp.float32)
        ti[...] = jnp.zeros((bc, K), jnp.int32)

    xm = x_ref[...] - bdec_ref[...]
    pre = lax.dot_general(
        xm, w_ref[...], (((1,), (1,)), ((), ())),
        preferred_element_type=jnp.float32,
    ) + benc_ref[...]

    lane = lax.broadcasted_iota(jnp.int32, (bc, BLK), 1)
    kl = lax.broadcasted_iota(jnp.int32, (bc, K), 1)

    m0 = jnp.max(pre, axis=1, keepdims=True)
    rmin0 = jnp.min(tv[...], axis=1, keepdims=True)

    def _cond(c):
        return c[2]

    def _body(c):
        work, m, _ = c
        am = jnp.min(jnp.where(work == m, lane, BLK), axis=1, keepdims=True)
        tvv = tv[...]
        rmin = jnp.min(tvv, axis=1, keepdims=True)
        rpos = jnp.min(jnp.where(tvv == rmin, kl, K), axis=1, keepdims=True)
        do = m > rmin
        sel = (kl == rpos) & do
        tv[...] = jnp.where(sel, m, tvv)
        ti[...] = jnp.where(sel, am + j * BLK, ti[...])
        work = jnp.where((lane == am) & do, _NEG, work)
        m2 = jnp.max(work, axis=1, keepdims=True)
        rmin2 = jnp.min(tv[...], axis=1, keepdims=True)
        return (work, m2, jnp.any(m2 > rmin2))

    lax.while_loop(_cond, _body, (pre, m0, jnp.any(m0 > rmin0)))

    @pl.when(j == NB - 1)
    def _fin():
        tv_out[...] = tv[...]
        ti_out[...] = ti[...]


def _encode_topk(x, W_enc, b_enc, b_dec):
    bc = x.shape[0]
    benc2 = b_enc.reshape(1, NUM_LATENTS)
    bdec2 = b_dec.reshape(1, D_IN)
    return pl.pallas_call(
        functools.partial(_encode_body, bc=bc),
        grid=(NB,),
        in_specs=[
            pl.BlockSpec((bc, D_IN), lambda j: (0, 0)),
            pl.BlockSpec((1, D_IN), lambda j: (0, 0)),
            pl.BlockSpec((BLK, D_IN), lambda j: (j, 0)),
            pl.BlockSpec((1, BLK), lambda j: (0, j)),
        ],
        out_specs=[
            pl.BlockSpec((bc, K), lambda j: (0, 0)),
            pl.BlockSpec((bc, K), lambda j: (0, 0)),
        ],
        out_shape=[
            jax.ShapeDtypeStruct((bc, K), jnp.float32),
            jax.ShapeDtypeStruct((bc, K), jnp.int32),
        ],
        scratch_shapes=[
            pltpu.VMEM((bc, K), jnp.float32),
            pltpu.VMEM((bc, K), jnp.int32),
        ],
    )(x, bdec2, W_enc, benc2)


def _make_decode(bc):
    info = plsc.get_sparse_core_info()
    NC, NS, L = info.num_cores, info.num_subcores, info.num_lanes
    NW = NC * NS
    BPW = bc // NW
    mesh = plsc.VectorSubcoreMesh(core_axis_name="c", subcore_axis_name="s")

    KH = K // 2

    @functools.partial(
        pl.kernel, mesh=mesh,
        out_type=jax.ShapeDtypeStruct((bc * D_IN,), jnp.float32),
        scratch_types=[
            pltpu.VMEM((BPW * K,), jnp.int32),
            pltpu.VMEM((BPW * K * L,), jnp.float32),
            pltpu.VMEM((KH, D_IN), jnp.float32),
            pltpu.VMEM((KH, D_IN), jnp.float32),
            pltpu.VMEM((D_IN,), jnp.float32),
            pltpu.VMEM((D_IN,), jnp.float32),
            pltpu.SemaphoreType.DMA,
            pltpu.SemaphoreType.DMA,
        ],
    )
    def _dec(acts_hbm, idx_hbm, wdec_hbm, bdec_hbm, out_hbm,
             idx_v, w_v, rows0_v, rows1_v, bdec_v, acc_v, sem0, sem1):
        wid = lax.axis_index("s") * NC + lax.axis_index("c")
        base = wid * BPW * K
        pltpu.sync_copy(bdec_hbm, bdec_v)
        pltpu.sync_copy(idx_hbm.at[pl.ds(base, BPW * K)], idx_v)
        pltpu.sync_copy(acts_hbm.at[pl.ds(base * L, BPW * K * L)], w_v)

        rows = (rows0_v, rows1_v)
        sems = (sem0, sem1)

        def _issue(s, p):
            pltpu.async_copy(
                wdec_hbm.at[idx_v.at[pl.ds(s * KH, KH)]], rows[p], sems[p])

        def _drain(p):
            pltpu.make_async_copy(
                wdec_hbm.at[pl.ds(0, KH)], rows[p], sems[p]).wait()

        _issue(0, 0)
        _issue(1, 1)

        def b_body(i, carry):
            for h in (0, 1):
                s = 2 * i + h
                _drain(h)
                ws = [w_v[pl.ds((s * KH + k) * L, L)] for k in range(KH)]

                def c_body(c, carry2, h=h, ws=ws):
                    off = c * L
                    if h == 0:
                        acc = bdec_v[pl.ds(off, L)]
                    else:
                        acc = acc_v[pl.ds(off, L)]
                    r = rows[h]
                    for k in range(KH):
                        acc = acc + ws[k] * r[k, pl.ds(off, L)]
                    acc_v[pl.ds(off, L)] = acc
                    return carry2

                lax.fori_loop(0, D_IN // L, c_body, 0)

                @pl.when(i + 1 < BPW)
                def _next(s=s, h=h):
                    _issue(s + 2, h)

            pltpu.sync_copy(
                acc_v, out_hbm.at[pl.ds((wid * BPW + i) * D_IN, D_IN)])
            return carry

        lax.fori_loop(0, BPW, b_body, 0)

    return _dec


def kernel(x, W_enc, b_enc, W_dec, b_dec):
    H = B // 2
    dec = _make_decode(H)
    parts = []
    for part in (0, 1):
        xs = lax.slice_in_dim(x, part * H, (part + 1) * H)
        top_acts, top_idx = _encode_topk(xs, W_enc, b_enc, b_dec)
        acts16 = jnp.broadcast_to(
            top_acts.reshape(H * K, 1),
            (H * K, 16)).reshape(-1).astype(jnp.float32)
        parts.append(dec(acts16, top_idx.reshape(H * K), W_dec, b_dec))
    return jnp.concatenate(parts).reshape(B, D_IN)

# --- scband reference (transcript-rebuilt; emitter-appended) ---
"""Pipeline reference for scband-sae-30717606101583 (READ-ONLY COPY).

The authoritative reference and input builder live on the scoring server;
editing this copy changes nothing except your own understanding.
"""

import jax, jax.numpy as jnp
import numpy as np

D_IN = 2048
NUM_LATENTS = 32768
K = 32
B = 1024


def setup_inputs(seed: int = 0) -> dict:
    key = jax.random.key(seed)
    k1, k2 = jax.random.split(key, 2)
    x = jax.random.normal(k1, (B, D_IN), dtype=jnp.float32)
    # encoder weight, kaiming-ish scale
    W_enc = jax.random.normal(k2, (NUM_LATENTS, D_IN), dtype=jnp.float32) * 0.02
    b_enc = jnp.zeros((NUM_LATENTS,), dtype=jnp.float32)
    # W_dec initialized as clone of encoder weight, then unit-normalized rows
    W_dec = W_enc
    norm = jnp.linalg.norm(W_dec, axis=1, keepdims=True)
    W_dec = W_dec / (norm + 1e-5)
    b_dec = jnp.zeros((D_IN,), dtype=jnp.float32)
    return {"x": x, "W_enc": W_enc, "b_enc": b_enc, "W_dec": W_dec, "b_dec": b_dec}


def reference(x, W_enc, b_enc, W_dec, b_dec):
    # encode: linear on (x - b_dec), then top-k over latents
    pre = (x - b_dec) @ W_enc.T + b_enc  # [B, NUM_LATENTS]
    top_acts, top_indices = jax.lax.top_k(pre, K)  # [B, K]
    # decode: embedding_bag(mode='sum') with per_sample_weights == weighted gather-sum
    gathered = jnp.take(W_dec, top_indices, axis=0)  # [B, K, D_IN]
    res = jnp.einsum('bk,bkd->bd', top_acts, gathered)  # [B, D_IN]
    return res + b_dec

if __name__ == "__main__":
    import jax
    _d = setup_inputs()
    print(jax.jit(kernel)(*tuple(_d.values())))

</pallas_src>

<mosaic_0001>
#map = affine_map<(d0, d1) -> (0)>
#map1 = affine_map<(d0, d1) -> (0, 0)>
module attributes {stable_mosaic.version = 14 : i64} {
  func.func @_dec(%arg0: i32, %arg1: i32, %arg2: memref<262144xf32, #tpu.memory_space<hbm>>, %arg3: memref<16384xi32, #tpu.memory_space<hbm>>, %arg4: memref<32768x2048xf32, #tpu.memory_space<hbm>>, %arg5: memref<2048xf32, #tpu.memory_space<hbm>>, %arg6: memref<1048576xf32, #tpu.memory_space<hbm>>, %arg7: memref<512xi32, #tpu.memory_space<vmem>>, %arg8: memref<8192xf32, #tpu.memory_space<vmem>>, %arg9: memref<16x2048xf32, #tpu.memory_space<vmem>>, %arg10: memref<16x2048xf32, #tpu.memory_space<vmem>>, %arg11: memref<2048xf32, #tpu.memory_space<vmem>>, %arg12: memref<2048xf32, #tpu.memory_space<vmem>>, %arg13: memref<!tpu.dma_semaphore, #tpu.memory_space<semaphore_mem>>, %arg14: memref<!tpu.dma_semaphore, #tpu.memory_space<semaphore_mem>>) attributes {dimension_semantics = [#tpu.dimension_semantics<core_parallel>, #tpu.dimension_semantics<subcore_parallel>], iteration_bounds = array<i64: 2, 16>, scalar_prefetch = 0 : i64, scratch_operands = 8 : i64, tpu.core_type = #tpu.core_type<sc_vector_subcore>, window_params = [{transform_indices = #map}, {transform_indices = #map}, {transform_indices = #map1}, {transform_indices = #map}, {transform_indices = #map}]} {
    %mul3A = arith.constant 2 : i32
    %mul3A_0 = arith.muli %arg1, %mul3A : i32
    %add3A = arith.addi %mul3A_0, %arg0 : i32
    %mul3A_1 = arith.constant 16 : i32
    %mul3A_2 = arith.muli %add3A, %mul3A_1 : i32
    %mul3A_3 = arith.constant 32 : i32
    %mul3A_4 = arith.muli %mul3A_2, %mul3A_3 : i32
    "tpu.region"() ({
      %run_scoped3A = tpu.sem_alloc : memref<!tpu.dma_semaphore, #tpu.memory_space<semaphore_mem>>
      tpu.enqueue_dma source(%arg5 : memref<2048xf32, #tpu.memory_space<hbm>>) target(%arg11 : memref<2048xf32, #tpu.memory_space<vmem>>) target_semaphore(%run_scoped3A : memref<!tpu.dma_semaphore, #tpu.memory_space<semaphore_mem>>)
      tpu.wait_dma2 semaphore(%run_scoped3A : memref<!tpu.dma_semaphore, #tpu.memory_space<semaphore_mem>>) src(%arg5 : memref<2048xf32, #tpu.memory_space<hbm>>) dst(%arg11 : memref<2048xf32, #tpu.memory_space<vmem>>)
      tpu.yield
    }) : () -> ()
    "tpu.region"() ({
      %run_scoped3A = tpu.sem_alloc : memref<!tpu.dma_semaphore, #tpu.memory_space<semaphore_mem>>
      %dma_start3A_21 = tpu.memref_slice %arg3[%mul3A_4] : memref<16384xi32, #tpu.memory_space<hbm>> -> memref<512xi32, #tpu.memory_space<hbm>>
      %dma_start3A_22 = tpu.memref_slice %arg3[%mul3A_4] : memref<16384xi32, #tpu.memory_space<hbm>> -> memref<512xi32, #tpu.memory_space<hbm>>
      tpu.enqueue_dma source(%dma_start3A_22 : memref<512xi32, #tpu.memory_space<hbm>>) target(%arg7 : memref<512xi32, #tpu.memory_space<vmem>>) target_semaphore(%run_scoped3A : memref<!tpu.dma_semaphore, #tpu.memory_space<semaphore_mem>>)
      %dma_wait3A = tpu.memref_slice %arg3[%mul3A_4] : memref<16384xi32, #tpu.memory_space<hbm>> -> memref<512xi32, #tpu.memory_space<hbm>>
      %dma_wait3A_23 = tpu.memref_slice %arg3[%mul3A_4] : memref<16384xi32, #tpu.memory_space<hbm>> -> memref<512xi32, #tpu.memory_space<hbm>>
      tpu.wait_dma2 semaphore(%run_scoped3A : memref<!tpu.dma_semaphore, #tpu.memory_space<semaphore_mem>>) src(%dma_wait3A_23 : memref<512xi32, #tpu.memory_space<hbm>>) dst(%arg7 : memref<512xi32, #tpu.memory_space<vmem>>)
      tpu.yield
    }) : () -> ()
    %mul3A_5 = arith.constant 16 : i32
    %mul3A_6 = arith.muli %mul3A_4, %mul3A_5 : i32
    "tpu.region"() ({
      %run_scoped3A = tpu.sem_alloc : memref<!tpu.dma_semaphore, #tpu.memory_space<semaphore_mem>>
      %dma_start3A_21 = tpu.memref_slice %arg2[%mul3A_6] : memref<262144xf32, #tpu.memory_space<hbm>> -> memref<8192xf32, #tpu.memory_space<hbm>>
      %dma_start3A_22 = tpu.memref_slice %arg2[%mul3A_6] : memref<262144xf32, #tpu.memory_space<hbm>> -> memref<8192xf32, #tpu.memory_space<hbm>>
      tpu.enqueue_dma source(%dma_start3A_22 : memref<8192xf32, #tpu.memory_space<hbm>>) target(%arg8 : memref<8192xf32, #tpu.memory_space<vmem>>) target_semaphore(%run_scoped3A : memref<!tpu.dma_semaphore, #tpu.memory_space<semaphore_mem>>)
      %dma_wait3A = tpu.memref_slice %arg2[%mul3A_6] : memref<262144xf32, #tpu.memory_space<hbm>> -> memref<8192xf32, #tpu.memory_space<hbm>>
      %dma_wait3A_23 = tpu.memref_slice %arg2[%mul3A_6] : memref<262144xf32, #tpu.memory_space<hbm>> -> memref<8192xf32, #tpu.memory_space<hbm>>
      tpu.wait_dma2 semaphore(%run_scoped3A : memref<!tpu.dma_semaphore, #tpu.memory_space<semaphore_mem>>) src(%dma_wait3A_23 : memref<8192xf32, #tpu.memory_space<hbm>>) dst(%arg8 : memref<8192xf32, #tpu.memory_space<vmem>>)
      tpu.yield
    }) : () -> ()
    %dma_start3A = arith.constant 0 : i32
    %dma_start3A_7 = tpu.memref_slice %arg7[%dma_start3A] : memref<512xi32, #tpu.memory_space<vmem>> -> memref<16xi32, #tpu.memory_space<vmem>>
    %dma_start3A_8 = arith.constant 0 : i32
    %dma_start3A_9 = arith.constant 0 : i32
    %dma_start3A_10 = tpu.memref_slice %arg4[%dma_start3A_8, %dma_start3A_9] : memref<32768x2048xf32, #tpu.memory_space<hbm>> -> memref<32768x2048xf32, #tpu.memory_space<hbm>>
    tpu.enqueue_indirect_dma source(%dma_start3A_10 : memref<32768x2048xf32, #tpu.memory_space<hbm>>) target(%arg9 : memref<16x2048xf32, #tpu.memory_space<vmem>>) offsets(%dma_start3A_7 : memref<16xi32, #tpu.memory_space<vmem>>) semaphore(%arg13 : memref<!tpu.dma_semaphore, #tpu.memory_space<semaphore_mem>>)
    %dma_start3A_11 = arith.constant 16 : i32
    %dma_start3A_12 = tpu.memref_slice %arg7[%dma_start3A_11] : memref<512xi32, #tpu.memory_space<vmem>> -> memref<16xi32, #tpu.memory_space<vmem>>
    %dma_start3A_13 = arith.constant 0 : i32
    %dma_start3A_14 = arith.constant 0 : i32
    %dma_start3A_15 = tpu.memref_slice %arg4[%dma_start3A_13, %dma_start3A_14] : memref<32768x2048xf32, #tpu.memory_space<hbm>> -> memref<32768x2048xf32, #tpu.memory_space<hbm>>
    tpu.enqueue_indirect_dma source(%dma_start3A_15 : memref<32768x2048xf32, #tpu.memory_space<hbm>>) target(%arg10 : memref<16x2048xf32, #tpu.memory_space<vmem>>) offsets(%dma_start3A_12 : memref<16xi32, #tpu.memory_space<vmem>>) semaphore(%arg14 : memref<!tpu.dma_semaphore, #tpu.memory_space<semaphore_mem>>)
    %scan3A = arith.constant 0 : i32
    %scan3A_16 = arith.constant 0 : i32
    %scan3A_17 = arith.constant 16 : i32
    %scan3A_18 = arith.addi %scan3A_16, %scan3A_17 : i32
    %scan3A_19 = arith.constant 1 : i32
    scf.for %scan3A_21 = %scan3A_16 to %scan3A_18 step %scan3A_19  : i32 {
      %mul3A_22 = arith.constant 2 : i32
      %mul3A_23 = arith.muli %mul3A_22, %scan3A_21 : i32
      %add3A_24 = arith.constant 0 : i32
      %add3A_25 = arith.addi %mul3A_23, %add3A_24 : i32
      %dma_wait3A = arith.constant 0 : i32
      %dma_wait3A_26 = arith.constant 0 : i32
      %dma_wait3A_27 = tpu.memref_slice %arg4[%dma_wait3A, %dma_wait3A_26] : memref<32768x2048xf32, #tpu.memory_space<hbm>> -> memref<16x2048xf32, #tpu.memory_space<hbm>>
      %dma_wait3A_28 = arith.constant 0 : i32
      %dma_wait3A_29 = arith.constant 0 : i32
      %dma_wait3A_30 = tpu.memref_slice %arg4[%dma_wait3A_28, %dma_wait3A_29] : memref<32768x2048xf32, #tpu.memory_space<hbm>> -> memref<16x2048xf32, #tpu.memory_space<hbm>>
      tpu.wait_dma2 semaphore(%arg13 : memref<!tpu.dma_semaphore, #tpu.memory_space<semaphore_mem>>) src(%dma_wait3A_30 : memref<16x2048xf32, #tpu.memory_space<hbm>>) dst(%arg9 : memref<16x2048xf32, #tpu.memory_space<vmem>>)
      %mul3A_31 = arith.constant 16 : i32
      %mul3A_32 = arith.muli %add3A_25, %mul3A_31 : i32
      %add3A_33 = arith.constant 0 : i32
      %add3A_34 = arith.addi %mul3A_32, %add3A_33 : i32
      %mul3A_35 = arith.constant 16 : i32
      %mul3A_36 = arith.muli %add3A_34, %mul3A_35 : i32
      %get3A = arith.index_cast %mul3A_36 : i32 to index
      %get3A_37 = tpu.vector_load %arg8[%get3A] {strides = array<i32>} : memref<8192xf32, #tpu.memory_space<vmem>>, vector<16xf32>,
      %get3A_38 = vector.shape_cast %get3A_37 : vector<16xf32> to vector<16xf32>
      %mul3A_39 = arith.constant 16 : i32
      %mul3A_40 = arith.muli %add3A_25, %mul3A_39 : i32
      %add3A_41 = arith.constant 1 : i32
      %add3A_42 = arith.addi %mul3A_40, %add3A_41 : i32
      %mul3A_43 = arith.constant 16 : i32
      %mul3A_44 = arith.muli %add3A_42, %mul3A_43 : i32
      %get3A_45 = arith.index_cast %mul3A_44 : i32 to index
      %get3A_46 = tpu.vector_load %arg8[%get3A_45] {strides = array<i32>} : memref<8192xf32, #tpu.memory_space<vmem>>, vector<16xf32>,
      %get3A_47 = vector.shape_cast %get3A_46 : vector<16xf32> to vector<16xf32>
      %mul3A_48 = arith.constant 16 : i32
      %mul3A_49 = arith.muli %add3A_25, %mul3A_48 : i32
      %add3A_50 = arith.constant 2 : i32
      %add3A_51 = arith.addi %mul3A_49, %add3A_50 : i32
      %mul3A_52 = arith.constant 16 : i32
      %mul3A_53 = arith.muli %add3A_51, %mul3A_52 : i32
      %get3A_54 = arith.index_cast %mul3A_53 : i32 to index
      %get3A_55 = tpu.vector_load %arg8[%get3A_54] {strides = array<i32>} : memref<8192xf32, #tpu.memory_space<vmem>>, vector<16xf32>,
      %get3A_56 = vector.shape_cast %get3A_55 : vector<16xf32> to vector<16xf32>
      %mul3A_57 = arith.constant 16 : i32
      %mul3A_58 = arith.muli %add3A_25, %mul3A_57 : i32
      %add3A_59 = arith.constant 3 : i32
      %add3A_60 = arith.addi %mul3A_58, %add3A_59 : i32
      %mul3A_61 = arith.constant 16 : i32
      %mul3A_62 = arith.muli %add3A_60, %mul3A_61 : i32
      %get3A_63 = arith.index_cast %mul3A_62 : i32 to index
      %get3A_64 = tpu.vector_load %arg8[%get3A_63] {strides = array<i32>} : memref<8192xf32, #tpu.memory_space<vmem>>, vector<16xf32>,
      %get3A_65 = vector.shape_cast %get3A_64 : vector<16xf32> to vector<16xf32>
      %mul3A_66 = arith.constant 16 : i32
      %mul3A_67 = arith.muli %add3A_25, %mul3A_66 : i32
      %add3A_68 = arith.constant 4 : i32
      %add3A_69 = arith.addi %mul3A_67, %add3A_68 : i32
      %mul3A_70 = arith.constant 16 : i32
      %mul3A_71 = arith.muli %add3A_69, %mul3A_70 : i32
      %get3A_72 = arith.index_cast %mul3A_71 : i32 to index
      %get3A_73 = tpu.vector_load %arg8[%get3A_72] {strides = array<i32>} : memref<8192xf32, #tpu.memory_space<vmem>>, vector<16xf32>,
      %get3A_74 = vector.shape_cast %get3A_73 : vector<16xf32> to vector<16xf32>
      %mul3A_75 = arith.constant 16 : i32
      %mul3A_76 = arith.muli %add3A_25, %mul3A_75 : i32
      %add3A_77 = arith.constant 5 : i32
      %add3A_78 = arith.addi %mul3A_76, %add3A_77 : i32
      %mul3A_79 = arith.constant 16 : i32
      %mul3A_80 = arith.muli %add3A_78, %mul3A_79 : i32
      %get3A_81 = arith.index_cast %mul3A_80 : i32 to index
      %get3A_82 = tpu.vector_load %arg8[%get3A_81] {strides = array<i32>} : memref<8192xf32, #tpu.memory_space<vmem>>, vector<16xf32>,
      %get3A_83 = vector.shape_cast %get3A_82 : vector<16xf32> to vector<16xf32>
      %mul3A_84 = arith.constant 16 : i32
      %mul3A_85 = arith.muli %add3A_25, %mul3A_84 : i32
      %add3A_86 = arith.constant 6 : i32
      %add3A_87 = arith.addi %mul3A_85, %add3A_86 : i32
      %mul3A_88 = arith.constant 16 : i32
      %mul3A_89 = arith.muli %add3A_87, %mul3A_88 : i32
      %get3A_90 = arith.index_cast %mul3A_89 : i32 to index
      %get3A_91 = tpu.vector_load %arg8[%get3A_90] {strides = array<i32>} : memref<8192xf32, #tpu.memory_space<vmem>>, vector<16xf32>,
      %get3A_92 = vector.shape_cast %get3A_91 : vector<16xf32> to vector<16xf32>
      %mul3A_93 = arith.constant 16 : i32
      %mul3A_94 = arith.muli %add3A_25, %mul3A_93 : i32
      %add3A_95 = arith.constant 7 : i32
      %add3A_96 = arith.addi %mul3A_94, %add3A_95 : i32
      %mul3A_97 = arith.constant 16 : i32
      %mul3A_98 = arith.muli %add3A_96, %mul3A_97 : i32
      %get3A_99 = arith.index_cast %mul3A_98 : i32 to index
      %get3A_100 = tpu.vector_load %arg8[%get3A_99] {strides = array<i32>} : memref<8192xf32, #tpu.memory_space<vmem>>, vector<16xf32>,
      %get3A_101 = vector.shape_cast %get3A_100 : vector<16xf32> to vector<16xf32>
      %mul3A_102 = arith.constant 16 : i32
      %mul3A_103 = arith.muli %add3A_25, %mul3A_102 : i32
      %add3A_104 = arith.constant 8 : i32
      %add3A_105 = arith.addi %mul3A_103, %add3A_104 : i32
      %mul3A_106 = arith.constant 16 : i32
      %mul3A_107 = arith.muli %add3A_105, %mul3A_106 : i32
      %get3A_108 = arith.index_cast %mul3A_107 : i32 to index
      %get3A_109 = tpu.vector_load %arg8[%get3A_108] {strides = array<i32>} : memref<8192xf32, #tpu.memory_space<vmem>>, vector<16xf32>,
      %get3A_110 = vector.shape_cast %get3A_109 : vector<16xf32> to vector<16xf32>
      %mul3A_111 = arith.constant 16 : i32
      %mul3A_112 = arith.muli %add3A_25, %mul3A_111 : i32
      %add3A_113 = arith.constant 9 : i32
      %add3A_114 = arith.addi %mul3A_112, %add3A_113 : i32
      %mul3A_115 = arith.constant 16 : i32
      %mul3A_116 = arith.muli %add3A_114, %mul3A_115 : i32
      %get3A_117 = arith.index_cast %mul3A_116 : i32 to index
      %get3A_118 = tpu.vector_load %arg8[%get3A_117] {strides = array<i32>} : memref<8192xf32, #tpu.memory_space<vmem>>, vector<16xf32>,
      %get3A_119 = vector.shape_cast %get3A_118 : vector<16xf32> to vector<16xf32>
      %mul3A_120 = arith.constant 16 : i32
      %mul3A_121 = arith.muli %add3A_25, %mul3A_120 : i32
      %add3A_122 = arith.constant 10 : i32
      %add3A_123 = arith.addi %mul3A_121, %add3A_122 : i32
      %mul3A_124 = arith.constant 16 : i32
      %mul3A_125 = arith.muli %add3A_123, %mul3A_124 : i32
      %get3A_126 = arith.index_cast %mul3A_125 : i32 to index
      %get3A_127 = tpu.vector_load %arg8[%get3A_126] {strides = array<i32>} : memref<8192xf32, #tpu.memory_space<vmem>>, vector<16xf32>,
      %get3A_128 = vector.shape_cast %get3A_127 : vector<16xf32> to vector<16xf32>
      %mul3A_129 = arith.constant 16 : i32
      %mul3A_130 = arith.muli %add3A_25, %mul3A_129 : i32
      %add3A_131 = arith.constant 11 : i32
      %add3A_132 = arith.addi %mul3A_130, %add3A_131 : i32
      %mul3A_133 = arith.constant 16 : i32
      %mul3A_134 = arith.muli %add3A_132, %mul3A_133 : i32
      %get3A_135 = arith.index_cast %mul3A_134 : i32 to index
      %get3A_136 = tpu.vector_load %arg8[%get3A_135] {strides = array<i32>} : memref<8192xf32, #tpu.memory_space<vmem>>, vector<16xf32>,
      %get3A_137 = vector.shape_cast %get3A_136 : vector<16xf32> to vector<16xf32>
      %mul3A_138 = arith.constant 16 : i32
      %mul3A_139 = arith.muli %add3A_25, %mul3A_138 : i32
      %add3A_140 = arith.constant 12 : i32
      %add3A_141 = arith.addi %mul3A_139, %add3A_140 : i32
      %mul3A_142 = arith.constant 16 : i32
      %mul3A_143 = arith.muli %add3A_141, %mul3A_142 : i32
      %get3A_144 = arith.index_cast %mul3A_143 : i32 to index
      %get3A_145 = tpu.vector_load %arg8[%get3A_144] {strides = array<i32>} : memref<8192xf32, #tpu.memory_space<vmem>>, vector<16xf32>,
      %get3A_146 = vector.shape_cast %get3A_145 : vector<16xf32> to vector<16xf32>
      %mul3A_147 = arith.constant 16 : i32
      %mul3A_148 = arith.muli %add3A_25, %mul3A_147 : i32
      %add3A_149 = arith.constant 13 : i32
      %add3A_150 = arith.addi %mul3A_148, %add3A_149 : i32
      %mul3A_151 = arith.constant 16 : i32
      %mul3A_152 = arith.muli %add3A_150, %mul3A_151 : i32
      %get3A_153 = arith.index_cast %mul3A_152 : i32 to index
      %get3A_154 = tpu.vector_load %arg8[%get3A_153] {strides = array<i32>} : memref<8192xf32, #tpu.memory_space<vmem>>, vector<16xf32>,
      %get3A_155 = vector.shape_cast %get3A_154 : vector<16xf32> to vector<16xf32>
      %mul3A_156 = arith.constant 16 : i32
      %mul3A_157 = arith.muli %add3A_25, %mul3A_156 : i32
      %add3A_158 = arith.constant 14 : i32
      %add3A_159 = arith.addi %mul3A_157, %add3A_158 : i32
      %mul3A_160 = arith.constant 16 : i32
      %mul3A_161 = arith.muli %add3A_159, %mul3A_160 : i32
      %get3A_162 = arith.index_cast %mul3A_161 : i32 to index
      %get3A_163 = tpu.vector_load %arg8[%get3A_162] {strides = array<i32>} : memref<8192xf32, #tpu.memory_space<vmem>>, vector<16xf32>,
      %get3A_164 = vector.shape_cast %get3A_163 : vector<16xf32> to vector<16xf32>
      %mul3A_165 = arith.constant 16 : i32
      %mul3A_166 = arith.muli %add3A_25, %mul3A_165 : i32
      %add3A_167 = arith.constant 15 : i32
      %add3A_168 = arith.addi %mul3A_166, %add3A_167 : i32
      %mul3A_169 = arith.constant 16 : i32
      %mul3A_170 = arith.muli %add3A_168, %mul3A_169 : i32
      %get3A_171 = arith.index_cast %mul3A_170 : i32 to index
      %get3A_172 = tpu.vector_load %arg8[%get3A_171] {strides = array<i32>} : memref<8192xf32, #tpu.memory_space<vmem>>, vector<16xf32>,
      %get3A_173 = vector.shape_cast %get3A_172 : vector<16xf32> to vector<16xf32>
      %scan3A_174 = arith.constant 0 : i32
      %scan3A_175 = arith.constant 0 : i32
      %scan3A_176 = arith.constant 128 : i32
      %scan3A_177 = arith.addi %scan3A_175, %scan3A_176 : i32
      %scan3A_178 = arith.constant 1 : i32
      scf.for %scan3A_356 = %scan3A_175 to %scan3A_177 step %scan3A_178  : i32 {
        %mul3A_357 = arith.constant 16 : i32
        %mul3A_358 = arith.muli %scan3A_356, %mul3A_357 : i32
        %get3A_359 = arith.index_cast %mul3A_358 : i32 to index
        %get3A_360 = tpu.vector_load %arg11[%get3A_359] {strides = array<i32>} : memref<2048xf32, #tpu.memory_space<vmem>>, vector<16xf32>,
        %get3A_361 = vector.shape_cast %get3A_360 : vector<16xf32> to vector<16xf32>
        %get3A_362 = arith.constant 0 : i32
        %get3A_363 = arith.index_cast %get3A_362 : i32 to index
        %get3A_364 = arith.index_cast %mul3A_358 : i32 to index
        %get3A_365 = tpu.vector_load %arg9[%get3A_363, %get3A_364] {strides = array<i32>} : memref<16x2048xf32, #tpu.memory_space<vmem>>, vector<1x16xf32>,
        %get3A_366 = vector.shape_cast %get3A_365 : vector<1x16xf32> to vector<16xf32>
        %mul3A_367 = arith.mulf %get3A_38, %get3A_366 : vector<16xf32>
        %add3A_368 = arith.addf %get3A_361, %mul3A_367 : vector<16xf32>
        %get3A_369 = arith.constant 1 : i32
        %get3A_370 = arith.index_cast %get3A_369 : i32 to index
        %get3A_371 = arith.index_cast %mul3A_358 : i32 to index
        %get3A_372 = tpu.vector_load %arg9[%get3A_370, %get3A_371] {strides = array<i32>} : memref<16x2048xf32, #tpu.memory_space<vmem>>, vector<1x16xf32>,
        %get3A_373 = vector.shape_cast %get3A_372 : vector<1x16xf32> to vector<16xf32>
        %mul3A_374 = arith.mulf %get3A_47, %get3A_373 : vector<16xf32>
        %add3A_375 = arith.addf %add3A_368, %mul3A_374 : vector<16xf32>
        %get3A_376 = arith.constant 2 : i32
        %get3A_377 = arith.index_cast %get3A_376 : i32 to index
        %get3A_378 = arith.index_cast %mul3A_358 : i32 to index
        %get3A_379 = tpu.vector_load %arg9[%get3A_377, %get3A_378] {strides = array<i32>} : memref<16x2048xf32, #tpu.memory_space<vmem>>, vector<1x16xf32>,
        %get3A_380 = vector.shape_cast %get3A_379 : vector<1x16xf32> to vector<16xf32>
        %mul3A_381 = arith.mulf %get3A_56, %get3A_380 : vector<16xf32>
        %add3A_382 = arith.addf %add3A_375, %mul3A_381 : vector<16xf32>
        %get3A_383 = arith.constant 3 : i32
        %get3A_384 = arith.index_cast %get3A_383 : i32 to index
        %get3A_385 = arith.index_cast %mul3A_358 : i32 to index
        %get3A_386 = tpu.vector_load %arg9[%get3A_384, %get3A_385] {strides = array<i32>} : memref<16x2048xf32, #tpu.memory_space<vmem>>, vector<1x16xf32>,
        %get3A_387 = vector.shape_cast %get3A_386 : vector<1x16xf32> to vector<16xf32>
        %mul3A_388 = arith.mulf %get3A_65, %get3A_387 : vector<16xf32>
        %add3A_389 = arith.addf %add3A_382, %mul3A_388 : vector<16xf32>
        %get3A_390 = arith.constant 4 : i32
        %get3A_391 = arith.index_cast %get3A_390 : i32 to index
        %get3A_392 = arith.index_cast %mul3A_358 : i32 to index
        %get3A_393 = tpu.vector_load %arg9[%get3A_391, %get3A_392] {strides = array<i32>} : memref<16x2048xf32, #tpu.memory_space<vmem>>, vector<1x16xf32>,
        %get3A_394 = vector.shape_cast %get3A_393 : vector<1x16xf32> to vector<16xf32>
        %mul3A_395 = arith.mulf %get3A_74, %get3A_394 : vector<16xf32>
        %add3A_396 = arith.addf %add3A_389, %mul3A_395 : vector<16xf32>
        %get3A_397 = arith.constant 5 : i32
        %get3A_398 = arith.index_cast %get3A_397 : i32 to index
        %get3A_399 = arith.index_cast %mul3A_358 : i32 to index
        %get3A_400 = tpu.vector_load %arg9[%get3A_398, %get3A_399] {strides = array<i32>} : memref<16x2048xf32, #tpu.memory_space<vmem>>, vector<1x16xf32>,
        %get3A_401 = vector.shape_cast %get3A_400 : vector<1x16xf32> to vector<16xf32>
        %mul3A_402 = arith.mulf %get3A_83, %get3A_401 : vector<16xf32>
        %add3A_403 = arith.addf %add3A_396, %mul3A_402 : vector<16xf32>
        %get3A_404 = arith.constant 6 : i32
        %get3A_405 = arith.index_cast %get3A_404 : i32 to index
        %get3A_406 = arith.index_cast %mul3A_358 : i32 to index
        %get3A_407 = tpu.vector_load %arg9[%get3A_405, %get3A_406] {strides = array<i32>} : memref<16x2048xf32, #tpu.memory_space<vmem>>, vector<1x16xf32>,
        %get3A_408 = vector.shape_cast %get3A_407 : vector<1x16xf32> to vector<16xf32>
        %mul3A_409 = arith.mulf %get3A_92, %get3A_408 : vector<16xf32>
        %add3A_410 = arith.addf %add3A_403, %mul3A_409 : vector<16xf32>
        %get3A_411 = arith.constant 7 : i32
        %get3A_412 = arith.index_cast %get3A_411 : i32 to index
        %get3A_413 = arith.index_cast %mul3A_358 : i32 to index
        %get3A_414 = tpu.vector_load %arg9[%get3A_412, %get3A_413] {strides = array<i32>} : memref<16x2048xf32, #tpu.memory_space<vmem>>, vector<1x16xf32>,
        %get3A_415 = vector.shape_cast %get3A_414 : vector<1x16xf32> to vector<16xf32>
        %mul3A_416 = arith.mulf %get3A_101, %get3A_415 : vector<16xf32>
        %add3A_417 = arith.addf %add3A_410, %mul3A_416 : vector<16xf32>
        %get3A_418 = arith.constant 8 : i32
        %get3A_419 = arith.index_cast %get3A_418 : i32 to index
        %get3A_420 = arith.index_cast %mul3A_358 : i32 to index
        %get3A_421 = tpu.vector_load %arg9[%get3A_419, %get3A_420] {strides = array<i32>} : memref<16x2048xf32, #tpu.memory_space<vmem>>, vector<1x16xf32>,
        %get3A_422 = vector.shape_cast %get3A_421 : vector<1x16xf32> to vector<16xf32>
        %mul3A_423 = arith.mulf %get3A_110, %get3A_422 : vector<16xf32>
        %add3A_424 = arith.addf %add3A_417, %mul3A_423 : vector<16xf32>
        %get3A_425 = arith.constant 9 : i32
        %get3A_426 = arith.index_cast %get3A_425 : i32 to index
        %get3A_427 = arith.index_cast %mul3A_358 : i32 to index
        %get3A_428 = tpu.vector_load %arg9[%get3A_426, %get3A_427] {strides = array<i32>} : memref<16x2048xf32, #tpu.memory_space<vmem>>, vector<1x16xf32>,
        %get3A_429 = vector.shape_cast %get3A_428 : vector<1x16xf32> to vector<16xf32>
        %mul3A_430 = arith.mulf %get3A_119, %get3A_429 : vector<16xf32>
        %add3A_431 = arith.addf %add3A_424, %mul3A_430 : vector<16xf32>
        %get3A_432 = arith.constant 10 : i32
        %get3A_433 = arith.index_cast %get3A_432 : i32 to index
        %get3A_434 = arith.index_cast %mul3A_358 : i32 to index
        %get3A_435 = tpu.vector_load %arg9[%get3A_433, %get3A_434] {strides = array<i32>} : memref<16x2048xf32, #tpu.memory_space<vmem>>, vector<1x16xf32>,
        %get3A_436 = vector.shape_cast %get3A_435 : vector<1x16xf32> to vector<16xf32>
        %mul3A_437 = arith.mulf %get3A_128, %get3A_436 : vector<16xf32>
        %add3A_438 = arith.addf %add3A_431, %mul3A_437 : vector<16xf32>
        %get3A_439 = arith.constant 11 : i32
        %get3A_440 = arith.index_cast %get3A_439 : i32 to index
        %get3A_441 = arith.index_cast %mul3A_358 : i32 to index
        %get3A_442 = tpu.vector_load %arg9[%get3A_440, %get3A_441] {strides = array<i32>} : memref<16x2048xf32, #tpu.memory_space<vmem>>, vector<1x16xf32>,
        %get3A_443 = vector.shape_cast %get3A_442 : vector<1x16xf32> to vector<16xf32>
        %mul3A_444 = arith.mulf %get3A_137, %get3A_443 : vector<16xf32>
        %add3A_445 = arith.addf %add3A_438, %mul3A_444 : vector<16xf32>
        %get3A_446 = arith.constant 12 : i32
        %get3A_447 = arith.index_cast %get3A_446 : i32 to index
        %get3A_448 = arith.index_cast %mul3A_358 : i32 to index
        %get3A_449 = tpu.vector_load %arg9[%get3A_447, %get3A_448] {strides = array<i32>} : memref<16x2048xf32, #tpu.memory_space<vmem>>, vector<1x16xf32>,
        %get3A_450 = vector.shape_cast %get3A_449 : vector<1x16xf32> to vector<16xf32>
        %mul3A_451 = arith.mulf %get3A_146, %get3A_450 : vector<16xf32>
        %add3A_452 = arith.addf %add3A_445, %mul3A_451 : vector<16xf32>
        %get3A_453 = arith.constant 13 : i32
        %get3A_454 = arith.index_cast %get3A_453 : i32 to index
        %get3A_455 = arith.index_cast %mul3A_358 : i32 to index
        %get3A_456 = tpu.vector_load %arg9[%get3A_454, %get3A_455] {strides = array<i32>} : memref<16x2048xf32, #tpu.memory_space<vmem>>, vector<1x16xf32>,
        %get3A_457 = vector.shape_cast %get3A_456 : vector<1x16xf32> to vector<16xf32>
        %mul3A_458 = arith.mulf %get3A_155, %get3A_457 : vector<16xf32>
        %add3A_459 = arith.addf %add3A_452, %mul3A_458 : vector<16xf32>
        %get3A_460 = arith.constant 14 : i32
        %get3A_461 = arith.index_cast %get3A_460 : i32 to index
        %get3A_462 = arith.index_cast %mul3A_358 : i32 to index
        %get3A_463 = tpu.vector_load %arg9[%get3A_461, %get3A_462] {strides = array<i32>} : memref<16x2048xf32, #tpu.memory_space<vmem>>, vector<1x16xf32>,
        %get3A_464 = vector.shape_cast %get3A_463 : vector<1x16xf32> to vector<16xf32>
        %mul3A_465 = arith.mulf %get3A_164, %get3A_464 : vector<16xf32>
        %add3A_466 = arith.addf %add3A_459, %mul3A_465 : vector<16xf32>
        %get3A_467 = arith.constant 15 : i32
        %get3A_468 = arith.index_cast %get3A_467 : i32 to index
        %get3A_469 = arith.index_cast %mul3A_358 : i32 to index
        %get3A_470 = tpu.vector_load %arg9[%get3A_468, %get3A_469] {strides = array<i32>} : memref<16x2048xf32, #tpu.memory_space<vmem>>, vector<1x16xf32>,
        %get3A_471 = vector.shape_cast %get3A_470 : vector<1x16xf32> to vector<16xf32>
        %mul3A_472 = arith.mulf %get3A_173, %get3A_471 : vector<16xf32>
        %add3A_473 = arith.addf %add3A_466, %mul3A_472 : vector<16xf32>
        %swap3A = arith.index_cast %mul3A_358 : i32 to index
        %swap3A_474 = tpu.vector_load %arg12[%swap3A] {strides = array<i32>} : memref<2048xf32, #tpu.memory_space<vmem>>, vector<16xf32>,
        %swap3A_475 = vector.shape_cast %swap3A_474 : vector<16xf32> to vector<16xf32>
        %swap3A_476 = vector.shape_cast %add3A_473 : vector<16xf32> to vector<16xf32>
        tpu.vector_store %arg12[%swap3A], %swap3A_476 {strides = array<i32>} : memref<2048xf32, #tpu.memory_space<vmem>>, vector<16xf32>,
      }
      %scan3A_179 = arith.constant 128 : i32
      %add3A_180 = arith.constant 1 : i32
      %add3A_181 = arith.addi %scan3A_21, %add3A_180 : i32
      %lt3A = arith.constant 16 : i32
      %lt3A_182 = arith.cmpi slt, %add3A_181, %lt3A : i32
      %convert_element_type3A = arith.extui %lt3A_182 : i1 to i32
      %cond3A = arith.constant 0 : i32
      %cond3A_183 = arith.cmpi ne, %convert_element_type3A, %cond3A : i32
      scf.if %cond3A_183 {
        %add3A_356 = arith.constant 2 : i32
        %add3A_357 = arith.addi %add3A_25, %add3A_356 : i32
        %mul3A_358 = arith.constant 16 : i32
        %mul3A_359 = arith.muli %add3A_357, %mul3A_358 : i32
        %dma_start3A_360 = tpu.memref_slice %arg7[%mul3A_359] : memref<512xi32, #tpu.memory_space<vmem>> -> memref<16xi32, #tpu.memory_space<vmem>>
        %dma_start3A_361 = arith.constant 0 : i32
        %dma_start3A_362 = arith.constant 0 : i32
        %dma_start3A_363 = tpu.memref_slice %arg4[%dma_start3A_361, %dma_start3A_362] : memref<32768x2048xf32, #tpu.memory_space<hbm>> -> memref<32768x2048xf32, #tpu.memory_space<hbm>>
        tpu.enqueue_indirect_dma source(%dma_start3A_363 : memref<32768x2048xf32, #tpu.memory_space<hbm>>) target(%arg9 : memref<16x2048xf32, #tpu.memory_space<vmem>>) offsets(%dma_start3A_360 : memref<16xi32, #tpu.memory_space<vmem>>) semaphore(%arg13 : memref<!tpu.dma_semaphore, #tpu.memory_space<semaphore_mem>>)
      } else {
      }
      %mul3A_184 = arith.constant 2 : i32
      %mul3A_185 = arith.muli %mul3A_184, %scan3A_21 : i32
      %add3A_186 = arith.constant 1 : i32
      %add3A_187 = arith.addi %mul3A_185, %add3A_186 : i32
      %dma_wait3A_188 = arith.constant 0 : i32
      %dma_wait3A_189 = arith.constant 0 : i32
      %dma_wait3A_190 = tpu.memref_slice %arg4[%dma_wait3A_188, %dma_wait3A_189] : memref<32768x2048xf32, #tpu.memory_space<hbm>> -> memref<16x2048xf32, #tpu.memory_space<hbm>>
      %dma_wait3A_191 = arith.constant 0 : i32
      %dma_wait3A_192 = arith.constant 0 : i32
      %dma_wait3A_193 = tpu.memref_slice %arg4[%dma_wait3A_191, %dma_wait3A_192] : memref<32768x2048xf32, #tpu.memory_space<hbm>> -> memref<16x2048xf32, #tpu.memory_space<hbm>>
      tpu.wait_dma2 semaphore(%arg14 : memref<!tpu.dma_semaphore, #tpu.memory_space<semaphore_mem>>) src(%dma_wait3A_193 : memref<16x2048xf32, #tpu.memory_space<hbm>>) dst(%arg10 : memref<16x2048xf32, #tpu.memory_space<vmem>>)
      %mul3A_194 = arith.constant 16 : i32
      %mul3A_195 = arith.muli %add3A_187, %mul3A_194 : i32
      %add3A_196 = arith.constant 0 : i32
      %add3A_197 = arith.addi %mul3A_195, %add3A_196 : i32
      %mul3A_198 = arith.constant 16 : i32
      %mul3A_199 = arith.muli %add3A_197, %mul3A_198 : i32
      %get3A_200 = arith.index_cast %mul3A_199 : i32 to index
      %get3A_201 = tpu.vector_load %arg8[%get3A_200] {strides = array<i32>} : memref<8192xf32, #tpu.memory_space<vmem>>, vector<16xf32>,
      %get3A_202 = vector.shape_cast %get3A_201 : vector<16xf32> to vector<16xf32>
      %mul3A_203 = arith.constant 16 : i32
      %mul3A_204 = arith.muli %add3A_187, %mul3A_203 : i32
      %add3A_205 = arith.constant 1 : i32
      %add3A_206 = arith.addi %mul3A_204, %add3A_205 : i32
      %mul3A_207 = arith.constant 16 : i32
      %mul3A_208 = arith.muli %add3A_206, %mul3A_207 : i32
      %get3A_209 = arith.index_cast %mul3A_208 : i32 to index
      %get3A_210 = tpu.vector_load %arg8[%get3A_209] {strides = array<i32>} : memref<8192xf32, #tpu.memory_space<vmem>>, vector<16xf32>,
      %get3A_211 = vector.shape_cast %get3A_210 : vector<16xf32> to vector<16xf32>
      %mul3A_212 = arith.constant 16 : i32
      %mul3A_213 = arith.muli %add3A_187, %mul3A_212 : i32
      %add3A_214 = arith.constant 2 : i32
      %add3A_215 = arith.addi %mul3A_213, %add3A_214 : i32
      %mul3A_216 = arith.constant 16 : i32
      %mul3A_217 = arith.muli %add3A_215, %mul3A_216 : i32
      %get3A_218 = arith.index_cast %mul3A_217 : i32 to index
      %get3A_219 = tpu.vector_load %arg8[%get3A_218] {strides = array<i32>} : memref<8192xf32, #tpu.memory_space<vmem>>, vector<16xf32>,
      %get3A_220 = vector.shape_cast %get3A_219 : vector<16xf32> to vector<16xf32>
      %mul3A_221 = arith.constant 16 : i32
      %mul3A_222 = arith.muli %add3A_187, %mul3A_221 : i32
      %add3A_223 = arith.constant 3 : i32
      %add3A_224 = arith.addi %mul3A_222, %add3A_223 : i32
      %mul3A_225 = arith.constant 16 : i32
      %mul3A_226 = arith.muli %add3A_224, %mul3A_225 : i32
      %get3A_227 = arith.index_cast %mul3A_226 : i32 to index
      %get3A_228 = tpu.vector_load %arg8[%get3A_227] {strides = array<i32>} : memref<8192xf32, #tpu.memory_space<vmem>>, vector<16xf32>,
      %get3A_229 = vector.shape_cast %get3A_228 : vector<16xf32> to vector<16xf32>
      %mul3A_230 = arith.constant 16 : i32
      %mul3A_231 = arith.muli %add3A_187, %mul3A_230 : i32
      %add3A_232 = arith.constant 4 : i32
      %add3A_233 = arith.addi %mul3A_231, %add3A_232 : i32
      %mul3A_234 = arith.constant 16 : i32
      %mul3A_235 = arith.muli %add3A_233, %mul3A_234 : i32
      %get3A_236 = arith.index_cast %mul3A_235 : i32 to index
      %get3A_237 = tpu.vector_load %arg8[%get3A_236] {strides = array<i32>} : memref<8192xf32, #tpu.memory_space<vmem>>, vector<16xf32>,
      %get3A_238 = vector.shape_cast %get3A_237 : vector<16xf32> to vector<16xf32>
      %mul3A_239 = arith.constant 16 : i32
      %mul3A_240 = arith.muli %add3A_187, %mul3A_239 : i32
      %add3A_241 = arith.constant 5 : i32
      %add3A_242 = arith.addi %mul3A_240, %add3A_241 : i32
      %mul3A_243 = arith.constant 16 : i32
      %mul3A_244 = arith.muli %add3A_242, %mul3A_243 : i32
      %get3A_245 = arith.index_cast %mul3A_244 : i32 to index
      %get3A_246 = tpu.vector_load %arg8[%get3A_245] {strides = array<i32>} : memref<8192xf32, #tpu.memory_space<vmem>>, vector<16xf32>,
      %get3A_247 = vector.shape_cast %get3A_246 : vector<16xf32> to vector<16xf32>
      %mul3A_248 = arith.constant 16 : i32
      %mul3A_249 = arith.muli %add3A_187, %mul3A_248 : i32
      %add3A_250 = arith.constant 6 : i32
      %add3A_251 = arith.addi %mul3A_249, %add3A_250 : i32
      %mul3A_252 = arith.constant 16 : i32
      %mul3A_253 = arith.muli %add3A_251, %mul3A_252 : i32
      %get3A_254 = arith.index_cast %mul3A_253 : i32 to index
      %get3A_255 = tpu.vector_load %arg8[%get3A_254] {strides = array<i32>} : memref<8192xf32, #tpu.memory_space<vmem>>, vector<16xf32>,
      %get3A_256 = vector.shape_cast %get3A_255 : vector<16xf32> to vector<16xf32>
      %mul3A_257 = arith.constant 16 : i32
      %mul3A_258 = arith.muli %add3A_187, %mul3A_257 : i32
      %add3A_259 = arith.constant 7 : i32
      %add3A_260 = arith.addi %mul3A_258, %add3A_259 : i32
      %mul3A_261 = arith.constant 16 : i32
      %mul3A_262 = arith.muli %add3A_260, %mul3A_261 : i32
      %get3A_263 = arith.index_cast %mul3A_262 : i32 to index
      %get3A_264 = tpu.vector_load %arg8[%get3A_263] {strides = array<i32>} : memref<8192xf32, #tpu.memory_space<vmem>>, vector<16xf32>,
      %get3A_265 = vector.shape_cast %get3A_264 : vector<16xf32> to vector<16xf32>
      %mul3A_266 = arith.constant 16 : i32
      %mul3A_267 = arith.muli %add3A_187, %mul3A_266 : i32
      %add3A_268 = arith.constant 8 : i32
      %add3A_269 = arith.addi %mul3A_267, %add3A_268 : i32
      %mul3A_270 = arith.constant 16 : i32
      %mul3A_271 = arith.muli %add3A_269, %mul3A_270 : i32
      %get3A_272 = arith.index_cast %mul3A_271 : i32 to index
      %get3A_273 = tpu.vector_load %arg8[%get3A_272] {strides = array<i32>} : memref<8192xf32, #tpu.memory_space<vmem>>, vector<16xf32>,
      %get3A_274 = vector.shape_cast %get3A_273 : vector<16xf32> to vector<16xf32>
      %mul3A_275 = arith.constant 16 : i32
      %mul3A_276 = arith.muli %add3A_187, %mul3A_275 : i32
      %add3A_277 = arith.constant 9 : i32
      %add3A_278 = arith.addi %mul3A_276, %add3A_277 : i32
      %mul3A_279 = arith.constant 16 : i32
      %mul3A_280 = arith.muli %add3A_278, %mul3A_279 : i32
      %get3A_281 = arith.index_cast %mul3A_280 : i32 to index
      %get3A_282 = tpu.vector_load %arg8[%get3A_281] {strides = array<i32>} : memref<8192xf32, #tpu.memory_space<vmem>>, vector<16xf32>,
      %get3A_283 = vector.shape_cast %get3A_282 : vector<16xf32> to vector<16xf32>
      %mul3A_284 = arith.constant 16 : i32
      %mul3A_285 = arith.muli %add3A_187, %mul3A_284 : i32
      %add3A_286 = arith.constant 10 : i32
      %add3A_287 = arith.addi %mul3A_285, %add3A_286 : i32
      %mul3A_288 = arith.constant 16 : i32
      %mul3A_289 = arith.muli %add3A_287, %mul3A_288 : i32
      %get3A_290 = arith.index_cast %mul3A_289 : i32 to index
      %get3A_291 = tpu.vector_load %arg8[%get3A_290] {strides = array<i32>} : memref<8192xf32, #tpu.memory_space<vmem>>, vector<16xf32>,
      %get3A_292 = vector.shape_cast %get3A_291 : vector<16xf32> to vector<16xf32>
      %mul3A_293 = arith.constant 16 : i32
      %mul3A_294 = arith.muli %add3A_187, %mul3A_293 : i32
      %add3A_295 = arith.constant 11 : i32
      %add3A_296 = arith.addi %mul3A_294, %add3A_295 : i32
      %mul3A_297 = arith.constant 16 : i32
      %mul3A_298 = arith.muli %add3A_296, %mul3A_297 : i32
      %get3A_299 = arith.index_cast %mul3A_298 : i32 to index
      %get3A_300 = tpu.vector_load %arg8[%get3A_299] {strides = array<i32>} : memref<8192xf32, #tpu.memory_space<vmem>>, vector<16xf32>,
      %get3A_301 = vector.shape_cast %get3A_300 : vector<16xf32> to vector<16xf32>
      %mul3A_302 = arith.constant 16 : i32
      %mul3A_303 = arith.muli %add3A_187, %mul3A_302 : i32
      %add3A_304 = arith.constant 12 : i32
      %add3A_305 = arith.addi %mul3A_303, %add3A_304 : i32
      %mul3A_306 = arith.constant 16 : i32
      %mul3A_307 = arith.muli %add3A_305, %mul3A_306 : i32
      %get3A_308 = arith.index_cast %mul3A_307 : i32 to index
      %get3A_309 = tpu.vector_load %arg8[%get3A_308] {strides = array<i32>} : memref<8192xf32, #tpu.memory_space<vmem>>, vector<16xf32>,
      %get3A_310 = vector.shape_cast %get3A_309 : vector<16xf32> to vector<16xf32>
      %mul3A_311 = arith.constant 16 : i32
      %mul3A_312 = arith.muli %add3A_187, %mul3A_311 : i32
      %add3A_313 = arith.constant 13 : i32
      %add3A_314 = arith.addi %mul3A_312, %add3A_313 : i32
      %mul3A_315 = arith.constant 16 : i32
      %mul3A_316 = arith.muli %add3A_314, %mul3A_315 : i32
      %get3A_317 = arith.index_cast %mul3A_316 : i32 to index
      %get3A_318 = tpu.vector_load %arg8[%get3A_317] {strides = array<i32>} : memref<8192xf32, #tpu.memory_space<vmem>>, vector<16xf32>,
      %get3A_319 = vector.shape_cast %get3A_318 : vector<16xf32> to vector<16xf32>
      %mul3A_320 = arith.constant 16 : i32
      %mul3A_321 = arith.muli %add3A_187, %mul3A_320 : i32
      %add3A_322 = arith.constant 14 : i32
      %add3A_323 = arith.addi %mul3A_321, %add3A_322 : i32
      %mul3A_324 = arith.constant 16 : i32
      %mul3A_325 = arith.muli %add3A_323, %mul3A_324 : i32
      %get3A_326 = arith.index_cast %mul3A_325 : i32 to index
      %get3A_327 = tpu.vector_load %arg8[%get3A_326] {strides = array<i32>} : memref<8192xf32, #tpu.memory_space<vmem>>, vector<16xf32>,
      %get3A_328 = vector.shape_cast %get3A_327 : vector<16xf32> to vector<16xf32>
      %mul3A_329 = arith.constant 16 : i32
      %mul3A_330 = arith.muli %add3A_187, %mul3A_329 : i32
      %add3A_331 = arith.constant 15 : i32
      %add3A_332 = arith.addi %mul3A_330, %add3A_331 : i32
      %mul3A_333 = arith.constant 16 : i32
      %mul3A_334 = arith.muli %add3A_332, %mul3A_333 : i32
      %get3A_335 = arith.index_cast %mul3A_334 : i32 to index
      %get3A_336 = tpu.vector_load %arg8[%get3A_335] {strides = array<i32>} : memref<8192xf32, #tpu.memory_space<vmem>>, vector<16xf32>,
      %get3A_337 = vector.shape_cast %get3A_336 : vector<16xf32> to vector<16xf32>
      %scan3A_338 = arith.constant 0 : i32
      %scan3A_339 = arith.constant 0 : i32
      %scan3A_340 = arith.constant 128 : i32
      %scan3A_341 = arith.addi %scan3A_339, %scan3A_340 : i32
      %scan3A_342 = arith.constant 1 : i32
      scf.for %scan3A_356 = %scan3A_339 to %scan3A_341 step %scan3A_342  : i32 {
        %mul3A_357 = arith.constant 16 : i32
        %mul3A_358 = arith.muli %scan3A_356, %mul3A_357 : i32
        %get3A_359 = arith.index_cast %mul3A_358 : i32 to index
        %get3A_360 = tpu.vector_load %arg12[%get3A_359] {strides = array<i32>} : memref<2048xf32, #tpu.memory_space<vmem>>, vector<16xf32>,
        %get3A_361 = vector.shape_cast %get3A_360 : vector<16xf32> to vector<16xf32>
        %get3A_362 = arith.constant 0 : i32
        %get3A_363 = arith.index_cast %get3A_362 : i32 to index
        %get3A_364 = arith.index_cast %mul3A_358 : i32 to index
        %get3A_365 = tpu.vector_load %arg10[%get3A_363, %get3A_364] {strides = array<i32>} : memref<16x2048xf32, #tpu.memory_space<vmem>>, vector<1x16xf32>,
        %get3A_366 = vector.shape_cast %get3A_365 : vector<1x16xf32> to vector<16xf32>
        %mul3A_367 = arith.mulf %get3A_202, %get3A_366 : vector<16xf32>
        %add3A_368 = arith.addf %get3A_361, %mul3A_367 : vector<16xf32>
        %get3A_369 = arith.constant 1 : i32
        %get3A_370 = arith.index_cast %get3A_369 : i32 to index
        %get3A_371 = arith.index_cast %mul3A_358 : i32 to index
        %get3A_372 = tpu.vector_load %arg10[%get3A_370, %get3A_371] {strides = array<i32>} : memref<16x2048xf32, #tpu.memory_space<vmem>>, vector<1x16xf32>,
        %get3A_373 = vector.shape_cast %get3A_372 : vector<1x16xf32> to vector<16xf32>
        %mul3A_374 = arith.mulf %get3A_211, %get3A_373 : vector<16xf32>
        %add3A_375 = arith.addf %add3A_368, %mul3A_374 : vector<16xf32>
        %get3A_376 = arith.constant 2 : i32
        %get3A_377 = arith.index_cast %get3A_376 : i32 to index
        %get3A_378 = arith.index_cast %mul3A_358 : i32 to index
        %get3A_379 = tpu.vector_load %arg10[%get3A_377, %get3A_378] {strides = array<i32>} : memref<16x2048xf32, #tpu.memory_space<vmem>>, vector<1x16xf32>,
        %get3A_380 = vector.shape_cast %get3A_379 : vector<1x16xf32> to vector<16xf32>
        %mul3A_381 = arith.mulf %get3A_220, %get3A_380 : vector<16xf32>
        %add3A_382 = arith.addf %add3A_375, %mul3A_381 : vector<16xf32>
        %get3A_383 = arith.constant 3 : i32
        %get3A_384 = arith.index_cast %get3A_383 : i32 to index
        %get3A_385 = arith.index_cast %mul3A_358 : i32 to index
        %get3A_386 = tpu.vector_load %arg10[%get3A_384, %get3A_385] {strides = array<i32>} : memref<16x2048xf32, #tpu.memory_space<vmem>>, vector<1x16xf32>,
        %get3A_387 = vector.shape_cast %get3A_386 : vector<1x16xf32> to vector<16xf32>
        %mul3A_388 = arith.mulf %get3A_229, %get3A_387 : vector<16xf32>
        %add3A_389 = arith.addf %add3A_382, %mul3A_388 : vector<16xf32>
        %get3A_390 = arith.constant 4 : i32
        %get3A_391 = arith.index_cast %get3A_390 : i32 to index
        %get3A_392 = arith.index_cast %mul3A_358 : i32 to index
        %get3A_393 = tpu.vector_load %arg10[%get3A_391, %get3A_392] {strides = array<i32>} : memref<16x2048xf32, #tpu.memory_space<vmem>>, vector<1x16xf32>,
        %get3A_394 = vector.shape_cast %get3A_393 : vector<1x16xf32> to vector<16xf32>
        %mul3A_395 = arith.mulf %get3A_238, %get3A_394 : vector<16xf32>
        %add3A_396 = arith.addf %add3A_389, %mul3A_395 : vector<16xf32>
        %get3A_397 = arith.constant 5 : i32
        %get3A_398 = arith.index_cast %get3A_397 : i32 to index
        %get3A_399 = arith.index_cast %mul3A_358 : i32 to index
        %get3A_400 = tpu.vector_load %arg10[%get3A_398, %get3A_399] {strides = array<i32>} : memref<16x2048xf32, #tpu.memory_space<vmem>>, vector<1x16xf32>,
        %get3A_401 = vector.shape_cast %get3A_400 : vector<1x16xf32> to vector<16xf32>
        %mul3A_402 = arith.mulf %get3A_247, %get3A_401 : vector<16xf32>
        %add3A_403 = arith.addf %add3A_396, %mul3A_402 : vector<16xf32>
        %get3A_404 = arith.constant 6 : i32
        %get3A_405 = arith.index_cast %get3A_404 : i32 to index
        %get3A_406 = arith.index_cast %mul3A_358 : i32 to index
        %get3A_407 = tpu.vector_load %arg10[%get3A_405, %get3A_406] {strides = array<i32>} : memref<16x2048xf32, #tpu.memory_space<vmem>>, vector<1x16xf32>,
        %get3A_408 = vector.shape_cast %get3A_407 : vector<1x16xf32> to vector<16xf32>
        %mul3A_409 = arith.mulf %get3A_256, %get3A_408 : vector<16xf32>
        %add3A_410 = arith.addf %add3A_403, %mul3A_409 : vector<16xf32>
        %get3A_411 = arith.constant 7 : i32
        %get3A_412 = arith.index_cast %get3A_411 : i32 to index
        %get3A_413 = arith.index_cast %mul3A_358 : i32 to index
        %get3A_414 = tpu.vector_load %arg10[%get3A_412, %get3A_413] {strides = array<i32>} : memref<16x2048xf32, #tpu.memory_space<vmem>>, vector<1x16xf32>,
        %get3A_415 = vector.shape_cast %get3A_414 : vector<1x16xf32> to vector<16xf32>
        %mul3A_416 = arith.mulf %get3A_265, %get3A_415 : vector<16xf32>
        %add3A_417 = arith.addf %add3A_410, %mul3A_416 : vector<16xf32>
        %get3A_418 = arith.constant 8 : i32
        %get3A_419 = arith.index_cast %get3A_418 : i32 to index
        %get3A_420 = arith.index_cast %mul3A_358 : i32 to index
        %get3A_421 = tpu.vector_load %arg10[%get3A_419, %get3A_420] {strides = array<i32>} : memref<16x2048xf32, #tpu.memory_space<vmem>>, vector<1x16xf32>,
        %get3A_422 = vector.shape_cast %get3A_421 : vector<1x16xf32> to vector<16xf32>
        %mul3A_423 = arith.mulf %get3A_274, %get3A_422 : vector<16xf32>
        %add3A_424 = arith.addf %add3A_417, %mul3A_423 : vector<16xf32>
        %get3A_425 = arith.constant 9 : i32
        %get3A_426 = arith.index_cast %get3A_425 : i32 to index
        %get3A_427 = arith.index_cast %mul3A_358 : i32 to index
        %get3A_428 = tpu.vector_load %arg10[%get3A_426, %get3A_427] {strides = array<i32>} : memref<16x2048xf32, #tpu.memory_space<vmem>>, vector<1x16xf32>,
        %get3A_429 = vector.shape_cast %get3A_428 : vector<1x16xf32> to vector<16xf32>
        %mul3A_430 = arith.mulf %get3A_283, %get3A_429 : vector<16xf32>
        %add3A_431 = arith.addf %add3A_424, %mul3A_430 : vector<16xf32>
        %get3A_432 = arith.constant 10 : i32
        %get3A_433 = arith.index_cast %get3A_432 : i32 to index
        %get3A_434 = arith.index_cast %mul3A_358 : i32 to index
        %get3A_435 = tpu.vector_load %arg10[%get3A_433, %get3A_434] {strides = array<i32>} : memref<16x2048xf32, #tpu.memory_space<vmem>>, vector<1x16xf32>,
        %get3A_436 = vector.shape_cast %get3A_435 : vector<1x16xf32> to vector<16xf32>
        %mul3A_437 = arith.mulf %get3A_292, %get3A_436 : vector<16xf32>
        %add3A_438 = arith.addf %add3A_431, %mul3A_437 : vector<16xf32>
        %get3A_439 = arith.constant 11 : i32
        %get3A_440 = arith.index_cast %get3A_439 : i32 to index
        %get3A_441 = arith.index_cast %mul3A_358 : i32 to index
        %get3A_442 = tpu.vector_load %arg10[%get3A_440, %get3A_441] {strides = array<i32>} : memref<16x2048xf32, #tpu.memory_space<vmem>>, vector<1x16xf32>,
        %get3A_443 = vector.shape_cast %get3A_442 : vector<1x16xf32> to vector<16xf32>
        %mul3A_444 = arith.mulf %get3A_301, %get3A_443 : vector<16xf32>
        %add3A_445 = arith.addf %add3A_438, %mul3A_444 : vector<16xf32>
        %get3A_446 = arith.constant 12 : i32
        %get3A_447 = arith.index_cast %get3A_446 : i32 to index
        %get3A_448 = arith.index_cast %mul3A_358 : i32 to index
        %get3A_449 = tpu.vector_load %arg10[%get3A_447, %get3A_448] {strides = array<i32>} : memref<16x2048xf32, #tpu.memory_space<vmem>>, vector<1x16xf32>,
        %get3A_450 = vector.shape_cast %get3A_449 : vector<1x16xf32> to vector<16xf32>
        %mul3A_451 = arith.mulf %get3A_310, %get3A_450 : vector<16xf32>
        %add3A_452 = arith.addf %add3A_445, %mul3A_451 : vector<16xf32>
        %get3A_453 = arith.constant 13 : i32
        %get3A_454 = arith.index_cast %get3A_453 : i32 to index
        %get3A_455 = arith.index_cast %mul3A_358 : i32 to index
        %get3A_456 = tpu.vector_load %arg10[%get3A_454, %get3A_455] {strides = array<i32>} : memref<16x2048xf32, #tpu.memory_space<vmem>>, vector<1x16xf32>,
        %get3A_457 = vector.shape_cast %get3A_456 : vector<1x16xf32> to vector<16xf32>
        %mul3A_458 = arith.mulf %get3A_319, %get3A_457 : vector<16xf32>
        %add3A_459 = arith.addf %add3A_452, %mul3A_458 : vector<16xf32>
        %get3A_460 = arith.constant 14 : i32
        %get3A_461 = arith.index_cast %get3A_460 : i32 to index
        %get3A_462 = arith.index_cast %mul3A_358 : i32 to index
        %get3A_463 = tpu.vector_load %arg10[%get3A_461, %get3A_462] {strides = array<i32>} : memref<16x2048xf32, #tpu.memory_space<vmem>>, vector<1x16xf32>,
        %get3A_464 = vector.shape_cast %get3A_463 : vector<1x16xf32> to vector<16xf32>
        %mul3A_465 = arith.mulf %get3A_328, %get3A_464 : vector<16xf32>
        %add3A_466 = arith.addf %add3A_459, %mul3A_465 : vector<16xf32>
        %get3A_467 = arith.constant 15 : i32
        %get3A_468 = arith.index_cast %get3A_467 : i32 to index
        %get3A_469 = arith.index_cast %mul3A_358 : i32 to index
        %get3A_470 = tpu.vector_load %arg10[%get3A_468, %get3A_469] {strides = array<i32>} : memref<16x2048xf32, #tpu.memory_space<vmem>>, vector<1x16xf32>,
        %get3A_471 = vector.shape_cast %get3A_470 : vector<1x16xf32> to vector<16xf32>
        %mul3A_472 = arith.mulf %get3A_337, %get3A_471 : vector<16xf32>
        %add3A_473 = arith.addf %add3A_466, %mul3A_472 : vector<16xf32>
        %swap3A = arith.index_cast %mul3A_358 : i32 to index
        %swap3A_474 = tpu.vector_load %arg12[%swap3A] {strides = array<i32>} : memref<2048xf32, #tpu.memory_space<vmem>>, vector<16xf32>,
        %swap3A_475 = vector.shape_cast %swap3A_474 : vector<16xf32> to vector<16xf32>
        %swap3A_476 = vector.shape_cast %add3A_473 : vector<16xf32> to vector<16xf32>
        tpu.vector_store %arg12[%swap3A], %swap3A_476 {strides = array<i32>} : memref<2048xf32, #tpu.memory_space<vmem>>, vector<16xf32>,
      }
      %scan3A_343 = arith.constant 128 : i32
      %add3A_344 = arith.constant 1 : i32
      %add3A_345 = arith.addi %scan3A_21, %add3A_344 : i32
      %lt3A_346 = arith.constant 16 : i32
      %lt3A_347 = arith.cmpi slt, %add3A_345, %lt3A_346 : i32
      %convert_element_type3A_348 = arith.extui %lt3A_347 : i1 to i32
      %cond3A_349 = arith.constant 0 : i32
      %cond3A_350 = arith.cmpi ne, %convert_element_type3A_348, %cond3A_349 : i32
      scf.if %cond3A_350 {
        %add3A_356 = arith.constant 2 : i32
        %add3A_357 = arith.addi %add3A_187, %add3A_356 : i32
        %mul3A_358 = arith.constant 16 : i32
        %mul3A_359 = arith.muli %add3A_357, %mul3A_358 : i32
        %dma_start3A_360 = tpu.memref_slice %arg7[%mul3A_359] : memref<512xi32, #tpu.memory_space<vmem>> -> memref<16xi32, #tpu.memory_space<vmem>>
        %dma_start3A_361 = arith.constant 0 : i32
        %dma_start3A_362 = arith.constant 0 : i32
        %dma_start3A_363 = tpu.memref_slice %arg4[%dma_start3A_361, %dma_start3A_362] : memref<32768x2048xf32, #tpu.memory_space<hbm>> -> memref<32768x2048xf32, #tpu.memory_space<hbm>>
        tpu.enqueue_indirect_dma source(%dma_start3A_363 : memref<32768x2048xf32, #tpu.memory_space<hbm>>) target(%arg10 : memref<16x2048xf32, #tpu.memory_space<vmem>>) offsets(%dma_start3A_360 : memref<16xi32, #tpu.memory_space<vmem>>) semaphore(%arg14 : memref<!tpu.dma_semaphore, #tpu.memory_space<semaphore_mem>>)
      } else {
      }
      %mul3A_351 = arith.constant 16 : i32
      %mul3A_352 = arith.muli %add3A, %mul3A_351 : i32
      %add3A_353 = arith.addi %mul3A_352, %scan3A_21 : i32
      %mul3A_354 = arith.constant 2048 : i32
      %mul3A_355 = arith.muli %add3A_353, %mul3A_354 : i32
      "tpu.region"() ({
        %run_scoped3A = tpu.sem_alloc : memref<!tpu.dma_semaphore, #tpu.memory_space<semaphore_mem>>
        %dma_start3A_356 = tpu.memref_slice %arg6[%mul3A_355] : memref<1048576xf32, #tpu.memory_space<hbm>> -> memref<2048xf32, #tpu.memory_space<hbm>>
        %dma_start3A_357 = tpu.memref_slice %arg6[%mul3A_355] : memref<1048576xf32, #tpu.memory_space<hbm>> -> memref<2048xf32, #tpu.memory_space<hbm>>
        tpu.enqueue_dma source(%arg12 : memref<2048xf32, #tpu.memory_space<vmem>>) target(%dma_start3A_357 : memref<2048xf32, #tpu.memory_space<hbm>>) target_semaphore(%run_scoped3A : memref<!tpu.dma_semaphore, #tpu.memory_space<semaphore_mem>>)
        %dma_wait3A_358 = tpu.memref_slice %arg6[%mul3A_355] : memref<1048576xf32, #tpu.memory_space<hbm>> -> memref<2048xf32, #tpu.memory_space<hbm>>
        %dma_wait3A_359 = tpu.memref_slice %arg6[%mul3A_355] : memref<1048576xf32, #tpu.memory_space<hbm>> -> memref<2048xf32, #tpu.memory_space<hbm>>
        tpu.wait_dma2 semaphore(%run_scoped3A : memref<!tpu.dma_semaphore, #tpu.memory_space<semaphore_mem>>) src(%arg12 : memref<2048xf32, #tpu.memory_space<vmem>>) dst(%dma_wait3A_359 : memref<2048xf32, #tpu.memory_space<hbm>>)
        tpu.yield
      }) : () -> ()
    }
    %scan3A_20 = arith.constant 16 : i32
    return
  }
}

#map = affine_map<(d0, d1) -> (0)>
#map1 = affine_map<(d0, d1) -> (0, 0)>
module attributes {stable_mosaic.version = 14 : i64} {
  func.func @_dec(%arg0: i32, %arg1: i32, %arg2: memref<262144xf32, #tpu.memory_space<hbm>>, %arg3: memref<16384xi32, #tpu.memory_space<hbm>>, %arg4: memref<32768x2048xf32, #tpu.memory_space<hbm>>, %arg5: memref<2048xf32, #tpu.memory_space<hbm>>, %arg6: memref<1048576xf32, #tpu.memory_space<hbm>>, %arg7: memref<512xi32, #tpu.memory_space<vmem>>, %arg8: memref<8192xf32, #tpu.memory_space<vmem>>, %arg9: memref<16x2048xf32, #tpu.memory_space<vmem>>, %arg10: memref<16x2048xf32, #tpu.memory_space<vmem>>, %arg11: memref<2048xf32, #tpu.memory_space<vmem>>, %arg12: memref<2048xf32, #tpu.memory_space<vmem>>, %arg13: memref<!tpu.dma_semaphore, #tpu.memory_space<semaphore_mem>>, %arg14: memref<!tpu.dma_semaphore, #tpu.memory_space<semaphore_mem>>) attributes {dimension_semantics = [#tpu.dimension_semantics<core_parallel>, #tpu.dimension_semantics<subcore_parallel>], iteration_bounds = array<i64: 2, 16>, scalar_prefetch = 0 : i64, scratch_operands = 8 : i64, tpu.core_type = #tpu.core_type<sc_vector_subcore>, window_params = [{transform_indices = #map}, {transform_indices = #map}, {transform_indices = #map1}, {transform_indices = #map}, {transform_indices = #map}]} {
    %mul3A = arith.constant 2 : i32
    %mul3A_0 = arith.muli %arg1, %mul3A : i32
    %add3A = arith.addi %mul3A_0, %arg0 : i32
    %mul3A_1 = arith.constant 16 : i32
    %mul3A_2 = arith.muli %add3A, %mul3A_1 : i32
    %mul3A_3 = arith.constant 32 : i32
    %mul3A_4 = arith.muli %mul3A_2, %mul3A_3 : i32
    "tpu.region"() ({
      %run_scoped3A = tpu.sem_alloc : memref<!tpu.dma_semaphore, #tpu.memory_space<semaphore_mem>>
      tpu.enqueue_dma source(%arg5 : memref<2048xf32, #tpu.memory_space<hbm>>) target(%arg11 : memref<2048xf32, #tpu.memory_space<vmem>>) target_semaphore(%run_scoped3A : memref<!tpu.dma_semaphore, #tpu.memory_space<semaphore_mem>>)
      tpu.wait_dma2 semaphore(%run_scoped3A : memref<!tpu.dma_semaphore, #tpu.memory_space<semaphore_mem>>) src(%arg5 : memref<2048xf32, #tpu.memory_space<hbm>>) dst(%arg11 : memref<2048xf32, #tpu.memory_space<vmem>>)
      tpu.yield
    }) : () -> ()
    "tpu.region"() ({
      %run_scoped3A = tpu.sem_alloc : memref<!tpu.dma_semaphore, #tpu.memory_space<semaphore_mem>>
      %dma_start3A_21 = tpu.memref_slice %arg3[%mul3A_4] : memref<16384xi32, #tpu.memory_space<hbm>> -> memref<512xi32, #tpu.memory_space<hbm>>
      %dma_start3A_22 = tpu.memref_slice %arg3[%mul3A_4] : memref<16384xi32, #tpu.memory_space<hbm>> -> memref<512xi32, #tpu.memory_space<hbm>>
      tpu.enqueue_dma source(%dma_start3A_22 : memref<512xi32, #tpu.memory_space<hbm>>) target(%arg7 : memref<512xi32, #tpu.memory_space<vmem>>) target_semaphore(%run_scoped3A : memref<!tpu.dma_semaphore, #tpu.memory_space<semaphore_mem>>)
      %dma_wait3A = tpu.memref_slice %arg3[%mul3A_4] : memref<16384xi32, #tpu.memory_space<hbm>> -> memref<512xi32, #tpu.memory_space<hbm>>
      %dma_wait3A_23 = tpu.memref_slice %arg3[%mul3A_4] : memref<16384xi32, #tpu.memory_space<hbm>> -> memref<512xi32, #tpu.memory_space<hbm>>
      tpu.wait_dma2 semaphore(%run_scoped3A : memref<!tpu.dma_semaphore, #tpu.memory_space<semaphore_mem>>) src(%dma_wait3A_23 : memref<512xi32, #tpu.memory_space<hbm>>) dst(%arg7 : memref<512xi32, #tpu.memory_space<vmem>>)
      tpu.yield
    }) : () -> ()
    %mul3A_5 = arith.constant 16 : i32
    %mul3A_6 = arith.muli %mul3A_4, %mul3A_5 : i32
    "tpu.region"() ({
      %run_scoped3A = tpu.sem_alloc : memref<!tpu.dma_semaphore, #tpu.memory_space<semaphore_mem>>
      %dma_start3A_21 = tpu.memref_slice %arg2[%mul3A_6] : memref<262144xf32, #tpu.memory_space<hbm>> -> memref<8192xf32, #tpu.memory_space<hbm>>
      %dma_start3A_22 = tpu.memref_slice %arg2[%mul3A_6] : memref<262144xf32, #tpu.memory_space<hbm>> -> memref<8192xf32, #tpu.memory_space<hbm>>
      tpu.enqueue_dma source(%dma_start3A_22 : memref<8192xf32, #tpu.memory_space<hbm>>) target(%arg8 : memref<8192xf32, #tpu.memory_space<vmem>>) target_semaphore(%run_scoped3A : memref<!tpu.dma_semaphore, #tpu.memory_space<semaphore_mem>>)
      %dma_wait3A = tpu.memref_slice %arg2[%mul3A_6] : memref<262144xf32, #tpu.memory_space<hbm>> -> memref<8192xf32, #tpu.memory_space<hbm>>
      %dma_wait3A_23 = tpu.memref_slice %arg2[%mul3A_6] : memref<262144xf32, #tpu.memory_space<hbm>> -> memref<8192xf32, #tpu.memory_space<hbm>>
      tpu.wait_dma2 semaphore(%run_scoped3A : memref<!tpu.dma_semaphore, #tpu.memory_space<semaphore_mem>>) src(%dma_wait3A_23 : memref<8192xf32, #tpu.memory_space<hbm>>) dst(%arg8 : memref<8192xf32, #tpu.memory_space<vmem>>)
      tpu.yield
    }) : () -> ()
    %dma_start3A = arith.constant 0 : i32
    %dma_start3A_7 = tpu.memref_slice %arg7[%dma_start3A] : memref<512xi32, #tpu.memory_space<vmem>> -> memref<16xi32, #tpu.memory_space<vmem>>
    %dma_start3A_8 = arith.constant 0 : i32
    %dma_start3A_9 = arith.constant 0 : i32
    %dma_start3A_10 = tpu.memref_slice %arg4[%dma_start3A_8, %dma_start3A_9] : memref<32768x2048xf32, #tpu.memory_space<hbm>> -> memref<32768x2048xf32, #tpu.memory_space<hbm>>
    tpu.enqueue_indirect_dma source(%dma_start3A_10 : memref<32768x2048xf32, #tpu.memory_space<hbm>>) target(%arg9 : memref<16x2048xf32, #tpu.memory_space<vmem>>) offsets(%dma_start3A_7 : memref<16xi32, #tpu.memory_space<vmem>>) semaphore(%arg13 : memref<!tpu.dma_semaphore, #tpu.memory_space<semaphore_mem>>)
    %dma_start3A_11 = arith.constant 16 : i32
    %dma_start3A_12 = tpu.memref_slice %arg7[%dma_start3A_11] : memref<512xi32, #tpu.memory_space<vmem>> -> memref<16xi32, #tpu.memory_space<vmem>>
    %dma_start3A_13 = arith.constant 0 : i32
    %dma_start3A_14 = arith.constant 0 : i32
    %dma_start3A_15 = tpu.memref_slice %arg4[%dma_start3A_13, %dma_start3A_14] : memref<32768x2048xf32, #tpu.memory_space<hbm>> -> memref<32768x2048xf32, #tpu.memory_space<hbm>>
    tpu.enqueue_indirect_dma source(%dma_start3A_15 : memref<32768x2048xf32, #tpu.memory_space<hbm>>) target(%arg10 : memref<16x2048xf32, #tpu.memory_space<vmem>>) offsets(%dma_start3A_12 : memref<16xi32, #tpu.memory_space<vmem>>) semaphore(%arg14 : memref<!tpu.dma_semaphore, #tpu.memory_space<semaphore_mem>>)
    %scan3A = arith.constant 0 : i32
    %scan3A_16 = arith.constant 0 : i32
    %scan3A_17 = arith.constant 16 : i32
    %scan3A_18 = arith.addi %scan3A_16, %scan3A_17 : i32
    %scan3A_19 = arith.constant 1 : i32
    scf.for %scan3A_21 = %scan3A_16 to %scan3A_18 step %scan3A_19  : i32 {
      %mul3A_22 = arith.constant 2 : i32
      %mul3A_23 = arith.muli %mul3A_22, %scan3A_21 : i32
      %add3A_24 = arith.constant 0 : i32
      %add3A_25 = arith.addi %mul3A_23, %add3A_24 : i32
      %dma_wait3A = arith.constant 0 : i32
      %dma_wait3A_26 = arith.constant 0 : i32
      %dma_wait3A_27 = tpu.memref_slice %arg4[%dma_wait3A, %dma_wait3A_26] : memref<32768x2048xf32, #tpu.memory_space<hbm>> -> memref<16x2048xf32, #tpu.memory_space<hbm>>
      %dma_wait3A_28 = arith.constant 0 : i32
      %dma_wait3A_29 = arith.constant 0 : i32
      %dma_wait3A_30 = tpu.memref_slice %arg4[%dma_wait3A_28, %dma_wait3A_29] : memref<32768x2048xf32, #tpu.memory_space<hbm>> -> memref<16x2048xf32, #tpu.memory_space<hbm>>
      tpu.wait_dma2 semaphore(%arg13 : memref<!tpu.dma_semaphore, #tpu.memory_space<semaphore_mem>>) src(%dma_wait3A_30 : memref<16x2048xf32, #tpu.memory_space<hbm>>) dst(%arg9 : memref<16x2048xf32, #tpu.memory_space<vmem>>)
      %mul3A_31 = arith.constant 16 : i32
      %mul3A_32 = arith.muli %add3A_25, %mul3A_31 : i32
      %add3A_33 = arith.constant 0 : i32
      %add3A_34 = arith.addi %mul3A_32, %add3A_33 : i32
      %mul3A_35 = arith.constant 16 : i32
      %mul3A_36 = arith.muli %add3A_34, %mul3A_35 : i32
      %get3A = arith.index_cast %mul3A_36 : i32 to index
      %get3A_37 = tpu.vector_load %arg8[%get3A] {strides = array<i32>} : memref<8192xf32, #tpu.memory_space<vmem>>, vector<16xf32>,
      %get3A_38 = vector.shape_cast %get3A_37 : vector<16xf32> to vector<16xf32>
      %mul3A_39 = arith.constant 16 : i32
      %mul3A_40 = arith.muli %add3A_25, %mul3A_39 : i32
      %add3A_41 = arith.constant 1 : i32
      %add3A_42 = arith.addi %mul3A_40, %add3A_41 : i32
      %mul3A_43 = arith.constant 16 : i32
      %mul3A_44 = arith.muli %add3A_42, %mul3A_43 : i32
      %get3A_45 = arith.index_cast %mul3A_44 : i32 to index
      %get3A_46 = tpu.vector_load %arg8[%get3A_45] {strides = array<i32>} : memref<8192xf32, #tpu.memory_space<vmem>>, vector<16xf32>,
      %get3A_47 = vector.shape_cast %get3A_46 : vector<16xf32> to vector<16xf32>
      %mul3A_48 = arith.constant 16 : i32
      %mul3A_49 = arith.muli %add3A_25, %mul3A_48 : i32
      %add3A_50 = arith.constant 2 : i32
      %add3A_51 = arith.addi %mul3A_49, %add3A_50 : i32
      %mul3A_52 = arith.constant 16 : i32
      %mul3A_53 = arith.muli %add3A_51, %mul3A_52 : i32
      %get3A_54 = arith.index_cast %mul3A_53 : i32 to index
      %get3A_55 = tpu.vector_load %arg8[%get3A_54] {strides = array<i32>} : memref<8192xf32, #tpu.memory_space<vmem>>, vector<16xf32>,
      %get3A_56 = vector.shape_cast %get3A_55 : vector<16xf32> to vector<16xf32>
      %mul3A_57 = arith.constant 16 : i32
      %mul3A_58 = arith.muli %add3A_25, %mul3A_57 : i32
      %add3A_59 = arith.constant 3 : i32
      %add3A_60 = arith.addi %mul3A_58, %add3A_59 : i32
      %mul3A_61 = arith.constant 16 : i32
      %mul3A_62 = arith.muli %add3A_60, %mul3A_61 : i32
      %get3A_63 = arith.index_cast %mul3A_62 : i32 to index
      %get3A_64 = tpu.vector_load %arg8[%get3A_63] {strides = array<i32>} : memref<8192xf32, #tpu.memory_space<vmem>>, vector<16xf32>,
      %get3A_65 = vector.shape_cast %get3A_64 : vector<16xf32> to vector<16xf32>
      %mul3A_66 = arith.constant 16 : i32
      %mul3A_67 = arith.muli %add3A_25, %mul3A_66 : i32
      %add3A_68 = arith.constant 4 : i32
      %add3A_69 = arith.addi %mul3A_67, %add3A_68 : i32
      %mul3A_70 = arith.constant 16 : i32
      %mul3A_71 = arith.muli %add3A_69, %mul3A_70 : i32
      %get3A_72 = arith.index_cast %mul3A_71 : i32 to index
      %get3A_73 = tpu.vector_load %arg8[%get3A_72] {strides = array<i32>} : memref<8192xf32, #tpu.memory_space<vmem>>, vector<16xf32>,
      %get3A_74 = vector.shape_cast %get3A_73 : vector<16xf32> to vector<16xf32>
      %mul3A_75 = arith.constant 16 : i32
      %mul3A_76 = arith.muli %add3A_25, %mul3A_75 : i32
      %add3A_77 = arith.constant 5 : i32
      %add3A_78 = arith.addi %mul3A_76, %add3A_77 : i32
      %mul3A_79 = arith.constant 16 : i32
      %mul3A_80 = arith.muli %add3A_78, %mul3A_79 : i32
      %get3A_81 = arith.index_cast %mul3A_80 : i32 to index
      %get3A_82 = tpu.vector_load %arg8[%get3A_81] {strides = array<i32>} : memref<8192xf32, #tpu.memory_space<vmem>>, vector<16xf32>,
      %get3A_83 = vector.shape_cast %get3A_82 : vector<16xf32> to vector<16xf32>
      %mul3A_84 = arith.constant 16 : i32
      %mul3A_85 = arith.muli %add3A_25, %mul3A_84 : i32
      %add3A_86 = arith.constant 6 : i32
      %add3A_87 = arith.addi %mul3A_85, %add3A_86 : i32
      %mul3A_88 = arith.constant 16 : i32
      %mul3A_89 = arith.muli %add3A_87, %mul3A_88 : i32
      %get3A_90 = arith.index_cast %mul3A_89 : i32 to index
      %get3A_91 = tpu.vector_load %arg8[%get3A_90] {strides = array<i32>} : memref<8192xf32, #tpu.memory_space<vmem>>, vector<16xf32>,
      %get3A_92 = vector.shape_cast %get3A_91 : vector<16xf32> to vector<16xf32>
      %mul3A_93 = arith.constant 16 : i32
      %mul3A_94 = arith.muli %add3A_25, %mul3A_93 : i32
      %add3A_95 = arith.constant 7 : i32
      %add3A_96 = arith.addi %mul3A_94, %add3A_95 : i32
      %mul3A_97 = arith.constant 16 : i32
      %mul3A_98 = arith.muli %add3A_96, %mul3A_97 : i32
      %get3A_99 = arith.index_cast %mul3A_98 : i32 to index
      %get3A_100 = tpu.vector_load %arg8[%get3A_99] {strides = array<i32>} : memref<8192xf32, #tpu.memory_space<vmem>>, vector<16xf32>,
      %get3A_101 = vector.shape_cast %get3A_100 : vector<16xf32> to vector<16xf32>
      %mul3A_102 = arith.constant 16 : i32
      %mul3A_103 = arith.muli %add3A_25, %mul3A_102 : i32
      %add3A_104 = arith.constant 8 : i32
      %add3A_105 = arith.addi %mul3A_103, %add3A_104 : i32
      %mul3A_106 = arith.constant 16 : i32
      %mul3A_107 = arith.muli %add3A_105, %mul3A_106 : i32
      %get3A_108 = arith.index_cast %mul3A_107 : i32 to index
      %get3A_109 = tpu.vector_load %arg8[%get3A_108] {strides = array<i32>} : memref<8192xf32, #tpu.memory_space<vmem>>, vector<16xf32>,
      %get3A_110 = vector.shape_cast %get3A_109 : vector<16xf32> to vector<16xf32>
      %mul3A_111 = arith.constant 16 : i32
      %mul3A_112 = arith.muli %add3A_25, %mul3A_111 : i32
      %add3A_113 = arith.constant 9 : i32
      %add3A_114 = arith.addi %mul3A_112, %add3A_113 : i32
      %mul3A_115 = arith.constant 16 : i32
      %mul3A_116 = arith.muli %add3A_114, %mul3A_115 : i32
      %get3A_117 = arith.index_cast %mul3A_116 : i32 to index
      %get3A_118 = tpu.vector_load %arg8[%get3A_117] {strides = array<i32>} : memref<8192xf32, #tpu.memory_space<vmem>>, vector<16xf32>,
      %get3A_119 = vector.shape_cast %get3A_118 : vector<16xf32> to vector<16xf32>
      %mul3A_120 = arith.constant 16 : i32
      %mul3A_121 = arith.muli %add3A_25, %mul3A_120 : i32
      %add3A_122 = arith.constant 10 : i32
      %add3A_123 = arith.addi %mul3A_121, %add3A_122 : i32
      %mul3A_124 = arith.constant 16 : i32
      %mul3A_125 = arith.muli %add3A_123, %mul3A_124 : i32
      %get3A_126 = arith.index_cast %mul3A_125 : i32 to index
      %get3A_127 = tpu.vector_load %arg8[%get3A_126] {strides = array<i32>} : memref<8192xf32, #tpu.memory_space<vmem>>, vector<16xf32>,
      %get3A_128 = vector.shape_cast %get3A_127 : vector<16xf32> to vector<16xf32>
      %mul3A_129 = arith.constant 16 : i32
      %mul3A_130 = arith.muli %add3A_25, %mul3A_129 : i32
      %add3A_131 = arith.constant 11 : i32
      %add3A_132 = arith.addi %mul3A_130, %add3A_131 : i32
      %mul3A_133 = arith.constant 16 : i32
      %mul3A_134 = arith.muli %add3A_132, %mul3A_133 : i32
      %get3A_135 = arith.index_cast %mul3A_134 : i32 to index
      %get3A_136 = tpu.vector_load %arg8[%get3A_135] {strides = array<i32>} : memref<8192xf32, #tpu.memory_space<vmem>>, vector<16xf32>,
      %get3A_137 = vector.shape_cast %get3A_136 : vector<16xf32> to vector<16xf32>
      %mul3A_138 = arith.constant 16 : i32
      %mul3A_139 = arith.muli %add3A_25, %mul3A_138 : i32
      %add3A_140 = arith.constant 12 : i32
      %add3A_141 = arith.addi %mul3A_139, %add3A_140 : i32
      %mul3A_142 = arith.constant 16 : i32
      %mul3A_143 = arith.muli %add3A_141, %mul3A_142 : i32
      %get3A_144 = arith.index_cast %mul3A_143 : i32 to index
      %get3A_145 = tpu.vector_load %arg8[%get3A_144] {strides = array<i32>} : memref<8192xf32, #tpu.memory_space<vmem>>, vector<16xf32>,
      %get3A_146 = vector.shape_cast %get3A_145 : vector<16xf32> to vector<16xf32>
      %mul3A_147 = arith.constant 16 : i32
      %mul3A_148 = arith.muli %add3A_25, %mul3A_147 : i32
      %add3A_149 = arith.constant 13 : i32
      %add3A_150 = arith.addi %mul3A_148, %add3A_149 : i32
      %mul3A_151 = arith.constant 16 : i32
      %mul3A_152 = arith.muli %add3A_150, %mul3A_151 : i32
      %get3A_153 = arith.index_cast %mul3A_152 : i32 to index
      %get3A_154 = tpu.vector_load %arg8[%get3A_153] {strides = array<i32>} : memref<8192xf32, #tpu.memory_space<vmem>>, vector<16xf32>,
      %get3A_155 = vector.shape_cast %get3A_154 : vector<16xf32> to vector<16xf32>
      %mul3A_156 = arith.constant 16 : i32
      %mul3A_157 = arith.muli %add3A_25, %mul3A_156 : i32
      %add3A_158 = arith.constant 14 : i32
      %add3A_159 = arith.addi %mul3A_157, %add3A_158 : i32
      %mul3A_160 = arith.constant 16 : i32
      %mul3A_161 = arith.muli %add3A_159, %mul3A_160 : i32
      %get3A_162 = arith.index_cast %mul3A_161 : i32 to index
      %get3A_163 = tpu.vector_load %arg8[%get3A_162] {strides = array<i32>} : memref<8192xf32, #tpu.memory_space<vmem>>, vector<16xf32>,
      %get3A_164 = vector.shape_cast %get3A_163 : vector<16xf32> to vector<16xf32>
      %mul3A_165 = arith.constant 16 : i32
      %mul3A_166 = arith.muli %add3A_25, %mul3A_165 : i32
      %add3A_167 = arith.constant 15 : i32
      %add3A_168 = arith.addi %mul3A_166, %add3A_167 : i32
      %mul3A_169 = arith.constant 16 : i32
      %mul3A_170 = arith.muli %add3A_168, %mul3A_169 : i32
      %get3A_171 = arith.index_cast %mul3A_170 : i32 to index
      %get3A_172 = tpu.vector_load %arg8[%get3A_171] {strides = array<i32>} : memref<8192xf32, #tpu.memory_space<vmem>>, vector<16xf32>,
      %get3A_173 = vector.shape_cast %get3A_172 : vector<16xf32> to vector<16xf32>
      %scan3A_174 = arith.constant 0 : i32
      %scan3A_175 = arith.constant 0 : i32
      %scan3A_176 = arith.constant 128 : i32
      %scan3A_177 = arith.addi %scan3A_175, %scan3A_176 : i32
      %scan3A_178 = arith.constant 1 : i32
      scf.for %scan3A_356 = %scan3A_175 to %scan3A_177 step %scan3A_178  : i32 {
        %mul3A_357 = arith.constant 16 : i32
        %mul3A_358 = arith.muli %scan3A_356, %mul3A_357 : i32
        %get3A_359 = arith.index_cast %mul3A_358 : i32 to index
        %get3A_360 = tpu.vector_load %arg11[%get3A_359] {strides = array<i32>} : memref<2048xf32, #tpu.memory_space<vmem>>, vector<16xf32>,
        %get3A_361 = vector.shape_cast %get3A_360 : vector<16xf32> to vector<16xf32>
        %get3A_362 = arith.constant 0 : i32
        %get3A_363 = arith.index_cast %get3A_362 : i32 to index
        %get3A_364 = arith.index_cast %mul3A_358 : i32 to index
        %get3A_365 = tpu.vector_load %arg9[%get3A_363, %get3A_364] {strides = array<i32>} : memref<16x2048xf32, #tpu.memory_space<vmem>>, vector<1x16xf32>,
        %get3A_366 = vector.shape_cast %get3A_365 : vector<1x16xf32> to vector<16xf32>
        %mul3A_367 = arith.mulf %get3A_38, %get3A_366 : vector<16xf32>
        %add3A_368 = arith.addf %get3A_361, %mul3A_367 : vector<16xf32>
        %get3A_369 = arith.constant 1 : i32
        %get3A_370 = arith.index_cast %get3A_369 : i32 to index
        %get3A_371 = arith.index_cast %mul3A_358 : i32 to index
        %get3A_372 = tpu.vector_load %arg9[%get3A_370, %get3A_371] {strides = array<i32>} : memref<16x2048xf32, #tpu.memory_space<vmem>>, vector<1x16xf32>,
        %get3A_373 = vector.shape_cast %get3A_372 : vector<1x16xf32> to vector<16xf32>
        %mul3A_374 = arith.mulf %get3A_47, %get3A_373 : vector<16xf32>
        %add3A_375 = arith.addf %add3A_368, %mul3A_374 : vector<16xf32>
        %get3A_376 = arith.constant 2 : i32
        %get3A_377 = arith.index_cast %get3A_376 : i32 to index
        %get3A_378 = arith.index_cast %mul3A_358 : i32 to index
        %get3A_379 = tpu.vector_load %arg9[%get3A_377, %get3A_378] {strides = array<i32>} : memref<16x2048xf32, #tpu.memory_space<vmem>>, vector<1x16xf32>,
        %get3A_380 = vector.shape_cast %get3A_379 : vector<1x16xf32> to vector<16xf32>
        %mul3A_381 = arith.mulf %get3A_56, %get3A_380 : vector<16xf32>
        %add3A_382 = arith.addf %add3A_375, %mul3A_381 : vector<16xf32>
        %get3A_383 = arith.constant 3 : i32
        %get3A_384 = arith.index_cast %get3A_383 : i32 to index
        %get3A_385 = arith.index_cast %mul3A_358 : i32 to index
        %get3A_386 = tpu.vector_load %arg9[%get3A_384, %get3A_385] {strides = array<i32>} : memref<16x2048xf32, #tpu.memory_space<vmem>>, vector<1x16xf32>,
        %get3A_387 = vector.shape_cast %get3A_386 : vector<1x16xf32> to vector<16xf32>
        %mul3A_388 = arith.mulf %get3A_65, %get3A_387 : vector<16xf32>
        %add3A_389 = arith.addf %add3A_382, %mul3A_388 : vector<16xf32>
        %get3A_390 = arith.constant 4 : i32
        %get3A_391 = arith.index_cast %get3A_390 : i32 to index
        %get3A_392 = arith.index_cast %mul3A_358 : i32 to index
        %get3A_393 = tpu.vector_load %arg9[%get3A_391, %get3A_392] {strides = array<i32>} : memref<16x2048xf32, #tpu.memory_space<vmem>>, vector<1x16xf32>,
        %get3A_394 = vector.shape_cast %get3A_393 : vector<1x16xf32> to vector<16xf32>
        %mul3A_395 = arith.mulf %get3A_74, %get3A_394 : vector<16xf32>
        %add3A_396 = arith.addf %add3A_389, %mul3A_395 : vector<16xf32>
        %get3A_397 = arith.constant 5 : i32
        %get3A_398 = arith.index_cast %get3A_397 : i32 to index
        %get3A_399 = arith.index_cast %mul3A_358 : i32 to index
        %get3A_400 = tpu.vector_load %arg9[%get3A_398, %get3A_399] {strides = array<i32>} : memref<16x2048xf32, #tpu.memory_space<vmem>>, vector<1x16xf32>,
        %get3A_401 = vector.shape_cast %get3A_400 : vector<1x16xf32> to vector<16xf32>
        %mul3A_402 = arith.mulf %get3A_83, %get3A_401 : vector<16xf32>
        %add3A_403 = arith.addf %add3A_396, %mul3A_402 : vector<16xf32>
        %get3A_404 = arith.constant 6 : i32
        %get3A_405 = arith.index_cast %get3A_404 : i32 to index
        %get3A_406 = arith.index_cast %mul3A_358 : i32 to index
        %get3A_407 = tpu.vector_load %arg9[%get3A_405, %get3A_406] {strides = array<i32>} : memref<16x2048xf32, #tpu.memory_space<vmem>>, vector<1x16xf32>,
        %get3A_408 = vector.shape_cast %get3A_407 : vector<1x16xf32> to vector<16xf32>
        %mul3A_409 = arith.mulf %get3A_92, %get3A_408 : vector<16xf32>
        %add3A_410 = arith.addf %add3A_403, %mul3A_409 : vector<16xf32>
        %get3A_411 = arith.constant 7 : i32
        %get3A_412 = arith.index_cast %get3A_411 : i32 to index
        %get3A_413 = arith.index_cast %mul3A_358 : i32 to index
        %get3A_414 = tpu.vector_load %arg9[%get3A_412, %get3A_413] {strides = array<i32>} : memref<16x2048xf32, #tpu.memory_space<vmem>>, vector<1x16xf32>,
        %get3A_415 = vector.shape_cast %get3A_414 : vector<1x16xf32> to vector<16xf32>
        %mul3A_416 = arith.mulf %get3A_101, %get3A_415 : vector<16xf32>
        %add3A_417 = arith.addf %add3A_410, %mul3A_416 : vector<16xf32>
        %get3A_418 = arith.constant 8 : i32
        %get3A_419 = arith.index_cast %get3A_418 : i32 to index
        %get3A_420 = arith.index_cast %mul3A_358 : i32 to index
        %get3A_421 = tpu.vector_load %arg9[%get3A_419, %get3A_420] {strides = array<i32>} : memref<16x2048xf32, #tpu.memory_space<vmem>>, vector<1x16xf32>,
        %get3A_422 = vector.shape_cast %get3A_421 : vector<1x16xf32> to vector<16xf32>
        %mul3A_423 = arith.mulf %get3A_110, %get3A_422 : vector<16xf32>
        %add3A_424 = arith.addf %add3A_417, %mul3A_423 : vector<16xf32>
        %get3A_425 = arith.constant 9 : i32
        %get3A_426 = arith.index_cast %get3A_425 : i32 to index
        %get3A_427 = arith.index_cast %mul3A_358 : i32 to index
        %get3A_428 = tpu.vector_load %arg9[%get3A_426, %get3A_427] {strides = array<i32>} : memref<16x2048xf32, #tpu.memory_space<vmem>>, vector<1x16xf32>,
        %get3A_429 = vector.shape_cast %get3A_428 : vector<1x16xf32> to vector<16xf32>
        %mul3A_430 = arith.mulf %get3A_119, %get3A_429 : vector<16xf32>
        %add3A_431 = arith.addf %add3A_424, %mul3A_430 : vector<16xf32>
        %get3A_432 = arith.constant 10 : i32
        %get3A_433 = arith.index_cast %get3A_432 : i32 to index
        %get3A_434 = arith.index_cast %mul3A_358 : i32 to index
        %get3A_435 = tpu.vector_load %arg9[%get3A_433, %get3A_434] {strides = array<i32>} : memref<16x2048xf32, #tpu.memory_space<vmem>>, vector<1x16xf32>,
        %get3A_436 = vector.shape_cast %get3A_435 : vector<1x16xf32> to vector<16xf32>
        %mul3A_437 = arith.mulf %get3A_128, %get3A_436 : vector<16xf32>
        %add3A_438 = arith.addf %add3A_431, %mul3A_437 : vector<16xf32>
        %get3A_439 = arith.constant 11 : i32
        %get3A_440 = arith.index_cast %get3A_439 : i32 to index
        %get3A_441 = arith.index_cast %mul3A_358 : i32 to index
        %get3A_442 = tpu.vector_load %arg9[%get3A_440, %get3A_441] {strides = array<i32>} : memref<16x2048xf32, #tpu.memory_space<vmem>>, vector<1x16xf32>,
        %get3A_443 = vector.shape_cast %get3A_442 : vector<1x16xf32> to vector<16xf32>
        %mul3A_444 = arith.mulf %get3A_137, %get3A_443 : vector<16xf32>
        %add3A_445 = arith.addf %add3A_438, %mul3A_444 : vector<16xf32>
        %get3A_446 = arith.constant 12 : i32
        %get3A_447 = arith.index_cast %get3A_446 : i32 to index
        %get3A_448 = arith.index_cast %mul3A_358 : i32 to index
        %get3A_449 = tpu.vector_load %arg9[%get3A_447, %get3A_448] {strides = array<i32>} : memref<16x2048xf32, #tpu.memory_space<vmem>>, vector<1x16xf32>,
        %get3A_450 = vector.shape_cast %get3A_449 : vector<1x16xf32> to vector<16xf32>
        %mul3A_451 = arith.mulf %get3A_146, %get3A_450 : vector<16xf32>
        %add3A_452 = arith.addf %add3A_445, %mul3A_451 : vector<16xf32>
        %get3A_453 = arith.constant 13 : i32
        %get3A_454 = arith.index_cast %get3A_453 : i32 to index
        %get3A_455 = arith.index_cast %mul3A_358 : i32 to index
        %get3A_456 = tpu.vector_load %arg9[%get3A_454, %get3A_455] {strides = array<i32>} : memref<16x2048xf32, #tpu.memory_space<vmem>>, vector<1x16xf32>,
        %get3A_457 = vector.shape_cast %get3A_456 : vector<1x16xf32> to vector<16xf32>
        %mul3A_458 = arith.mulf %get3A_155, %get3A_457 : vector<16xf32>
        %add3A_459 = arith.addf %add3A_452, %mul3A_458 : vector<16xf32>
        %get3A_460 = arith.constant 14 : i32
        %get3A_461 = arith.index_cast %get3A_460 : i32 to index
        %get3A_462 = arith.index_cast %mul3A_358 : i32 to index
        %get3A_463 = tpu.vector_load %arg9[%get3A_461, %get3A_462] {strides = array<i32>} : memref<16x2048xf32, #tpu.memory_space<vmem>>, vector<1x16xf32>,
        %get3A_464 = vector.shape_cast %get3A_463 : vector<1x16xf32> to vector<16xf32>
        %mul3A_465 = arith.mulf %get3A_164, %get3A_464 : vector<16xf32>
        %add3A_466 = arith.addf %add3A_459, %mul3A_465 : vector<16xf32>
        %get3A_467 = arith.constant 15 : i32
        %get3A_468 = arith.index_cast %get3A_467 : i32 to index
        %get3A_469 = arith.index_cast %mul3A_358 : i32 to index
        %get3A_470 = tpu.vector_load %arg9[%get3A_468, %get3A_469] {strides = array<i32>} : memref<16x2048xf32, #tpu.memory_space<vmem>>, vector<1x16xf32>,
        %get3A_471 = vector.shape_cast %get3A_470 : vector<1x16xf32> to vector<16xf32>
        %mul3A_472 = arith.mulf %get3A_173, %get3A_471 : vector<16xf32>
        %add3A_473 = arith.addf %add3A_466, %mul3A_472 : vector<16xf32>
        %swap3A = arith.index_cast %mul3A_358 : i32 to index
        %swap3A_474 = tpu.vector_load %arg12[%swap3A] {strides = array<i32>} : memref<2048xf32, #tpu.memory_space<vmem>>, vector<16xf32>,
        %swap3A_475 = vector.shape_cast %swap3A_474 : vector<16xf32> to vector<16xf32>
        %swap3A_476 = vector.shape_cast %add3A_473 : vector<16xf32> to vector<16xf32>
        tpu.vector_store %arg12[%swap3A], %swap3A_476 {strides = array<i32>} : memref<2048xf32, #tpu.memory_space<vmem>>, vector<16xf32>,
      }
      %scan3A_179 = arith.constant 128 : i32
      %add3A_180 = arith.constant 1 : i32
      %add3A_181 = arith.addi %scan3A_21, %add3A_180 : i32
      %lt3A = arith.constant 16 : i32
      %lt3A_182 = arith.cmpi slt, %add3A_181, %lt3A : i32
      %convert_element_type3A = arith.extui %lt3A_182 : i1 to i32
      %cond3A = arith.constant 0 : i32
      %cond3A_183 = arith.cmpi ne, %convert_element_type3A, %cond3A : i32
      scf.if %cond3A_183 {
        %add3A_356 = arith.constant 2 : i32
        %add3A_357 = arith.addi %add3A_25, %add3A_356 : i32
        %mul3A_358 = arith.constant 16 : i32
        %mul3A_359 = arith.muli %add3A_357, %mul3A_358 : i32
        %dma_start3A_360 = tpu.memref_slice %arg7[%mul3A_359] : memref<512xi32, #tpu.memory_space<vmem>> -> memref<16xi32, #tpu.memory_space<vmem>>
        %dma_start3A_361 = arith.constant 0 : i32
        %dma_start3A_362 = arith.constant 0 : i32
        %dma_start3A_363 = tpu.memref_slice %arg4[%dma_start3A_361, %dma_start3A_362] : memref<32768x2048xf32, #tpu.memory_space<hbm>> -> memref<32768x2048xf32, #tpu.memory_space<hbm>>
        tpu.enqueue_indirect_dma source(%dma_start3A_363 : memref<32768x2048xf32, #tpu.memory_space<hbm>>) target(%arg9 : memref<16x2048xf32, #tpu.memory_space<vmem>>) offsets(%dma_start3A_360 : memref<16xi32, #tpu.memory_space<vmem>>) semaphore(%arg13 : memref<!tpu.dma_semaphore, #tpu.memory_space<semaphore_mem>>)
      } else {
      }
      %mul3A_184 = arith.constant 2 : i32
      %mul3A_185 = arith.muli %mul3A_184, %scan3A_21 : i32
      %add3A_186 = arith.constant 1 : i32
      %add3A_187 = arith.addi %mul3A_185, %add3A_186 : i32
      %dma_wait3A_188 = arith.constant 0 : i32
      %dma_wait3A_189 = arith.constant 0 : i32
      %dma_wait3A_190 = tpu.memref_slice %arg4[%dma_wait3A_188, %dma_wait3A_189] : memref<32768x2048xf32, #tpu.memory_space<hbm>> -> memref<16x2048xf32, #tpu.memory_space<hbm>>
      %dma_wait3A_191 = arith.constant 0 : i32
      %dma_wait3A_192 = arith.constant 0 : i32
      %dma_wait3A_193 = tpu.memref_slice %arg4[%dma_wait3A_191, %dma_wait3A_192] : memref<32768x2048xf32, #tpu.memory_space<hbm>> -> memref<16x2048xf32, #tpu.memory_space<hbm>>
      tpu.wait_dma2 semaphore(%arg14 : memref<!tpu.dma_semaphore, #tpu.memory_space<semaphore_mem>>) src(%dma_wait3A_193 : memref<16x2048xf32, #tpu.memory_space<hbm>>) dst(%arg10 : memref<16x2048xf32, #tpu.memory_space<vmem>>)
      %mul3A_194 = arith.constant 16 : i32
      %mul3A_195 = arith.muli %add3A_187, %mul3A_194 : i32
      %add3A_196 = arith.constant 0 : i32
      %add3A_197 = arith.addi %mul3A_195, %add3A_196 : i32
      %mul3A_198 = arith.constant 16 : i32
      %mul3A_199 = arith.muli %add3A_197, %mul3A_198 : i32
      %get3A_200 = arith.index_cast %mul3A_199 : i32 to index
      %get3A_201 = tpu.vector_load %arg8[%get3A_200] {strides = array<i32>} : memref<8192xf32, #tpu.memory_space<vmem>>, vector<16xf32>,
      %get3A_202 = vector.shape_cast %get3A_201 : vector<16xf32> to vector<16xf32>
      %mul3A_203 = arith.constant 16 : i32
      %mul3A_204 = arith.muli %add3A_187, %mul3A_203 : i32
      %add3A_205 = arith.constant 1 : i32
      %add3A_206 = arith.addi %mul3A_204, %add3A_205 : i32
      %mul3A_207 = arith.constant 16 : i32
      %mul3A_208 = arith.muli %add3A_206, %mul3A_207 : i32
      %get3A_209 = arith.index_cast %mul3A_208 : i32 to index
      %get3A_210 = tpu.vector_load %arg8[%get3A_209] {strides = array<i32>} : memref<8192xf32, #tpu.memory_space<vmem>>, vector<16xf32>,
      %get3A_211 = vector.shape_cast %get3A_210 : vector<16xf32> to vector<16xf32>
      %mul3A_212 = arith.constant 16 : i32
      %mul3A_213 = arith.muli %add3A_187, %mul3A_212 : i32
      %add3A_214 = arith.constant 2 : i32
      %add3A_215 = arith.addi %mul3A_213, %add3A_214 : i32
      %mul3A_216 = arith.constant 16 : i32
      %mul3A_217 = arith.muli %add3A_215, %mul3A_216 : i32
      %get3A_218 = arith.index_cast %mul3A_217 : i32 to index
      %get3A_219 = tpu.vector_load %arg8[%get3A_218] {strides = array<i32>} : memref<8192xf32, #tpu.memory_space<vmem>>, vector<16xf32>,
      %get3A_220 = vector.shape_cast %get3A_219 : vector<16xf32> to vector<16xf32>
      %mul3A_221 = arith.constant 16 : i32
      %mul3A_222 = arith.muli %add3A_187, %mul3A_221 : i32
      %add3A_223 = arith.constant 3 : i32
      %add3A_224 = arith.addi %mul3A_222, %add3A_223 : i32
      %mul3A_225 = arith.constant 16 : i32
      %mul3A_226 = arith.muli %add3A_224, %mul3A_225 : i32
      %get3A_227 = arith.index_cast %mul3A_226 : i32 to index
      %get3A_228 = tpu.vector_load %arg8[%get3A_227] {strides = array<i32>} : memref<8192xf32, #tpu.memory_space<vmem>>, vector<16xf32>,
      %get3A_229 = vector.shape_cast %get3A_228 : vector<16xf32> to vector<16xf32>
      %mul3A_230 = arith.constant 16 : i32
      %mul3A_231 = arith.muli %add3A_187, %mul3A_230 : i32
      %add3A_232 = arith.constant 4 : i32
      %add3A_233 = arith.addi %mul3A_231, %add3A_232 : i32
      %mul3A_234 = arith.constant 16 : i32
      %mul3A_235 = arith.muli %add3A_233, %mul3A_234 : i32
      %get3A_236 = arith.index_cast %mul3A_235 : i32 to index
      %get3A_237 = tpu.vector_load %arg8[%get3A_236] {strides = array<i32>} : memref<8192xf32, #tpu.memory_space<vmem>>, vector<16xf32>,
      %get3A_238 = vector.shape_cast %get3A_237 : vector<16xf32> to vector<16xf32>
      %mul3A_239 = arith.constant 16 : i32
      %mul3A_240 = arith.muli %add3A_187, %mul3A_239 : i32
      %add3A_241 = arith.constant 5 : i32
      %add3A_242 = arith.addi %mul3A_240, %add3A_241 : i32
      %mul3A_243 = arith.constant 16 : i32
      %mul3A_244 = arith.muli %add3A_242, %mul3A_243 : i32
      %get3A_245 = arith.index_cast %mul3A_244 : i32 to index
      %get3A_246 = tpu.vector_load %arg8[%get3A_245] {strides = array<i32>} : memref<8192xf32, #tpu.memory_space<vmem>>, vector<16xf32>,
      %get3A_247 = vector.shape_cast %get3A_246 : vector<16xf32> to vector<16xf32>
      %mul3A_248 = arith.constant 16 : i32
      %mul3A_249 = arith.muli %add3A_187, %mul3A_248 : i32
      %add3A_250 = arith.constant 6 : i32
      %add3A_251 = arith.addi %mul3A_249, %add3A_250 : i32
      %mul3A_252 = arith.constant 16 : i32
      %mul3A_253 = arith.muli %add3A_251, %mul3A_252 : i32
      %get3A_254 = arith.index_cast %mul3A_253 : i32 to index
      %get3A_255 = tpu.vector_load %arg8[%get3A_254] {strides = array<i32>} : memref<8192xf32, #tpu.memory_space<vmem>>, vector<16xf32>,
      %get3A_256 = vector.shape_cast %get3A_255 : vector<16xf32> to vector<16xf32>
      %mul3A_257 = arith.constant 16 : i32
      %mul3A_258 = arith.muli %add3A_187, %mul3A_257 : i32
      %add3A_259 = arith.constant 7 : i32
      %add3A_260 = arith.addi %mul3A_258, %add3A_259 : i32
      %mul3A_261 = arith.constant 16 : i32
      %mul3A_262 = arith.muli %add3A_260, %mul3A_261 : i32
      %get3A_263 = arith.index_cast %mul3A_262 : i32 to index
      %get3A_264 = tpu.vector_load %arg8[%get3A_263] {strides = array<i32>} : memref<8192xf32, #tpu.memory_space<vmem>>, vector<16xf32>,
      %get3A_265 = vector.shape_cast %get3A_264 : vector<16xf32> to vector<16xf32>
      %mul3A_266 = arith.constant 16 : i32
      %mul3A_267 = arith.muli %add3A_187, %mul3A_266 : i32
      %add3A_268 = arith.constant 8 : i32
      %add3A_269 = arith.addi %mul3A_267, %add3A_268 : i32
      %mul3A_270 = arith.constant 16 : i32
      %mul3A_271 = arith.muli %add3A_269, %mul3A_270 : i32
      %get3A_272 = arith.index_cast %mul3A_271 : i32 to index
      %get3A_273 = tpu.vector_load %arg8[%get3A_272] {strides = array<i32>} : memref<8192xf32, #tpu.memory_space<vmem>>, vector<16xf32>,
      %get3A_274 = vector.shape_cast %get3A_273 : vector<16xf32> to vector<16xf32>
      %mul3A_275 = arith.constant 16 : i32
      %mul3A_276 = arith.muli %add3A_187, %mul3A_275 : i32
      %add3A_277 = arith.constant 9 : i32
      %add3A_278 = arith.addi %mul3A_276, %add3A_277 : i32
      %mul3A_279 = arith.constant 16 : i32
      %mul3A_280 = arith.muli %add3A_278, %mul3A_279 : i32
      %get3A_281 = arith.index_cast %mul3A_280 : i32 to index
      %get3A_282 = tpu.vector_load %arg8[%get3A_281] {strides = array<i32>} : memref<8192xf32, #tpu.memory_space<vmem>>, vector<16xf32>,
      %get3A_283 = vector.shape_cast %get3A_282 : vector<16xf32> to vector<16xf32>
      %mul3A_284 = arith.constant 16 : i32
      %mul3A_285 = arith.muli %add3A_187, %mul3A_284 : i32
      %add3A_286 = arith.constant 10 : i32
      %add3A_287 = arith.addi %mul3A_285, %add3A_286 : i32
      %mul3A_288 = arith.constant 16 : i32
      %mul3A_289 = arith.muli %add3A_287, %mul3A_288 : i32
      %get3A_290 = arith.index_cast %mul3A_289 : i32 to index
      %get3A_291 = tpu.vector_load %arg8[%get3A_290] {strides = array<i32>} : memref<8192xf32, #tpu.memory_space<vmem>>, vector<16xf32>,
      %get3A_292 = vector.shape_cast %get3A_291 : vector<16xf32> to vector<16xf32>
      %mul3A_293 = arith.constant 16 : i32
      %mul3A_294 = arith.muli %add3A_187, %mul3A_293 : i32
      %add3A_295 = arith.constant 11 : i32
      %add3A_296 = arith.addi %mul3A_294, %add3A_295 : i32
      %mul3A_297 = arith.constant 16 : i32
      %mul3A_298 = arith.muli %add3A_296, %mul3A_297 : i32
      %get3A_299 = arith.index_cast %mul3A_298 : i32 to index
      %get3A_300 = tpu.vector_load %arg8[%get3A_299] {strides = array<i32>} : memref<8192xf32, #tpu.memory_space<vmem>>, vector<16xf32>,
      %get3A_301 = vector.shape_cast %get3A_300 : vector<16xf32> to vector<16xf32>
      %mul3A_302 = arith.constant 16 : i32
      %mul3A_303 = arith.muli %add3A_187, %mul3A_302 : i32
      %add3A_304 = arith.constant 12 : i32
      %add3A_305 = arith.addi %mul3A_303, %add3A_304 : i32
      %mul3A_306 = arith.constant 16 : i32
      %mul3A_307 = arith.muli %add3A_305, %mul3A_306 : i32
      %get3A_308 = arith.index_cast %mul3A_307 : i32 to index
      %get3A_309 = tpu.vector_load %arg8[%get3A_308] {strides = array<i32>} : memref<8192xf32, #tpu.memory_space<vmem>>, vector<16xf32>,
      %get3A_310 = vector.shape_cast %get3A_309 : vector<16xf32> to vector<16xf32>
      %mul3A_311 = arith.constant 16 : i32
      %mul3A_312 = arith.muli %add3A_187, %mul3A_311 : i32
      %add3A_313 = arith.constant 13 : i32
      %add3A_314 = arith.addi %mul3A_312, %add3A_313 : i32
      %mul3A_315 = arith.constant 16 : i32
      %mul3A_316 = arith.muli %add3A_314, %mul3A_315 : i32
      %get3A_317 = arith.index_cast %mul3A_316 : i32 to index
      %get3A_318 = tpu.vector_load %arg8[%get3A_317] {strides = array<i32>} : memref<8192xf32, #tpu.memory_space<vmem>>, vector<16xf32>,
      %get3A_319 = vector.shape_cast %get3A_318 : vector<16xf32> to vector<16xf32>
      %mul3A_320 = arith.constant 16 : i32
      %mul3A_321 = arith.muli %add3A_187, %mul3A_320 : i32
      %add3A_322 = arith.constant 14 : i32
      %add3A_323 = arith.addi %mul3A_321, %add3A_322 : i32
      %mul3A_324 = arith.constant 16 : i32
      %mul3A_325 = arith.muli %add3A_323, %mul3A_324 : i32
      %get3A_326 = arith.index_cast %mul3A_325 : i32 to index
      %get3A_327 = tpu.vector_load %arg8[%get3A_326] {strides = array<i32>} : memref<8192xf32, #tpu.memory_space<vmem>>, vector<16xf32>,
      %get3A_328 = vector.shape_cast %get3A_327 : vector<16xf32> to vector<16xf32>
      %mul3A_329 = arith.constant 16 : i32
      %mul3A_330 = arith.muli %add3A_187, %mul3A_329 : i32
      %add3A_331 = arith.constant 15 : i32
      %add3A_332 = arith.addi %mul3A_330, %add3A_331 : i32
      %mul3A_333 = arith.constant 16 : i32
      %mul3A_334 = arith.muli %add3A_332, %mul3A_333 : i32
      %get3A_335 = arith.index_cast %mul3A_334 : i32 to index
      %get3A_336 = tpu.vector_load %arg8[%get3A_335] {strides = array<i32>} : memref<8192xf32, #tpu.memory_space<vmem>>, vector<16xf32>,
      %get3A_337 = vector.shape_cast %get3A_336 : vector<16xf32> to vector<16xf32>
      %scan3A_338 = arith.constant 0 : i32
      %scan3A_339 = arith.constant 0 : i32
      %scan3A_340 = arith.constant 128 : i32
      %scan3A_341 = arith.addi %scan3A_339, %scan3A_340 : i32
      %scan3A_342 = arith.constant 1 : i32
      scf.for %scan3A_356 = %scan3A_339 to %scan3A_341 step %scan3A_342  : i32 {
        %mul3A_357 = arith.constant 16 : i32
        %mul3A_358 = arith.muli %scan3A_356, %mul3A_357 : i32
        %get3A_359 = arith.index_cast %mul3A_358 : i32 to index
        %get3A_360 = tpu.vector_load %arg12[%get3A_359] {strides = array<i32>} : memref<2048xf32, #tpu.memory_space<vmem>>, vector<16xf32>,
        %get3A_361 = vector.shape_cast %get3A_360 : vector<16xf32> to vector<16xf32>
        %get3A_362 = arith.constant 0 : i32
        %get3A_363 = arith.index_cast %get3A_362 : i32 to index
        %get3A_364 = arith.index_cast %mul3A_358 : i32 to index
        %get3A_365 = tpu.vector_load %arg10[%get3A_363, %get3A_364] {strides = array<i32>} : memref<16x2048xf32, #tpu.memory_space<vmem>>, vector<1x16xf32>,
        %get3A_366 = vector.shape_cast %get3A_365 : vector<1x16xf32> to vector<16xf32>
        %mul3A_367 = arith.mulf %get3A_202, %get3A_366 : vector<16xf32>
        %add3A_368 = arith.addf %get3A_361, %mul3A_367 : vector<16xf32>
        %get3A_369 = arith.constant 1 : i32
        %get3A_370 = arith.index_cast %get3A_369 : i32 to index
        %get3A_371 = arith.index_cast %mul3A_358 : i32 to index
        %get3A_372 = tpu.vector_load %arg10[%get3A_370, %get3A_371] {strides = array<i32>} : memref<16x2048xf32, #tpu.memory_space<vmem>>, vector<1x16xf32>,
        %get3A_373 = vector.shape_cast %get3A_372 : vector<1x16xf32> to vector<16xf32>
        %mul3A_374 = arith.mulf %get3A_211, %get3A_373 : vector<16xf32>
        %add3A_375 = arith.addf %add3A_368, %mul3A_374 : vector<16xf32>
        %get3A_376 = arith.constant 2 : i32
        %get3A_377 = arith.index_cast %get3A_376 : i32 to index
        %get3A_378 = arith.index_cast %mul3A_358 : i32 to index
        %get3A_379 = tpu.vector_load %arg10[%get3A_377, %get3A_378] {strides = array<i32>} : memref<16x2048xf32, #tpu.memory_space<vmem>>, vector<1x16xf32>,
        %get3A_380 = vector.shape_cast %get3A_379 : vector<1x16xf32> to vector<16xf32>
        %mul3A_381 = arith.mulf %get3A_220, %get3A_380 : vector<16xf32>
        %add3A_382 = arith.addf %add3A_375, %mul3A_381 : vector<16xf32>
        %get3A_383 = arith.constant 3 : i32
        %get3A_384 = arith.index_cast %get3A_383 : i32 to index
        %get3A_385 = arith.index_cast %mul3A_358 : i32 to index
        %get3A_386 = tpu.vector_load %arg10[%get3A_384, %get3A_385] {strides = array<i32>} : memref<16x2048xf32, #tpu.memory_space<vmem>>, vector<1x16xf32>,
        %get3A_387 = vector.shape_cast %get3A_386 : vector<1x16xf32> to vector<16xf32>
        %mul3A_388 = arith.mulf %get3A_229, %get3A_387 : vector<16xf32>
        %add3A_389 = arith.addf %add3A_382, %mul3A_388 : vector<16xf32>
        %get3A_390 = arith.constant 4 : i32
        %get3A_391 = arith.index_cast %get3A_390 : i32 to index
        %get3A_392 = arith.index_cast %mul3A_358 : i32 to index
        %get3A_393 = tpu.vector_load %arg10[%get3A_391, %get3A_392] {strides = array<i32>} : memref<16x2048xf32, #tpu.memory_space<vmem>>, vector<1x16xf32>,
        %get3A_394 = vector.shape_cast %get3A_393 : vector<1x16xf32> to vector<16xf32>
        %mul3A_395 = arith.mulf %get3A_238, %get3A_394 : vector<16xf32>
        %add3A_396 = arith.addf %add3A_389, %mul3A_395 : vector<16xf32>
        %get3A_397 = arith.constant 5 : i32
        %get3A_398 = arith.index_cast %get3A_397 : i32 to index
        %get3A_399 = arith.index_cast %mul3A_358 : i32 to index
        %get3A_400 = tpu.vector_load %arg10[%get3A_398, %get3A_399] {strides = array<i32>} : memref<16x2048xf32, #tpu.memory_space<vmem>>, vector<1x16xf32>,
        %get3A_401 = vector.shape_cast %get3A_400 : vector<1x16xf32> to vector<16xf32>
        %mul3A_402 = arith.mulf %get3A_247, %get3A_401 : vector<16xf32>
        %add3A_403 = arith.addf %add3A_396, %mul3A_402 : vector<16xf32>
        %get3A_404 = arith.constant 6 : i32
        %get3A_405 = arith.index_cast %get3A_404 : i32 to index
        %get3A_406 = arith.index_cast %mul3A_358 : i32 to index
        %get3A_407 = tpu.vector_load %arg10[%get3A_405, %get3A_406] {strides = array<i32>} : memref<16x2048xf32, #tpu.memory_space<vmem>>, vector<1x16xf32>,
        %get3A_408 = vector.shape_cast %get3A_407 : vector<1x16xf32> to vector<16xf32>
        %mul3A_409 = arith.mulf %get3A_256, %get3A_408 : vector<16xf32>
        %add3A_410 = arith.addf %add3A_403, %mul3A_409 : vector<16xf32>
        %get3A_411 = arith.constant 7 : i32
        %get3A_412 = arith.index_cast %get3A_411 : i32 to index
        %get3A_413 = arith.index_cast %mul3A_358 : i32 to index
        %get3A_414 = tpu.vector_load %arg10[%get3A_412, %get3A_413] {strides = array<i32>} : memref<16x2048xf32, #tpu.memory_space<vmem>>, vector<1x16xf32>,
        %get3A_415 = vector.shape_cast %get3A_414 : vector<1x16xf32> to vector<16xf32>
        %mul3A_416 = arith.mulf %get3A_265, %get3A_415 : vector<16xf32>
        %add3A_417 = arith.addf %add3A_410, %mul3A_416 : vector<16xf32>
        %get3A_418 = arith.constant 8 : i32
        %get3A_419 = arith.index_cast %get3A_418 : i32 to index
        %get3A_420 = arith.index_cast %mul3A_358 : i32 to index
        %get3A_421 = tpu.vector_load %arg10[%get3A_419, %get3A_420] {strides = array<i32>} : memref<16x2048xf32, #tpu.memory_space<vmem>>, vector<1x16xf32>,
        %get3A_422 = vector.shape_cast %get3A_421 : vector<1x16xf32> to vector<16xf32>
        %mul3A_423 = arith.mulf %get3A_274, %get3A_422 : vector<16xf32>
        %add3A_424 = arith.addf %add3A_417, %mul3A_423 : vector<16xf32>
        %get3A_425 = arith.constant 9 : i32
        %get3A_426 = arith.index_cast %get3A_425 : i32 to index
        %get3A_427 = arith.index_cast %mul3A_358 : i32 to index
        %get3A_428 = tpu.vector_load %arg10[%get3A_426, %get3A_427] {strides = array<i32>} : memref<16x2048xf32, #tpu.memory_space<vmem>>, vector<1x16xf32>,
        %get3A_429 = vector.shape_cast %get3A_428 : vector<1x16xf32> to vector<16xf32>
        %mul3A_430 = arith.mulf %get3A_283, %get3A_429 : vector<16xf32>
        %add3A_431 = arith.addf %add3A_424, %mul3A_430 : vector<16xf32>
        %get3A_432 = arith.constant 10 : i32
        %get3A_433 = arith.index_cast %get3A_432 : i32 to index
        %get3A_434 = arith.index_cast %mul3A_358 : i32 to index
        %get3A_435 = tpu.vector_load %arg10[%get3A_433, %get3A_434] {strides = array<i32>} : memref<16x2048xf32, #tpu.memory_space<vmem>>, vector<1x16xf32>,
        %get3A_436 = vector.shape_cast %get3A_435 : vector<1x16xf32> to vector<16xf32>
        %mul3A_437 = arith.mulf %get3A_292, %get3A_436 : vector<16xf32>
        %add3A_438 = arith.addf %add3A_431, %mul3A_437 : vector<16xf32>
        %get3A_439 = arith.constant 11 : i32
        %get3A_440 = arith.index_cast %get3A_439 : i32 to index
        %get3A_441 = arith.index_cast %mul3A_358 : i32 to index
        %get3A_442 = tpu.vector_load %arg10[%get3A_440, %get3A_441] {strides = array<i32>} : memref<16x2048xf32, #tpu.memory_space<vmem>>, vector<1x16xf32>,
        %get3A_443 = vector.shape_cast %get3A_442 : vector<1x16xf32> to vector<16xf32>
        %mul3A_444 = arith.mulf %get3A_301, %get3A_443 : vector<16xf32>
        %add3A_445 = arith.addf %add3A_438, %mul3A_444 : vector<16xf32>
        %get3A_446 = arith.constant 12 : i32
        %get3A_447 = arith.index_cast %get3A_446 : i32 to index
        %get3A_448 = arith.index_cast %mul3A_358 : i32 to index
        %get3A_449 = tpu.vector_load %arg10[%get3A_447, %get3A_448] {strides = array<i32>} : memref<16x2048xf32, #tpu.memory_space<vmem>>, vector<1x16xf32>,
        %get3A_450 = vector.shape_cast %get3A_449 : vector<1x16xf32> to vector<16xf32>
        %mul3A_451 = arith.mulf %get3A_310, %get3A_450 : vector<16xf32>
        %add3A_452 = arith.addf %add3A_445, %mul3A_451 : vector<16xf32>
        %get3A_453 = arith.constant 13 : i32
        %get3A_454 = arith.index_cast %get3A_453 : i32 to index
        %get3A_455 = arith.index_cast %mul3A_358 : i32 to index
        %get3A_456 = tpu.vector_load %arg10[%get3A_454, %get3A_455] {strides = array<i32>} : memref<16x2048xf32, #tpu.memory_space<vmem>>, vector<1x16xf32>,
        %get3A_457 = vector.shape_cast %get3A_456 : vector<1x16xf32> to vector<16xf32>
        %mul3A_458 = arith.mulf %get3A_319, %get3A_457 : vector<16xf32>
        %add3A_459 = arith.addf %add3A_452, %mul3A_458 : vector<16xf32>
        %get3A_460 = arith.constant 14 : i32
        %get3A_461 = arith.index_cast %get3A_460 : i32 to index
        %get3A_462 = arith.index_cast %mul3A_358 : i32 to index
        %get3A_463 = tpu.vector_load %arg10[%get3A_461, %get3A_462] {strides = array<i32>} : memref<16x2048xf32, #tpu.memory_space<vmem>>, vector<1x16xf32>,
        %get3A_464 = vector.shape_cast %get3A_463 : vector<1x16xf32> to vector<16xf32>
        %mul3A_465 = arith.mulf %get3A_328, %get3A_464 : vector<16xf32>
        %add3A_466 = arith.addf %add3A_459, %mul3A_465 : vector<16xf32>
        %get3A_467 = arith.constant 15 : i32
        %get3A_468 = arith.index_cast %get3A_467 : i32 to index
        %get3A_469 = arith.index_cast %mul3A_358 : i32 to index
        %get3A_470 = tpu.vector_load %arg10[%get3A_468, %get3A_469] {strides = array<i32>} : memref<16x2048xf32, #tpu.memory_space<vmem>>, vector<1x16xf32>,
        %get3A_471 = vector.shape_cast %get3A_470 : vector<1x16xf32> to vector<16xf32>
        %mul3A_472 = arith.mulf %get3A_337, %get3A_471 : vector<16xf32>
        %add3A_473 = arith.addf %add3A_466, %mul3A_472 : vector<16xf32>
        %swap3A = arith.index_cast %mul3A_358 : i32 to index
        %swap3A_474 = tpu.vector_load %arg12[%swap3A] {strides = array<i32>} : memref<2048xf32, #tpu.memory_space<vmem>>, vector<16xf32>,
        %swap3A_475 = vector.shape_cast %swap3A_474 : vector<16xf32> to vector<16xf32>
        %swap3A_476 = vector.shape_cast %add3A_473 : vector<16xf32> to vector<16xf32>
        tpu.vector_store %arg12[%swap3A], %swap3A_476 {strides = array<i32>} : memref<2048xf32, #tpu.memory_space<vmem>>, vector<16xf32>,
      }
      %scan3A_343 = arith.constant 128 : i32
      %add3A_344 = arith.constant 1 : i32
      %add3A_345 = arith.addi %scan3A_21, %add3A_344 : i32
      %lt3A_346 = arith.constant 16 : i32
      %lt3A_347 = arith.cmpi slt, %add3A_345, %lt3A_346 : i32
      %convert_element_type3A_348 = arith.extui %lt3A_347 : i1 to i32
      %cond3A_349 = arith.constant 0 : i32
      %cond3A_350 = arith.cmpi ne, %convert_element_type3A_348, %cond3A_349 : i32
      scf.if %cond3A_350 {
        %add3A_356 = arith.constant 2 : i32
        %add3A_357 = arith.addi %add3A_187, %add3A_356 : i32
        %mul3A_358 = arith.constant 16 : i32
        %mul3A_359 = arith.muli %add3A_357, %mul3A_358 : i32
        %dma_start3A_360 = tpu.memref_slice %arg7[%mul3A_359] : memref<512xi32, #tpu.memory_space<vmem>> -> memref<16xi32, #tpu.memory_space<vmem>>
        %dma_start3A_361 = arith.constant 0 : i32
        %dma_start3A_362 = arith.constant 0 : i32
        %dma_start3A_363 = tpu.memref_slice %arg4[%dma_start3A_361, %dma_start3A_362] : memref<32768x2048xf32, #tpu.memory_space<hbm>> -> memref<32768x2048xf32, #tpu.memory_space<hbm>>
        tpu.enqueue_indirect_dma source(%dma_start3A_363 : memref<32768x2048xf32, #tpu.memory_space<hbm>>) target(%arg10 : memref<16x2048xf32, #tpu.memory_space<vmem>>) offsets(%dma_start3A_360 : memref<16xi32, #tpu.memory_space<vmem>>) semaphore(%arg14 : memref<!tpu.dma_semaphore, #tpu.memory_space<semaphore_mem>>)
      } else {
      }
      %mul3A_351 = arith.constant 16 : i32
      %mul3A_352 = arith.muli %add3A, %mul3A_351 : i32
      %add3A_353 = arith.addi %mul3A_352, %scan3A_21 : i32
      %mul3A_354 = arith.constant 2048 : i32
      %mul3A_355 = arith.muli %add3A_353, %mul3A_354 : i32
      "tpu.region"() ({
        %run_scoped3A = tpu.sem_alloc : memref<!tpu.dma_semaphore, #tpu.memory_space<semaphore_mem>>
        %dma_start3A_356 = tpu.memref_slice %arg6[%mul3A_355] : memref<1048576xf32, #tpu.memory_space<hbm>> -> memref<2048xf32, #tpu.memory_space<hbm>>
        %dma_start3A_357 = tpu.memref_slice %arg6[%mul3A_355] : memref<1048576xf32, #tpu.memory_space<hbm>> -> memref<2048xf32, #tpu.memory_space<hbm>>
        tpu.enqueue_dma source(%arg12 : memref<2048xf32, #tpu.memory_space<vmem>>) target(%dma_start3A_357 : memref<2048xf32, #tpu.memory_space<hbm>>) target_semaphore(%run_scoped3A : memref<!tpu.dma_semaphore, #tpu.memory_space<semaphore_mem>>)
        %dma_wait3A_358 = tpu.memref_slice %arg6[%mul3A_355] : memref<1048576xf32, #tpu.memory_space<hbm>> -> memref<2048xf32, #tpu.memory_space<hbm>>
        %dma_wait3A_359 = tpu.memref_slice %arg6[%mul3A_355] : memref<1048576xf32, #tpu.memory_space<hbm>> -> memref<2048xf32, #tpu.memory_space<hbm>>
        tpu.wait_dma2 semaphore(%run_scoped3A : memref<!tpu.dma_semaphore, #tpu.memory_space<semaphore_mem>>) src(%arg12 : memref<2048xf32, #tpu.memory_space<vmem>>) dst(%dma_wait3A_359 : memref<2048xf32, #tpu.memory_space<hbm>>)
        tpu.yield
      }) : () -> ()
    }
    %scan3A_20 = arith.constant 16 : i32
    return
  }
}

module attributes {stable_mosaic.version = 14 : i64} {
  func.func @_encode_body(%arg0: i32, %arg1: memref<512x2048xf32, #tpu.memory_space<vmem>>, %arg2: memref<1x2048xf32, #tpu.memory_space<vmem>>, %arg3: memref<1024x2048xf32, #tpu.memory_space<vmem>>, %arg4: memref<1x1024xf32, #tpu.memory_space<vmem>>, %arg5: memref<512x32xf32, #tpu.memory_space<vmem>>, %arg6: memref<512x32xi32, #tpu.memory_space<vmem>>, %arg7: memref<512x32xf32, #tpu.memory_space<vmem>>, %arg8: memref<512x32xi32, #tpu.memory_space<vmem>>) attributes {dimension_semantics = [#tpu.dimension_semantics<arbitrary>], iteration_bounds = array<i64: 32>, scalar_prefetch = 0 : i64, scratch_operands = 2 : i64, tpu.core_type = #tpu.core_type<tc>, window_params = [{pipeline_mode = #tpu.pipeline_mode<synchronous>, transform_indices = @transform_0, window_bounds = array<i64: 512, 2048>}, {pipeline_mode = #tpu.pipeline_mode<synchronous>, transform_indices = @transform_1, window_bounds = array<i64: 1, 2048>}, {transform_indices = @transform_2, window_bounds = array<i64: 1024, 2048>}, {transform_indices = @transform_3, window_bounds = array<i64: 1, 1024>}, {pipeline_mode = #tpu.pipeline_mode<synchronous>, transform_indices = @transform_4, window_bounds = array<i64: 512, 32>}, {pipeline_mode = #tpu.pipeline_mode<synchronous>, transform_indices = @transform_5, window_bounds = array<i64: 512, 32>}]} {
    %eq3A = arith.constant 0 : i32
    %eq3A_0 = arith.cmpi eq, %arg0, %eq3A : i32
    %convert_element_type3A = arith.extui %eq3A_0 : i1 to i32
    %cond3A = arith.constant 0 : i32
    %cond3A_1 = arith.cmpi ne, %convert_element_type3A, %cond3A : i32
    scf.if %cond3A_1 {
      %broadcast_in_dim3A_39 = arith.constant 0xFF800000 : f32
      %broadcast_in_dim3A_40 = vector.broadcast %broadcast_in_dim3A_39 : f32 to vector<512x32xf32>
      %swap3A = arith.constant 0 : index
      %swap3A_41 = arith.constant 0 : index
      %swap3A_42 = vector.load %arg7[%swap3A, %swap3A_41] : memref<512x32xf32, #tpu.memory_space<vmem>>, vector<512x32xf32>
      tpu.vector_store %arg7[%swap3A, %swap3A_41], %broadcast_in_dim3A_40 {strides = array<i32>} : memref<512x32xf32, #tpu.memory_space<vmem>>, vector<512x32xf32>,
      %broadcast_in_dim3A_43 = arith.constant 0 : i32
      %broadcast_in_dim3A_44 = vector.broadcast %broadcast_in_dim3A_43 : i32 to vector<512x32xi32>
      %swap3A_45 = arith.constant 0 : index
      %swap3A_46 = arith.constant 0 : index
      %swap3A_47 = vector.load %arg8[%swap3A_45, %swap3A_46] : memref<512x32xi32, #tpu.memory_space<vmem>>, vector<512x32xi32>
      tpu.vector_store %arg8[%swap3A_45, %swap3A_46], %broadcast_in_dim3A_44 {strides = array<i32>} : memref<512x32xi32, #tpu.memory_space<vmem>>, vector<512x32xi32>,
    } else {
    }
    %get3A = arith.constant 0 : index
    %get3A_2 = arith.constant 0 : index
    %get3A_3 = vector.load %arg1[%get3A, %get3A_2] : memref<512x2048xf32, #tpu.memory_space<vmem>>, vector<512x2048xf32>
    %get3A_4 = arith.constant 0 : index
    %get3A_5 = arith.constant 0 : index
    %get3A_6 = vector.load %arg2[%get3A_4, %get3A_5] : memref<1x2048xf32, #tpu.memory_space<vmem>>, vector<1x2048xf32>
    %sub3A = vector.broadcast %get3A_6 : vector<1x2048xf32> to vector<512x2048xf32>
    %sub3A_7 = arith.subf %get3A_3, %sub3A : vector<512x2048xf32>
    %get3A_8 = arith.constant 0 : index
    %get3A_9 = arith.constant 0 : index
    %get3A_10 = vector.load %arg3[%get3A_8, %get3A_9] : memref<1024x2048xf32, #tpu.memory_space<vmem>>, vector<1024x2048xf32>
    %dot_general3A = arith.constant dense<0.000000e+00> : vector<512x1024xf32>
    %dot_general3A_11 = tpu.matmul %sub3A_7, %get3A_10, %dot_general3A {dimension_numbers = #tpu.dot_dimension_numbers<[1], [1], [0], [0], [0, 0, 1, 0], [], []>, transpose_lhs_hint = false} : vector<512x2048xf32>, vector<1024x2048xf32>, vector<512x1024xf32> -> vector<512x1024xf32>
    %get3A_12 = arith.constant 0 : index
    %get3A_13 = arith.constant 0 : index
    %get3A_14 = vector.load %arg4[%get3A_12, %get3A_13] : memref<1x1024xf32, #tpu.memory_space<vmem>>, vector<1x1024xf32>
    %add3A = vector.broadcast %get3A_14 : vector<1x1024xf32> to vector<512x1024xf32>
    %add3A_15 = arith.addf %dot_general3A_11, %add3A : vector<512x1024xf32>
    %iota3A = tpu.iota {dimensions = array<i32: 1>} : vector<512x1024xi32>
    %iota3A_16 = tpu.iota {dimensions = array<i32: 1>} : vector<512x32xi32>
    %reduce_max3A = arith.constant dense<0xFF800000> : vector<512xf32>
    %reduce_max3A_17 = vector.multi_reduction <maximumf>, %add3A_15, %reduce_max3A [1] : vector<512x1024xf32> to vector<512xf32>
    %broadcast_in_dim3A = vector.shape_cast %reduce_max3A_17 : vector<512xf32> to vector<512x1xf32>
    %get3A_18 = arith.constant 0 : index
    %get3A_19 = arith.constant 0 : index
    %get3A_20 = vector.load %arg7[%get3A_18, %get3A_19] : memref<512x32xf32, #tpu.memory_space<vmem>>, vector<512x32xf32>
    %reduce_min3A = arith.constant dense<0x7F800000> : vector<512xf32>
    %reduce_min3A_21 = vector.multi_reduction <minimumf>, %get3A_20, %reduce_min3A [1] : vector<512x32xf32> to vector<512xf32>
    %broadcast_in_dim3A_22 = vector.shape_cast %reduce_min3A_21 : vector<512xf32> to vector<512x1xf32>
    %gt3A = arith.cmpf ogt, %broadcast_in_dim3A, %broadcast_in_dim3A_22 : vector<512x1xf32>
    %reduce_or3A = arith.constant 1.000000e+00 : f32
    %reduce_or3A_23 = arith.constant 0.000000e+00 : f32
    %reduce_or3A_24 = vector.broadcast %reduce_or3A : f32 to vector<512x1xf32>
    %reduce_or3A_25 = vector.broadcast %reduce_or3A_23 : f32 to vector<512x1xf32>
    %reduce_or3A_26 = arith.select %gt3A, %reduce_or3A_24, %reduce_or3A_25 : vector<512x1xi1>, vector<512x1xf32>
    %reduce_or3A_27 = vector.shape_cast %reduce_or3A_26 : vector<512x1xf32> to vector<1x512x1xf32>
    %reduce_or3A_28 = arith.constant dense<0xFF800000> : vector<1xf32>
    %reduce_or3A_29 = vector.multi_reduction <maximumf>, %reduce_or3A_27, %reduce_or3A_28 [1, 2] : vector<1x512x1xf32> to vector<1xf32>
    %reduce_or3A_30 = vector.shape_cast %reduce_or3A_29 : vector<1xf32> to vector<1x1x1xf32>
    %reduce_or3A_31 = vector.extract %reduce_or3A_30[0, 0, 0] : f32 from vector<1x1x1xf32>
    %reduce_or3A_32 = arith.constant 0.000000e+00 : f32
    %reduce_or3A_33 = arith.cmpf ogt, %reduce_or3A_31, %reduce_or3A_32 : f32
    %while3A:3 = scf.while (%while3A_39 = %add3A_15, %while3A_40 = %broadcast_in_dim3A, %while3A_41 = %reduce_or3A_33) : (vector<512x1024xf32>, vector<512x1xf32>, i1) -> (vector<512x1024xf32>, vector<512x1xf32>, i1) {
      scf.condition(%while3A_41) %while3A_39, %while3A_40, %while3A_41 : vector<512x1024xf32>, vector<512x1xf32>, i1
    } do {
    ^bb0(%while3A_39: vector<512x1024xf32>, %while3A_40: vector<512x1xf32>, %while3A_41: i1):
      %eq3A_42 = vector.broadcast %while3A_40 : vector<512x1xf32> to vector<512x1024xf32>
      %eq3A_43 = arith.cmpf oeq, %while3A_39, %eq3A_42 : vector<512x1024xf32>
      %jit3A = arith.constant 1024 : i32
      %broadcast_in_dim3A_44 = vector.broadcast %jit3A : i32 to vector<512x1024xi32>
      %select_n3A = arith.select %eq3A_43, %iota3A, %broadcast_in_dim3A_44 : vector<512x1024xi1>, vector<512x1024xi32>
      %reduce_min3A_45 = arith.constant dense<2147483647> : vector<512xi32>
      %reduce_min3A_46 = vector.multi_reduction <minsi>, %select_n3A, %reduce_min3A_45 [1] : vector<512x1024xi32> to vector<512xi32>
      %broadcast_in_dim3A_47 = vector.shape_cast %reduce_min3A_46 : vector<512xi32> to vector<512x1xi32>
      %get3A_48 = arith.constant 0 : index
      %get3A_49 = arith.constant 0 : index
      %get3A_50 = vector.load %arg7[%get3A_48, %get3A_49] : memref<512x32xf32, #tpu.memory_space<vmem>>, vector<512x32xf32>
      %reduce_min3A_51 = arith.constant dense<0x7F800000> : vector<512xf32>
      %reduce_min3A_52 = vector.multi_reduction <minimumf>, %get3A_50, %reduce_min3A_51 [1] : vector<512x32xf32> to vector<512xf32>
      %broadcast_in_dim3A_53 = vector.shape_cast %reduce_min3A_52 : vector<512xf32> to vector<512x1xf32>
      %eq3A_54 = vector.broadcast %broadcast_in_dim3A_53 : vector<512x1xf32> to vector<512x32xf32>
      %eq3A_55 = arith.cmpf oeq, %get3A_50, %eq3A_54 : vector<512x32xf32>
      %jit3A_56 = arith.constant 32 : i32
      %broadcast_in_dim3A_57 = vector.broadcast %jit3A_56 : i32 to vector<512x32xi32>
      %select_n3A_58 = arith.select %eq3A_55, %iota3A_16, %broadcast_in_dim3A_57 : vector<512x32xi1>, vector<512x32xi32>
      %reduce_min3A_59 = arith.constant dense<2147483647> : vector<512xi32>
      %reduce_min3A_60 = vector.multi_reduction <minsi>, %select_n3A_58, %reduce_min3A_59 [1] : vector<512x32xi32> to vector<512xi32>
      %broadcast_in_dim3A_61 = vector.shape_cast %reduce_min3A_60 : vector<512xi32> to vector<512x1xi32>
      %gt3A_62 = arith.cmpf ogt, %while3A_40, %broadcast_in_dim3A_53 : vector<512x1xf32>
      %eq3A_63 = vector.broadcast %broadcast_in_dim3A_61 : vector<512x1xi32> to vector<512x32xi32>
      %eq3A_64 = arith.cmpi eq, %iota3A_16, %eq3A_63 : vector<512x32xi32>
      %and3A = vector.broadcast %gt3A_62 : vector<512x1xi1> to vector<512x32xi1>
      %and3A_65 = arith.andi %eq3A_64, %and3A : vector<512x32xi1>
      %broadcast_in_dim3A_66 = vector.shape_cast %while3A_40 : vector<512x1xf32> to vector<512x1xf32>
      %broadcast_in_dim3A_67 = vector.broadcast %broadcast_in_dim3A_66 : vector<512x1xf32> to vector<512x32xf32>
      %select_n3A_68 = arith.select %and3A_65, %broadcast_in_dim3A_67, %get3A_50 : vector<512x32xi1>, vector<512x32xf32>
      %swap3A = arith.constant 0 : index
      %swap3A_69 = arith.constant 0 : index
      %swap3A_70 = vector.load %arg7[%swap3A, %swap3A_69] : memref<512x32xf32, #tpu.memory_space<vmem>>, vector<512x32xf32>
      tpu.vector_store %arg7[%swap3A, %swap3A_69], %select_n3A_68 {strides = array<i32>} : memref<512x32xf32, #tpu.memory_space<vmem>>, vector<512x32xf32>,
      %mul3A = arith.constant 1024 : i32
      %mul3A_71 = arith.muli %arg0, %mul3A : i32
      %add3A_72 = vector.broadcast %mul3A_71 : i32 to vector<512x1xi32>
      %add3A_73 = arith.addi %broadcast_in_dim3A_47, %add3A_72 : vector<512x1xi32>
      %get3A_74 = arith.constant 0 : index
      %get3A_75 = arith.constant 0 : index
      %get3A_76 = vector.load %arg8[%get3A_74, %get3A_75] : memref<512x32xi32, #tpu.memory_space<vmem>>, vector<512x32xi32>
      %broadcast_in_dim3A_77 = vector.shape_cast %add3A_73 : vector<512x1xi32> to vector<512x1xi32>
      %broadcast_in_dim3A_78 = vector.broadcast %broadcast_in_dim3A_77 : vector<512x1xi32> to vector<512x32xi32>
      %select_n3A_79 = arith.select %and3A_65, %broadcast_in_dim3A_78, %get3A_76 : vector<512x32xi1>, vector<512x32xi32>
      %swap3A_80 = arith.constant 0 : index
      %swap3A_81 = arith.constant 0 : index
      %swap3A_82 = vector.load %arg8[%swap3A_80, %swap3A_81] : memref<512x32xi32, #tpu.memory_space<vmem>>, vector<512x32xi32>
      tpu.vector_store %arg8[%swap3A_80, %swap3A_81], %select_n3A_79 {strides = array<i32>} : memref<512x32xi32, #tpu.memory_space<vmem>>, vector<512x32xi32>,
      %eq3A_83 = vector.broadcast %broadcast_in_dim3A_47 : vector<512x1xi32> to vector<512x1024xi32>
      %eq3A_84 = arith.cmpi eq, %iota3A, %eq3A_83 : vector<512x1024xi32>
      %and3A_85 = vector.broadcast %gt3A_62 : vector<512x1xi1> to vector<512x1024xi1>
      %and3A_86 = arith.andi %eq3A_84, %and3A_85 : vector<512x1024xi1>
      %jit3A_87 = arith.constant 0xFF800000 : f32
      %broadcast_in_dim3A_88 = vector.broadcast %jit3A_87 : f32 to vector<512x1024xf32>
      %select_n3A_89 = arith.select %and3A_86, %broadcast_in_dim3A_88, %while3A_39 : vector<512x1024xi1>, vector<512x1024xf32>
      %reduce_max3A_90 = arith.constant dense<0xFF800000> : vector<512xf32>
      %reduce_max3A_91 = vector.multi_reduction <maximumf>, %select_n3A_89, %reduce_max3A_90 [1] : vector<512x1024xf32> to vector<512xf32>
      %broadcast_in_dim3A_92 = vector.shape_cast %reduce_max3A_91 : vector<512xf32> to vector<512x1xf32>
      %get3A_93 = arith.constant 0 : index
      %get3A_94 = arith.constant 0 : index
      %get3A_95 = vector.load %arg7[%get3A_93, %get3A_94] : memref<512x32xf32, #tpu.memory_space<vmem>>, vector<512x32xf32>
      %reduce_min3A_96 = arith.constant dense<0x7F800000> : vector<512xf32>
      %reduce_min3A_97 = vector.multi_reduction <minimumf>, %get3A_95, %reduce_min3A_96 [1] : vector<512x32xf32> to vector<512xf32>
      %broadcast_in_dim3A_98 = vector.shape_cast %reduce_min3A_97 : vector<512xf32> to vector<512x1xf32>
      %gt3A_99 = arith.cmpf ogt, %broadcast_in_dim3A_92, %broadcast_in_dim3A_98 : vector<512x1xf32>
      %reduce_or3A_100 = arith.constant 1.000000e+00 : f32
      %reduce_or3A_101 = arith.constant 0.000000e+00 : f32
      %reduce_or3A_102 = vector.broadcast %reduce_or3A_100 : f32 to vector<512x1xf32>
      %reduce_or3A_103 = vector.broadcast %reduce_or3A_101 : f32 to vector<512x1xf32>
      %reduce_or3A_104 = arith.select %gt3A_99, %reduce_or3A_102, %reduce_or3A_103 : vector<512x1xi1>, vector<512x1xf32>
      %reduce_or3A_105 = vector.shape_cast %reduce_or3A_104 : vector<512x1xf32> to vector<1x512x1xf32>
      %reduce_or3A_106 = arith.constant dense<0xFF800000> : vector<1xf32>
      %reduce_or3A_107 = vector.multi_reduction <maximumf>, %reduce_or3A_105, %reduce_or3A_106 [1, 2] : vector<1x512x1xf32> to vector<1xf32>
      %reduce_or3A_108 = vector.shape_cast %reduce_or3A_107 : vector<1xf32> to vector<1x1x1xf32>
      %reduce_or3A_109 = vector.extract %reduce_or3A_108[0, 0, 0] : f32 from vector<1x1x1xf32>
      %reduce_or3A_110 = arith.constant 0.000000e+00 : f32
      %reduce_or3A_111 = arith.cmpf ogt, %reduce_or3A_109, %reduce_or3A_110 : f32
      scf.yield %select_n3A_89, %broadcast_in_dim3A_92, %reduce_or3A_111 : vector<512x1024xf32>, vector<512x1xf32>, i1
    }
    %eq3A_34 = arith.constant 31 : i32
    %eq3A_35 = arith.cmpi eq, %arg0, %eq3A_34 : i32
    %convert_element_type3A_36 = arith.extui %eq3A_35 : i1 to i32
    %cond3A_37 = arith.constant 0 : i32
    %cond3A_38 = arith.cmpi ne, %convert_element_type3A_36, %cond3A_37 : i32
    scf.if %cond3A_38 {
      %get3A_39 = arith.constant 0 : index
      %get3A_40 = arith.constant 0 : index
      %get3A_41 = vector.load %arg7[%get3A_39, %get3A_40] : memref<512x32xf32, #tpu.memory_space<vmem>>, vector<512x32xf32>
      %swap3A = arith.constant 0 : index
      %swap3A_42 = arith.constant 0 : index
      %swap3A_43 = vector.load %arg5[%swap3A, %swap3A_42] : memref<512x32xf32, #tpu.memory_space<vmem>>, vector<512x32xf32>
      tpu.vector_store %arg5[%swap3A, %swap3A_42], %get3A_41 {strides = array<i32>} : memref<512x32xf32, #tpu.memory_space<vmem>>, vector<512x32xf32>,
      %get3A_44 = arith.constant 0 : index
      %get3A_45 = arith.constant 0 : index
      %get3A_46 = vector.load %arg8[%get3A_44, %get3A_45] : memref<512x32xi32, #tpu.memory_space<vmem>>, vector<512x32xi32>
      %swap3A_47 = arith.constant 0 : index
      %swap3A_48 = arith.constant 0 : index
      %swap3A_49 = vector.load %arg6[%swap3A_47, %swap3A_48] : memref<512x32xi32, #tpu.memory_space<vmem>>, vector<512x32xi32>
      tpu.vector_store %arg6[%swap3A_47, %swap3A_48], %get3A_46 {strides = array<i32>} : memref<512x32xi32, #tpu.memory_space<vmem>>, vector<512x32xi32>,
    } else {
    }
    return
  }
  func.func @transform_0(%arg0: i32) -> (i32, i32) {
    %c0_i32 = arith.constant 0 : i32
    %c0_i32_0 = arith.constant 0 : i32
    %c0_i32_1 = arith.constant 0 : i32
    return %c0_i32, %c0_i32_0 : i32, i32
  }
  func.func @transform_1(%arg0: i32) -> (i32, i32) {
    %c0_i32 = arith.constant 0 : i32
    %c0_i32_0 = arith.constant 0 : i32
    %c0_i32_1 = arith.constant 0 : i32
    return %c0_i32, %c0_i32_0 : i32, i32
  }
  func.func @transform_2(%arg0: i32) -> (i32, i32) {
    %c0_i32 = arith.constant 0 : i32
    %c0_i32_0 = arith.constant 0 : i32
    return %arg0, %c0_i32 : i32, i32
  }
  func.func @transform_3(%arg0: i32) -> (i32, i32) {
    %c0_i32 = arith.constant 0 : i32
    %c0_i32_0 = arith.constant 0 : i32
    return %c0_i32, %arg0 : i32, i32
  }
  func.func @transform_4(%arg0: i32) -> (i32, i32) {
    %c0_i32 = arith.constant 0 : i32
    %c0_i32_0 = arith.constant 0 : i32
    %c0_i32_1 = arith.constant 0 : i32
    return %c0_i32, %c0_i32_0 : i32, i32
  }
  func.func @transform_5(%arg0: i32) -> (i32, i32) {
    %c0_i32 = arith.constant 0 : i32
    %c0_i32_0 = arith.constant 0 : i32
    %c0_i32_1 = arith.constant 0 : i32
    return %c0_i32, %c0_i32_0 : i32, i32
  }
}

</mosaic_0001>

<sc_bundles>
// kernel: kernel.6.cloned.1.call-start
scs
__scs_entry_jumppad:
0x0: {  	(pc) =	sbr.rel $0x88, $3  }
0x1: {  	(tag) =	ssettag $0x0;
	lr =	simm.s32 $0x1  }
0x2: {  	[smem:$0x3F9C] =	sst lr;
	_ =	strace $0xD0000000  }
0x3: {  	_ = 	snop  }
0x4: {  	_ = 	snop  }
0x5: {  	_ = 	snop  }
0x6: {  	_ = 	snop  }
0x7: {  	_ = 	snop  }
__scs_overlays_trampoline_lowered:
0x8: {  	[smem:$0x3FAB] =	sst s0  }
0x9: {  	[smem:$0x3FAC] =	sst s1  }
0xa: {  	[smem:$0x3FAD] =	sst s2  }
0xb: {  	[smem:$0x3FAE] =	sst s3  }
0xc: {  	[smem:$0x3FAF] =	sst s4  }
0xd: {  	[smem:$0x3FB0] =	sst s5  }
0xe: {  	[smem:$0x3FB1] =	sst s6  }
0xf: {  	[smem:$0x3FB2] =	sst s7  }
0x10: {  	[smem:$0x3FB3] =	sst s8  }
0x11: {  	[smem:$0x3FB4] =	sst s9;
	s0 =	simm.s32 @!p0 $0x0  }
0x12: {  	s1 =	sld [smem:$0x3F9A];
	s0 =	simm.s32 @p0 $0x1  }
0x13: {  	[smem:$0x3FB5] =	sst s0;
	s0 =	simm.s32 @!p1 $0x0  }
0x14: {  	s2 =	sld [smem:$0x3F99];
	s0 =	simm.s32 @p1 $0x1  }
0x15: {  	[smem:$0x3FB6] =	sst s0;
	s0 =	simm.s32 @!p2 $0x0  }
0x16: {  	s3 =	sld [smem:$0x3FDB];
	s0 =	simm.s32 @p2 $0x1  }
0x17: {  	s4 =	simm.s32 $0x1BF5;
	[smem:$0x3FB8] =	sst s0  }
0x18: {  	s0 =	sld [smem:$0x3F9B];
	_ =	swait.ge [sflag:s4], $0x0  }
0x19: {  	s7 =	sld [smem:$0x3F9C]  }
0x1a: {  	s8 =	sadd.s32 $0xFFFFE003, lr  }
0x1b: {  	s9 =	sadd.s32 $0xFFFFFEF7, lr;
	s5 =	simm.s32 $0xFFFFFFFF;
	p2 =	slt.u32 s8, $0xFFFFF086  }
0x1c: {  	p1 =	slt.u32 s9, $0xF7A;
	s5 =	simm.s32 @!p2 $0x0  }
0x1d: {  	s5 =	simm.s32 @p1 $0x1;
	p0 =	seq.s32 s7, s2  }
0x1e: {  	s7 =	smul.u32 @!p0 $0xF7A, s2;
	p2 =	seq.s32 @!p0 s5, $0x0  }
0x1f: {  	s9 =	smul.u32 $0xF7A, s1;
	s8 =	simm.s32 @!p0 $0x1BF5;
	p2 =	por !p2, p0  }
0x20: {  	[sflag:s8] =	ssyncset.s32 @!p0 $0xFFFFF086;
	s6 =	sadd.s32 @!p0 s3, s7;
	s7 =	simm.s32 @!p0 $0x108  }
0x21: {  	s3 =	sadd.s32 s3, s9;
	s6 =	sadd.s32 @!p0 $0x88, s6;
	s7 =	simm.s32 @p2 $0x1082  }
0x22: {  	[simem:s7], [sflag:s8] =	dma.local @!p0 [hbm:s6], $0xF7A  }
0x23: {  	s9 =	sor.u32 $0xD0000000, s2;
	s6 =	simm.s32 $0x108;
	_ =	swait.ge @!p0 [sflag:s8], $0x0  }
0x24: {  	s3 =	sadd.s32 $0x88, s3;
	s6 =	simm.s32 @!p1 $0x1082;
	[sflag:s4] =	ssyncset.s32 $0xFFFFF086  }
0x25: {  	[simem:s6], [sflag:s4] =	dma.local [hbm:s3], $0xF7A  }
0x26: {  	[smem:$0x3F9C] =	sst s1;
	(tag) =	ssettag s2;
	_ =	strace s9  }
0x27: {  	s1 =	sld [smem:$0x3FAC]  }
0x28: {  	s2 =	sld [smem:$0x3FAD]  }
0x29: {  	s4 =	sld [smem:$0x3FAF]  }
0x2a: {  	p0 =	seq.s32 s5, $0x0;
	s5 =	sld [smem:$0x3FB0]  }
0x2b: {  	s6 =	sld [smem:$0x3FB1]  }
0x2c: {  	s7 =	sld [smem:$0x3FB2]  }
0x2d: {  	s3 =	simm.s32 $0x108;
	s8 =	sld [smem:$0x3FB3]  }
0x2e: {  	s3 =	simm.s32 @!p0 $0x1082;
	s9 =	sld [smem:$0x3FB4]  }
0x2f: {  	lr =	sadd.s32 s0, s3;
	s0 =	sld [smem:$0x3FAB]  }
0x30: {  	s3 =	sld [smem:$0x3FAE]  }
0x31: {  	[smem:$0x3FB7] =	sst s10  }
0x32: {  	s10 =	sld [smem:$0x3FB5];
	_ =	sdelay $0x3  }
0x33: {  	p0 =	seq.s32 s10, $0x1;
	s10 =	sld [smem:$0x3FB7];
	_ =	sdelay $0x3  }
0x34: {  	[smem:$0x3FB7] =	sst s10  }
0x35: {  	s10 =	sld [smem:$0x3FB6];
	_ =	sdelay $0x3  }
0x36: {  	p1 =	seq.s32 s10, $0x1;
	s10 =	sld [smem:$0x3FB7];
	_ =	sdelay $0x3  }
0x37: {  	[smem:$0x3FB7] =	sst s10  }
0x38: {  	s10 =	sld [smem:$0x3FB8]  }
0x39: {  	_ = 	snop;
	(pc) =	sbr.ind lr, $3  }
0x3a: {  	_ = 	snop  }
0x3b: {  	_ = 	snop  }
0x3c: {  	p2 =	seq.s32 s10, $0x1;
	s10 =	sld [smem:$0x3FB7]  }
0x3d: {  	_ =	shalt  }
0x3e: {  	_ =	shalt  }
0x3f: {  	_ =	shalt  }
0x40: {  	_ =	shalt  }
0x41: {  	_ =	shalt  }
0x42: {  	_ =	shalt  }
0x43: {  	_ =	shalt  }
0x44: {  	_ =	shalt  }
0x45: {  	_ =	shalt  }
0x46: {  	_ =	shalt  }
0x47: {  	_ =	shalt  }
0x48: {  	_ =	shalt  }
0x49: {  	_ =	shalt  }
0x4a: {  	_ =	shalt  }
0x4b: {  	_ =	shalt  }
0x4c: {  	_ =	shalt  }
0x4d: {  	_ =	shalt  }
0x4e: {  	_ =	shalt  }
0x4f: {  	_ =	shalt  }
0x50: {  	_ =	shalt  }
0x51: {  	_ =	shalt  }
0x52: {  	_ =	shalt  }
0x53: {  	_ =	shalt  }
0x54: {  	_ =	shalt  }
0x55: {  	_ =	shalt  }
0x56: {  	_ =	shalt  }
0x57: {  	_ =	shalt  }
0x58: {  	_ =	shalt  }
0x59: {  	_ =	shalt  }
0x5a: {  	_ =	shalt  }
0x5b: {  	_ =	shalt  }
0x5c: {  	_ =	shalt  }
0x5d: {  	_ =	shalt  }
0x5e: {  	_ =	shalt  }
0x5f: {  	_ =	shalt  }
0x60: {  	_ =	shalt  }
0x61: {  	_ =	shalt  }
0x62: {  	_ =	shalt  }
0x63: {  	_ =	shalt  }
0x64: {  	_ =	shalt  }
0x65: {  	_ =	shalt  }
0x66: {  	_ =	shalt  }
0x67: {  	_ =	shalt  }
0x68: {  	_ =	shalt  }
0x69: {  	_ =	shalt  }
0x6a: {  	_ =	shalt  }
0x6b: {  	_ =	shalt  }
0x6c: {  	_ =	shalt  }
0x6d: {  	_ =	shalt  }
0x6e: {  	_ =	shalt  }
0x6f: {  	_ =	shalt  }
0x70: {  	_ =	shalt  }
0x71: {  	_ =	shalt  }
0x72: {  	_ =	shalt  }
0x73: {  	_ =	shalt  }
0x74: {  	_ =	shalt  }
0x75: {  	_ =	shalt  }
0x76: {  	_ =	shalt  }
0x77: {  	_ =	shalt  }
0x78: {  	_ =	shalt  }
0x79: {  	_ =	shalt  }
0x7a: {  	_ =	shalt  }
0x7b: {  	_ =	shalt  }
0x7c: {  	_ =	shalt  }
0x7d: {  	_ =	shalt  }
0x7e: {  	_ =	shalt  }
0x7f: {  	_ =	shalt  }
0x80: {  	_ =	shalt  }
0x81: {  	_ =	shalt  }
0x82: {  	_ =	shalt  }
0x83: {  	_ =	shalt  }
0x84: {  	_ =	shalt  }
0x85: {  	_ =	shalt  }
0x86: {  	_ =	shalt  }
0x87: {  	_ =	shalt  }
.Lfunc_end0:
.L_simem_size_0:
called_computation_lowered:
.L_overlay_start_0:
0x88: {  	s2 =	sld [smem:$0x3FD9]  }
0x89: {  	s3 =	sld [smem:$0x3FFE];
	_ =	sdelay $0x1  }
0x8a: {  	s1 =	srdreg.scid  }
0x8b: {  	s0 =	sand.u32 $0x1, s1  }
0x8c: {  	s17 =	sshll.u32 s0, $0xA;
	s2 =	sadd.s32 s3, s2  }
0x8d: {  	s2 =	sadd.s32 s2, s17  }
0x8e: {  	[smem:$0x3FC3] =	sst s2  }
0x8f: {  	_ = 	snop  }
0x90: {  	s2 =	sld [smem:$0x3FC6]  }
0x91: {  	s18 =	sld [smem:$0x3FC5];
	(tm) =	ssettm $0x1  }
0x92: {  	s4 =	sld [smem:$0x3FFB];
	_ =	sdelay $0x3  }
0x93: {  	_ =	strace s4  }
0x94: {  	s4 =	sld [smem:$0x3FFC];
	_ =	sdelay $0x3  }
0x95: {  	_ =	strace s4  }
0x96: {  	s4 =	sld [smem:$0x3FFD];
	_ =	sdelay $0x3  }
0x97: {  	_ =	strace s4  }
0x98: {  	_ =	strace $0x8FFFFFFF  }
0x99: {  	s19 =	sld [smem:$0x3FDB];
	_ =	sdelay $0x1  }
0x9a: {  	s5 =	simm.s32 $_scs_section_size  }
0x9b: {  	s6 =	simm.s32 $_size__tile_overlayer_lowered;
	s7 =	simm.s32 $_tile_overlayer_lowered  }
0x9c: {  	s22 =	simm.s32 $0x1BFF;
	s21 =	sshll.u32 s7, $0x1;
	s4 =	sadd.s32 s5, s19  }
0x9d: {  	s8 =	simm.s32 $0x0;
	s20 =	sshll.u32 s6, $0x1;
	s6 =	sadd.s32 s21, s4  }
0x9e: {  	[timem:s8], [sflag:s22] =	dma.local [hbm:s6], s20  }
0x9f: {  	_ =	swait.ge [sflag:s22], s20  }
0xa0: {  	s5 =	ssub.s32 $0x0, s20;
	[sflag:s22] =	ssyncset.done $0x0  }
0xa1: {  	[sflag:s22] =	ssyncadd.s32 s5;
	_ =	sdelay $0x1  }
0xa2: {  	s23 =	simm.s32 $0x1B8B  }
0xa3: {  	_ =	swait.ge [sflag:s23], $0x1  }
0xa4: {  	[sflag:s23] =	ssyncset.done $0x0  }
0xa5: {  	s25 =	simm.s32 $0x1B8E;
	s24 =	sld [smem:$0x3FFE];
	[sflag:s23] =	ssyncadd.s32 $0xFFFFFFFF  }
0xa6: {  	s26 =	simm.s32 $execute0_lowered;
	[smem:$0x3FD2] =	sst s25  }
0xa7: {  	s6 =	sshll.u32 s26, $0x1;
	_ =	strace $0x80000046;
	[dreg:$0x1] =	wrdreg $0xFFFFFFFF  }
0xa8: {  	s28 =	simm.s32 $_size_execute0_lowered;
	s4 =	sadd.s32 s4, s6;
	[dreg:$0x0] =	wrdreg $0x0  }
0xa9: {  	s6 =	sshll.u32 s28, $0x1;
	[dreg:$0x2] =	wrdreg s4  }
0xaa: {  	[dreg:$0x3] =	wrdreg s6  }
0xab: {  	[dreg:$0x4] =	wrdreg $0xC0  }
0xac: {  	_ =	task [dreg:s8], $0x5FFFF  }
0xad: {  	[dreg:$0x1] =	wrdreg $0xFFFFFFFF  }
0xae: {  	[dreg:$0x0] =	wrdreg $0x60  }
0xaf: {  	[dreg:$0x2] =	wrdreg s24  }
0xb0: {  	[dreg:$0x3] =	wrdreg s2  }
0xb1: {  	[dreg:$0x4] =	wrdreg s18  }
0xb2: {  	[dreg:$0x5] =	wrdreg $0x9  }
0xb3: {  	_ =	task.clear_ibuf [dreg:s8], $0x6FFFF;
	_ =	strace $0x90000046  }
0xb4: {  	s29 =	simm.s32 $0x9;
	_ =	strace $0x80000048  }
0xb5: {  	_ =	swait.ge [sflag:s29], $0x1  }
0xb6: {  	[sflag:s29] =	ssyncadd.s32 $0xFFFFFFFF  }
0xb7: {  	_ =	strace $0x90000048  }
0xb8: {  	_ =	sfence  }
0xb9: {  	s30 =	sld [smem:$0x0];
	_ =	sdelay $0x2  }
0xba: {  	s31 =	sshll.u32 s1, $0xD;
	s1 =	sshrl.u32 s1, $0x2  }
0xbb: {  	s3 =	sand.u32 $0x4000, s31;
	s1 =	sadd.s32 s1, s30  }
0xbc: {  	s0 =	sor.u32 s3, s0;
	s1 =	sshll.u32 s1, $0x11  }
0xbd: {  	s0 =	sor.u32 s1, s0  }
0xbe: {  	s0 =	sadd.s32 $0x8F2B, s0  }
0xbf: {  	[sflag:s0] =	ssyncadd.remote.s32 $0x1  }
0xc0: {  	_ =	sfence.sel $0xFFFF  }
0xc1: {  	[dreg:$0x0] =	wrdreg $0xFFFFFFFF;
	(pc) =	sbr.abs _section_cstart, $3  }
0xc2: {  	[dreg:$0x1] =	wrdreg $0xFFFFFFFF  }
0xc3: {  	_ =	task.clear_ibuf [dreg:s8], $0x2FFFF;
	_ =	strace $0x9FFFFFFF  }
0xc4: {  	(tm) =	ssettm $0x7FFFFFFF  }
0xc5: {  	_ =	shalt  }
tec
execute0_lowered:
.L_overlay_start_1:
0x0: {  	(tag) =	ssettag $0x1  }
0x1: {  	s0 =	rddreg [dreg:$0x0]  }
0x2: {  	s2 =	rddreg [dreg:$0x1];
	s1 =	srdreg.scid  }
0x3: {  	s3 =	stileid.u32;
	s4 =	simm.s32 $0x0;
	s17 =	simm.s32 $0x3  }
0x4: {  	s31 =	simm.s32 $0x10200;
	s16 =	simm.s32 $0x1;
	s18 =	simm.s32 $0x2  }
0x5: {  	s19 =	simm.s32 $0x12A00;
	s20 =	simm.s32 $0x0;
	s1 =	sand.u32 $0x1, s1  }
0x6: {  	s3 =	sshll.u32 s3, $0x1;
	[smem:$0x7FF] =	sst s4;
	s7 =	sadd.s32 $0x100, s2  }
0x7: {  	s8 =	sadd.s32 $0x200, s2;
	s9 =	sadd.s32 $0x300, s2;
	s10 =	sadd.s32 $0x400, s2  }
0x8: {  	s11 =	sadd.s32 $0x500, s2;
	s12 =	sadd.s32 $0x600, s2;
	s13 =	sadd.s32 $0x700, s2  }
0x9: {  	s3 =	sor.u32 s1, s3;
	_ =	strace $0x80000047;
	s1 =	ssub.s32 $0x2, s1  }
0xa: {  	s5 =	sshll.u32 s3, $0xA;
	s29 =	sshll.u32 s3, $0x6;
	s3 =	sshll.u32 s3, $0xC  }
0xb: {  	s30 =	sshrl.u32 s1, $0x1;
	s6 =	sadd.s32 s5, s0;
	s5 =	sadd.s32 s29, s0  }
0xc: {  	v2 =	vlaneseq.u32;
	s0 =	sadd.s32 s3, s0;
	s1 =	ssub.s32 s1, s30;
	s3 =	simm.s32 $0x11A00  }
0xd: {  	vm0 =	vmmov $0xffff;
	v1 =	vshrl.u32 v2, $0x3;
	s5 =	sadd.s32 $0x1800, s5;
	s6 =	sadd.s32 $0x2000, s6;
	s14 =	sadd.s32 $0xA000, s0  }
0xe: {  	v0 =	vand.u32 $0x7, v2;
	v2 =	vor.u32 $0x8, v2;
	v1 =	vmul.u32 $0x8, v1;
	s15 =	smax.u32 s1, $0x1;
	s1 =	simm.s32 $0x10A00;
	s0 =	simm.s32 $0x11200  }
.LBB2_1:
0xf: {  	s21 =	rddreg [dreg:$0x2];
	s22 =	simm.s32 $0x12200  }
0x10: {  	[tilespmem:s22], [sflag:$0x3] =	stream.linear.gather [hbm4b:s21+s4], $0x800, $0x38;
	[tilespmem:$0x13200] =	vst v63  }
0x11: {  	_ =	swait.ge [sflag:s17], $0x800  }
0x12: {  	[sflag:s17] =	ssyncset.done $0x0  }
0x13: {  	[sflag:s17] =	ssyncadd.s32 $0xFFFFF800  }
0x14: {  	[tilespmem:s4], [sflag:$0x3] =	stream.linear.gather [hbm4b:s5+s4], $0x200, $0x38;
	[tilespmem:$0x13200] =	vst v63  }
0x15: {  	_ =	swait.ge [sflag:s17], $0x200  }
0x16: {  	[sflag:s17] =	ssyncset.done $0x0  }
0x17: {  	s25 =	simm.s32 $0x200;
	[sflag:s17] =	ssyncadd.s32 $0xFFFFFE00  }
0x18: {  	[tilespmem:s25], [sflag:$0x3] =	stream.linear.gather [hbm4b:s6+s4], $0x2000, $0x38;
	[tilespmem:$0x13200] =	vst v63  }
0x19: {  	_ =	swait.ge [sflag:s17], $0x2000  }
0x1a: {  	[sflag:s17] =	ssyncset.done $0x0  }
0x1b: {  	[sflag:s17] =	ssyncadd.s32 $0xFFFFE000  }
0x1c: {  	v3 =	vld [tilespmem:$0x0];
	_ =	sdelay $0x4  }
0x1d: {  	v4 =	vshll.u32 v3, $0x4  }
0x1e: {  	v3 =	vand.u32 $0x7, v3;
	v4 =	vand.u32 $0xFFFFFF80, v4  }
0x1f: {  	v3 =	vor.u32 v3, v4  }
0x20: {  	v4 =	vperm.xlane v3, v0;
	_ =	sdelay $0x1  }
0x21: {  	v4 =	vadd.s32 v1, v4;
	_ =	sdelay $0x3  }
0x22: {  	s26 =	simm.s32 $0x2200  }
0x23: {  	[tilespmem:s26], [sflag:$0x1] =	stream.indirect_vreg.gather [hbm4b:s2+s4], $0x80, v4, vm0, $0xb8;
	[tilespmem:$0x13200] =	vst v63  }
0x24: {  	s28 =	simm.s32 $0x2A00  }
0x25: {  	[tilespmem:s28], [sflag:$0x1] =	stream.indirect_vreg.gather [hbm4b:s7+s4], $0x80, v4, vm0, $0xb8;
	[tilespmem:$0x13200] =	vst v63  }
0x26: {  	s29 =	simm.s32 $0x3200  }
0x27: {  	[tilespmem:s29], [sflag:$0x1] =	stream.indirect_vreg.gather [hbm4b:s8+s4], $0x80, v4, vm0, $0xb8;
	[tilespmem:$0x13200] =	vst v63  }
0x28: {  	s30 =	simm.s32 $0x3A00  }
0x29: {  	[tilespmem:s30], [sflag:$0x1] =	stream.indirect_vreg.gather [hbm4b:s9+s4], $0x80, v4, vm0, $0xb8;
	[tilespmem:$0x13200] =	vst v63  }
0x2a: {  	s22 =	simm.s32 $0x4200  }
0x2b: {  	[tilespmem:s22], [sflag:$0x1] =	stream.indirect_vreg.gather [hbm4b:s10+s4], $0x80, v4, vm0, $0xb8;
	[tilespmem:$0x13200] =	vst v63  }
0x2c: {  	s23 =	simm.s32 $0x4A00;
	v3 =	vperm.xlane v3, v2  }
0x2d: {  	[tilespmem:s23], [sflag:$0x1] =	stream.indirect_vreg.gather [hbm4b:s11+s4], $0x80, v4, vm0, $0xb8;
	[tilespmem:$0x13200] =	vst v63  }
0x2e: {  	s24 =	simm.s32 $0x5200;
	v3 =	vadd.s32 v1, v3  }
0x2f: {  	[tilespmem:s24], [sflag:$0x1] =	stream.indirect_vreg.gather [hbm4b:s12+s4], $0x80, v4, vm0, $0xb8;
	[tilespmem:$0x13200] =	vst v63  }
0x30: {  	s25 =	simm.s32 $0x5A00  }
0x31: {  	[tilespmem:s25], [sflag:$0x1] =	stream.indirect_vreg.gather [hbm4b:s13+s4], $0x80, v4, vm0, $0xb8;
	[tilespmem:$0x13200] =	vst v63  }
0x32: {  	s26 =	simm.s32 $0x6200  }
0x33: {  	[tilespmem:s26], [sflag:$0x1] =	stream.indirect_vreg.gather [hbm4b:s2+s4], $0x80, v3, vm0, $0xb8;
	[tilespmem:$0x13200] =	vst v63  }
0x34: {  	s28 =	simm.s32 $0x6A00  }
0x35: {  	[tilespmem:s28], [sflag:$0x1] =	stream.indirect_vreg.gather [hbm4b:s7+s4], $0x80, v3, vm0, $0xb8;
	[tilespmem:$0x13200] =	vst v63  }
0x36: {  	s29 =	simm.s32 $0x7200  }
0x37: {  	[tilespmem:s29], [sflag:$0x1] =	stream.indirect_vreg.gather [hbm4b:s8+s4], $0x80, v3, vm0, $0xb8;
	[tilespmem:$0x13200] =	vst v63  }
0x38: {  	s30 =	simm.s32 $0x7A00  }
0x39: {  	[tilespmem:s30], [sflag:$0x1] =	stream.indirect_vreg.gather [hbm4b:s9+s4], $0x80, v3, vm0, $0xb8;
	[tilespmem:$0x13200] =	vst v63  }
0x3a: {  	s22 =	simm.s32 $0x8200  }
0x3b: {  	[tilespmem:s22], [sflag:$0x1] =	stream.indirect_vreg.gather [hbm4b:s10+s4], $0x80, v3, vm0, $0xb8;
	[tilespmem:$0x13200] =	vst v63  }
0x3c: {  	s23 =	simm.s32 $0x8A00  }
0x3d: {  	[tilespmem:s23], [sflag:$0x1] =	stream.indirect_vreg.gather [hbm4b:s11+s4], $0x80, v3, vm0, $0xb8;
	[tilespmem:$0x13200] =	vst v63  }
0x3e: {  	s24 =	simm.s32 $0x9200  }
0x3f: {  	[tilespmem:s24], [sflag:$0x1] =	stream.indirect_vreg.gather [hbm4b:s12+s4], $0x80, v3, vm0, $0xb8;
	[tilespmem:$0x13200] =	vst v63  }
0x40: {  	s25 =	simm.s32 $0x9A00  }
0x41: {  	[tilespmem:s25], [sflag:$0x1] =	stream.indirect_vreg.gather [hbm4b:s13+s4], $0x80, v3, vm0, $0xb8;
	[tilespmem:$0x13200] =	vst v63  }
0x42: {  	v3 =	vld [tilespmem:$0x10];
	_ =	sdelay $0x4  }
0x43: {  	v63 =	vshll.u32 v3, $0x4  }
0x44: {  	v3 =	vand.u32 $0x7, v3;
	v4 =	vand.u32 $0xFFFFFF80, v63  }
0x45: {  	v3 =	vor.u32 v3, v4  }
0x46: {  	v4 =	vperm.xlane v3, v0;
	_ =	sdelay $0x1  }
0x47: {  	v4 =	vadd.s32 v1, v4;
	_ =	sdelay $0x3  }
0x48: {  	s26 =	simm.s32 $0xA200  }
0x49: {  	[tilespmem:s26], [sflag:$0x2] =	stream.indirect_vreg.gather [hbm4b:s2+s4], $0x80, v4, vm0, $0xb8;
	[tilespmem:$0x13200] =	vst v63  }
0x4a: {  	s28 =	simm.s32 $0xAA00  }
0x4b: {  	[tilespmem:s28], [sflag:$0x2] =	stream.indirect_vreg.gather [hbm4b:s7+s4], $0x80, v4, vm0, $0xb8;
	[tilespmem:$0x13200] =	vst v63  }
0x4c: {  	s29 =	simm.s32 $0xB200  }
0x4d: {  	[tilespmem:s29], [sflag:$0x2] =	stream.indirect_vreg.gather [hbm4b:s8+s4], $0x80, v4, vm0, $0xb8;
	[tilespmem:$0x13200] =	vst v63  }
0x4e: {  	s30 =	simm.s32 $0xBA00  }
0x4f: {  	[tilespmem:s30], [sflag:$0x2] =	stream.indirect_vreg.gather [hbm4b:s9+s4], $0x80, v4, vm0, $0xb8;
	[tilespmem:$0x13200] =	vst v63  }
0x50: {  	s22 =	simm.s32 $0xC200  }
0x51: {  	[tilespmem:s22], [sflag:$0x2] =	stream.indirect_vreg.gather [hbm4b:s10+s4], $0x80, v4, vm0, $0xb8;
	[tilespmem:$0x13200] =	vst v63  }
0x52: {  	s23 =	simm.s32 $0xCA00;
	v3 =	vperm.xlane v3, v2  }
0x53: {  	[tilespmem:s23], [sflag:$0x2] =	stream.indirect_vreg.gather [hbm4b:s11+s4], $0x80, v4, vm0, $0xb8;
	[tilespmem:$0x13200] =	vst v63  }
0x54: {  	s24 =	simm.s32 $0xD200;
	v3 =	vadd.s32 v1, v3  }
0x55: {  	[tilespmem:s24], [sflag:$0x2] =	stream.indirect_vreg.gather [hbm4b:s12+s4], $0x80, v4, vm0, $0xb8;
	[tilespmem:$0x13200] =	vst v63  }
0x56: {  	s25 =	simm.s32 $0xDA00  }
0x57: {  	[tilespmem:s25], [sflag:$0x2] =	stream.indirect_vreg.gather [hbm4b:s13+s4], $0x80, v4, vm0, $0xb8;
	[tilespmem:$0x13200] =	vst v63  }
0x58: {  	s26 =	simm.s32 $0xE200  }
0x59: {  	[tilespmem:s26], [sflag:$0x2] =	stream.indirect_vreg.gather [hbm4b:s2+s4], $0x80, v3, vm0, $0xb8;
	[tilespmem:$0x13200] =	vst v63  }
0x5a: {  	s28 =	simm.s32 $0xEA00  }
0x5b: {  	[tilespmem:s28], [sflag:$0x2] =	stream.indirect_vreg.gather [hbm4b:s7+s4], $0x80, v3, vm0, $0xb8;
	[tilespmem:$0x13200] =	vst v63  }
0x5c: {  	s29 =	simm.s32 $0xF200  }
0x5d: {  	[tilespmem:s29], [sflag:$0x2] =	stream.indirect_vreg.gather [hbm4b:s8+s4], $0x80, v3, vm0, $0xb8;
	[tilespmem:$0x13200] =	vst v63  }
0x5e: {  	s30 =	simm.s32 $0xFA00  }
0x5f: {  	[tilespmem:s30], [sflag:$0x2] =	stream.indirect_vreg.gather [hbm4b:s9+s4], $0x80, v3, vm0, $0xb8;
	[tilespmem:$0x13200] =	vst v63  }
0x60: {  	_ = 	snop  }
0x61: {  	[tilespmem:s31], [sflag:$0x2] =	stream.indirect_vreg.gather [hbm4b:s10+s4], $0x80, v3, vm0, $0xb8;
	[tilespmem:$0x13200] =	vst v63  }
0x62: {  	_ = 	snop  }
0x63: {  	[tilespmem:s1], [sflag:$0x2] =	stream.indirect_vreg.gather [hbm4b:s11+s4], $0x80, v3, vm0, $0xb8;
	[tilespmem:$0x13200] =	vst v63  }
0x64: {  	_ = 	snop  }
0x65: {  	[tilespmem:s0], [sflag:$0x2] =	stream.indirect_vreg.gather [hbm4b:s12+s4], $0x80, v3, vm0, $0xb8;
	[tilespmem:$0x13200] =	vst v63  }
0x66: {  	s21 =	simm.s32 $0x0  }
0x67: {  	[tilespmem:s3], [sflag:$0x2] =	stream.indirect_vreg.gather [hbm4b:s13+s4], $0x80, v3, vm0, $0xb8;
	[tilespmem:$0x13200] =	vst v63  }
.LBB2_2:
0x68: {  	_ =	swait.ge [sflag:s16], $0x8000  }
0x69: {  	s22 =	sshll.u32 s21, $0x9;
	[sflag:s16] =	ssyncset.done $0x0  }
0x6a: {  	s23 =	simm.s32 $0x0;
	s22 =	sand.u32 $0x3FFFFE00, s22;
	[sflag:s16] =	ssyncadd.s32 $0xFFFF8000  }
0x6b: {  	s24 =	sand.u32 $0x70, s23;
	s25 =	sand.u32 $0x3C00, s23;
	v6 =	vld [tilespmem:s22+$0x200]  }
0x6c: {  	s25 =	sor.u32 s24, s25;
	v7 =	vld [tilespmem:s22+$0x210]  }
0x6d: {  	s24 =	simm.s32 $0x12200;
	v3 =	vld [tilespmem:s25+$0x2200]  }
0x6e: {  	v4 =	vld [tilespmem:s24+$0x0]  }
0x6f: {  	v8 =	vld [tilespmem:s25+$0x2280]  }
0x70: {  	v9 =	vld [tilespmem:s22+$0x220]  }
0x71: {  	v10 =	vld [tilespmem:s25+$0x2300]  }
0x72: {  	v5 =	vld [tilespmem:s22+$0x230];
	v11 =	vmul.f32 v3, v6  }
0x73: {  	v12 =	vld [tilespmem:s25+$0x2380]  }
0x74: {  	v13 =	vld [tilespmem:s25+$0x2400];
	v8 =	vmul.f32 v8, v7;
	v11 =	vadd.f32 v11, v4  }
0x75: {  	v3 =	vld [tilespmem:s22+$0x240]  }
0x76: {  	s26 =	sand.u32 $0x7, s23;
	v14 =	vld [tilespmem:s25+$0x2480];
	v10 =	vmul.f32 v10, v9;
	v11 =	vadd.f32 v8, v11  }
0x77: {  	s26 =	sshll.u32 s26, $0x4;
	v4 =	vld [tilespmem:s22+$0x250]  }
0x78: {  	s26 =	sadd.s32 $0x0, s26;
	v15 =	vld [tilespmem:s25+$0x2500];
	v12 =	vmul.f32 v12, v5;
	v11 =	vadd.f32 v10, v11  }
0x79: {  	s26 =	sor.u32 $0x380, s26;
	v8 =	vld [tilespmem:s22+$0x260]  }
0x7a: {  	v16 =	vld [tilespmem:s26+$0x2200];
	v13 =	vmul.f32 v13, v3;
	v12 =	vadd.f32 v12, v11  }
0x7b: {  	v10 =	vld [tilespmem:s22+$0x270]  }
0x7c: {  	v17 =	vld [tilespmem:s25+$0x6200];
	v14 =	vmul.f32 v14, v4;
	v13 =	vadd.f32 v13, v12  }
0x7d: {  	v11 =	vld [tilespmem:s22+$0x280]  }
0x7e: {  	v18 =	vld [tilespmem:s25+$0x6280];
	v15 =	vmul.f32 v15, v8;
	v14 =	vadd.f32 v14, v13  }
0x7f: {  	v12 =	vld [tilespmem:s22+$0x290]  }
0x80: {  	v19 =	vld [tilespmem:s25+$0x6300];
	v16 =	vmul.f32 v16, v10;
	v15 =	vadd.f32 v15, v14  }
0x81: {  	v13 =	vld [tilespmem:s22+$0x2A0]  }
0x82: {  	v20 =	vld [tilespmem:s25+$0x6380];
	v17 =	vmul.f32 v17, v11;
	v16 =	vadd.f32 v16, v15  }
0x83: {  	v14 =	vld [tilespmem:s22+$0x2B0]  }
0x84: {  	v21 =	vld [tilespmem:s25+$0x6400];
	v18 =	vmul.f32 v18, v12;
	v17 =	vadd.f32 v17, v16  }
0x85: {  	v15 =	vld [tilespmem:s22+$0x2C0]  }
0x86: {  	v22 =	vld [tilespmem:s25+$0x6480];
	v19 =	vmul.f32 v19, v13;
	v18 =	vadd.f32 v18, v17  }
0x87: {  	v16 =	vld [tilespmem:s22+$0x2D0]  }
0x88: {  	v23 =	vld [tilespmem:s25+$0x6500];
	v20 =	vmul.f32 v20, v14;
	v19 =	vadd.f32 v19, v18  }
0x89: {  	v17 =	vld [tilespmem:s22+$0x2E0]  }
0x8a: {  	v63 =	vld [tilespmem:s25+$0x6580];
	v19 =	vadd.f32 v20, v19;
	v20 =	vmul.f32 v21, v15  }
0x8b: {  	v18 =	vld [tilespmem:s22+$0x2F0]  }
0x8c: {  	v19 =	vadd.f32 v20, v19;
	v20 =	vmul.f32 v22, v16;
	_ =	sdelay $0x1  }
0x8d: {  	v19 =	vadd.f32 v20, v19;
	v20 =	vmul.f32 v23, v17;
	_ =	sdelay $0x1  }
0x8e: {  	v19 =	vadd.f32 v20, v19;
	v20 =	vmul.f32 v63, v18  }
0x8f: {  	s28 =	simm.s32 $0x10  }
0x90: {  	s29 =	sand.u32 $0x70, s28;
	s26 =	simm.s32 $0x80;
	v19 =	vadd.f32 v20, v19  }
0x91: {  	s28 =	simm.s32 $0x20;
	s25 =	simm.s32 $0x12A00;
	s30 =	sand.u32 $0x3C00, s26  }
.LBB2_3:
0x92: {  	p0 =	sne.s32 s28, $0x7F0;
	s29 =	sor.u32 s29, s30;
	[tilespmem:s25+$0x0] =	vst v19  }
0x93: {  	s24 =	sadd.s32 $0x10, s24;
	v19 =	vld [tilespmem:s29+$0x2200]  }
0x94: {  	v20 =	vld [tilespmem:s24+$0x0]  }
0x95: {  	v21 =	vld [tilespmem:s29+$0x2280];
	_ =	sdelay $0x1  }
0x96: {  	v22 =	vld [tilespmem:s29+$0x2300]  }
0x97: {  	v19 =	vmul.f32 v19, v6  }
0x98: {  	v23 =	vld [tilespmem:s29+$0x2380]  }
0x99: {  	v19 =	vadd.f32 v19, v20;
	v20 =	vmul.f32 v21, v7  }
0x9a: {  	v21 =	vld [tilespmem:s29+$0x2400]  }
0x9b: {  	s23 =	sadd.s32 $0x1, s23;
	v19 =	vadd.f32 v20, v19;
	v20 =	vmul.f32 v22, v9  }
0x9c: {  	s30 =	sand.u32 $0x7, s23;
	v22 =	vld [tilespmem:s29+$0x2480]  }
0x9d: {  	s30 =	sshll.u32 s30, $0x4;
	v19 =	vadd.f32 v20, v19;
	v20 =	vmul.f32 v23, v5  }
0x9e: {  	s30 =	sadd.s32 s30, s26;
	v23 =	vld [tilespmem:s29+$0x2500]  }
0x9f: {  	s30 =	sor.u32 $0x380, s30;
	v19 =	vadd.f32 v20, v19;
	v20 =	vmul.f32 v21, v3  }
0xa0: {  	v21 =	vld [tilespmem:s30+$0x2200]  }
0xa1: {  	v19 =	vadd.f32 v20, v19;
	v20 =	vmul.f32 v22, v4  }
0xa2: {  	v22 =	vld [tilespmem:s29+$0x6200]  }
0xa3: {  	v19 =	vadd.f32 v20, v19;
	v20 =	vmul.f32 v23, v8  }
0xa4: {  	v23 =	vld [tilespmem:s29+$0x6280]  }
0xa5: {  	v19 =	vadd.f32 v20, v19;
	v20 =	vmul.f32 v21, v10  }
0xa6: {  	v21 =	vld [tilespmem:s29+$0x6300]  }
0xa7: {  	v19 =	vadd.f32 v20, v19;
	v20 =	vmul.f32 v22, v11  }
0xa8: {  	v22 =	vld [tilespmem:s29+$0x6380]  }
0xa9: {  	v19 =	vadd.f32 v20, v19;
	v20 =	vmul.f32 v23, v12  }
0xaa: {  	v23 =	vld [tilespmem:s29+$0x6400]  }
0xab: {  	v19 =	vadd.f32 v20, v19;
	v20 =	vmul.f32 v21, v13  }
0xac: {  	v21 =	vld [tilespmem:s29+$0x6480]  }
0xad: {  	v19 =	vadd.f32 v20, v19;
	v20 =	vmul.f32 v22, v14  }
0xae: {  	v22 =	vld [tilespmem:s29+$0x6500]  }
0xaf: {  	v19 =	vadd.f32 v20, v19;
	v20 =	vmul.f32 v23, v15  }
0xb0: {  	v23 =	vld [tilespmem:s29+$0x6580]  }
0xb1: {  	v19 =	vadd.f32 v20, v19;
	v20 =	vmul.f32 v21, v16;
	_ =	sdelay $0x1  }
0xb2: {  	v19 =	vadd.f32 v20, v19;
	v20 =	vmul.f32 v22, v17  }
.Ltmp0:
0xb3: {  	(pc) =	sbr.rel @p0 .LBB2_3-.Ltmp0, $3  }
0xb4: {  	v19 =	vadd.f32 v20, v19;
	v20 =	vmul.f32 v23, v18;
	_ =	sdelay $0x1  }
0xb5: {  	s25 =	sadd.s32 $0x10, s25;
	s26 =	sadd.s32 $0x80, s26;
	v19 =	vadd.f32 v20, v19  }
0xb6: {  	s30 =	sand.u32 $0x3C00, s26;
	s29 =	sand.u32 $0x70, s28;
	s28 =	sadd.s32 $0x10, s28  }
0xb7: {  	s28 =	sor.u32 s29, s30;
	[tilespmem:s25+$0x0] =	vst v19  }
0xb8: {  	s24 =	sadd.s32 $0x10, s24;
	v19 =	vld [tilespmem:s28+$0x2200]  }
0xb9: {  	v20 =	vld [tilespmem:s24+$0x0]  }
0xba: {  	v21 =	vld [tilespmem:s28+$0x2280];
	_ =	sdelay $0x1  }
0xbb: {  	v22 =	vld [tilespmem:s28+$0x2300]  }
0xbc: {  	v6 =	vmul.f32 v19, v6  }
0xbd: {  	v19 =	vld [tilespmem:s28+$0x2380]  }
0xbe: {  	v7 =	vmul.f32 v21, v7;
	v6 =	vadd.f32 v6, v20  }
0xbf: {  	v20 =	vld [tilespmem:s28+$0x2400]  }
0xc0: {  	s23 =	sadd.s32 $0x1, s23;
	v6 =	vadd.f32 v7, v6;
	v7 =	vmul.f32 v22, v9  }
0xc1: {  	s23 =	sand.u32 $0x7, s23;
	v9 =	vld [tilespmem:s28+$0x2480]  }
0xc2: {  	s23 =	sshll.u32 s23, $0x4;
	v5 =	vmul.f32 v19, v5;
	v6 =	vadd.f32 v7, v6  }
0xc3: {  	s23 =	sadd.s32 s23, s26;
	v7 =	vld [tilespmem:s28+$0x2500]  }
0xc4: {  	s23 =	sor.u32 $0x380, s23;
	v3 =	vmul.f32 v20, v3;
	v5 =	vadd.f32 v5, v6  }
0xc5: {  	v6 =	vld [tilespmem:s23+$0x2200]  }
0xc6: {  	v4 =	vmul.f32 v9, v4;
	v3 =	vadd.f32 v3, v5  }
0xc7: {  	v5 =	vld [tilespmem:s28+$0x6200]  }
0xc8: {  	v3 =	vadd.f32 v4, v3;
	v4 =	vmul.f32 v7, v8  }
0xc9: {  	v7 =	vld [tilespmem:s28+$0x6280]  }
0xca: {  	v3 =	vadd.f32 v4, v3;
	v4 =	vmul.f32 v6, v10  }
0xcb: {  	v6 =	vld [tilespmem:s28+$0x6300]  }
0xcc: {  	v3 =	vadd.f32 v4, v3;
	v4 =	vmul.f32 v5, v11  }
0xcd: {  	v5 =	vld [tilespmem:s28+$0x6380]  }
0xce: {  	v3 =	vadd.f32 v4, v3;
	v4 =	vmul.f32 v7, v12  }
0xcf: {  	v7 =	vld [tilespmem:s28+$0x6400]  }
0xd0: {  	v3 =	vadd.f32 v4, v3;
	v4 =	vmul.f32 v6, v13  }
0xd1: {  	v6 =	vld [tilespmem:s28+$0x6480]  }
0xd2: {  	v3 =	vadd.f32 v4, v3;
	v4 =	vmul.f32 v5, v14  }
0xd3: {  	v5 =	vld [tilespmem:s28+$0x6500]  }
0xd4: {  	v3 =	vadd.f32 v4, v3;
	v4 =	vmul.f32 v7, v15  }
0xd5: {  	v7 =	vld [tilespmem:s28+$0x6580]  }
0xd6: {  	v3 =	vadd.f32 v4, v3;
	v4 =	vmul.f32 v6, v16;
	_ =	sdelay $0x1  }
0xd7: {  	v3 =	vadd.f32 v4, v3;
	v4 =	vmul.f32 v5, v17;
	_ =	sdelay $0x1  }
0xd8: {  	v3 =	vadd.f32 v4, v3;
	v4 =	vmul.f32 v7, v18;
	_ =	sdelay $0x1  }
0xd9: {  	p0 =	seq.s32 s21, $0xF;
	v3 =	vadd.f32 v4, v3  }
0xda: {  	s24 =	sshll.u32 @!p0 s21, $0x5;
	s26 =	sadd.s32 $0x10, s25  }
0xdb: {  	s23 =	sand.u32 @!p0 $0x3FFFFFE0, s24;
	[tilespmem:s26+$0x0] =	vst v3  }
0xdc: {  	v3 =	vld @!p0 [tilespmem:s23+$0x20];
	_ =	sdelay $0x4  }
0xdd: {  	v4 =	vshll.u32 @!p0 v3, $0x4  }
0xde: {  	v5 =	vlaneseq.u32 @!p0;
	v3 =	vand.u32 @!p0 $0x7, v3;
	v4 =	vand.u32 @!p0 $0xFFFFFF80, v4  }
0xdf: {  	v6 =	vshrl.u32 @!p0 v5, $0x3;
	v3 =	vor.u32 @!p0 v3, v4;
	v4 =	vand.u32 @!p0 $0x7, v5  }
0xe0: {  	v6 =	vmul.u32 @!p0 $0x8, v6;
	v4 =	vperm.xlane @!p0 v3, v4;
	_ =	sdelay $0x1  }
0xe1: {  	v4 =	vadd.s32 @!p0 v6, v4;
	_ =	sdelay $0x3  }
0xe2: {  	vm1 =	vmmov @!p0 $0xffff;
	s25 =	simm.s32 @!p0 $0x2200;
	s24 =	simm.s32 @!p0 $0x0  }
0xe3: {  	[tilespmem:s25], [sflag:$0x1] =	stream.indirect_vreg.gather @!p0 [hbm4b:s2+s24], $0x80, v4, vm1, $0xb8;
	[tilespmem:$0x13200] =	vst v63  }
0xe4: {  	s25 =	simm.s32 @!p0 $0x2A00  }
0xe5: {  	[tilespmem:s25], [sflag:$0x1] =	stream.indirect_vreg.gather @!p0 [hbm4b:s7+s24], $0x80, v4, vm1, $0xb8;
	[tilespmem:$0x13200] =	vst v63  }
0xe6: {  	s25 =	simm.s32 @!p0 $0x3200  }
0xe7: {  	[tilespmem:s25], [sflag:$0x1] =	stream.indirect_vreg.gather @!p0 [hbm4b:s8+s24], $0x80, v4, vm1, $0xb8;
	[tilespmem:$0x13200] =	vst v63  }
0xe8: {  	s25 =	simm.s32 @!p0 $0x3A00  }
0xe9: {  	[tilespmem:s25], [sflag:$0x1] =	stream.indirect_vreg.gather @!p0 [hbm4b:s9+s24], $0x80, v4, vm1, $0xb8;
	[tilespmem:$0x13200] =	vst v63  }
0xea: {  	s25 =	simm.s32 @!p0 $0x4200  }
0xeb: {  	v5 =	vor.u32 @!p0 $0x8, v5;
	[tilespmem:s25], [sflag:$0x1] =	stream.indirect_vreg.gather @!p0 [hbm4b:s10+s24], $0x80, v4, vm1, $0xb8;
	[tilespmem:$0x13200] =	vst v63  }
0xec: {  	v3 =	vperm.xlane @!p0 v3, v5;
	s25 =	simm.s32 @!p0 $0x4A00  }
0xed: {  	[tilespmem:s25], [sflag:$0x1] =	stream.indirect_vreg.gather @!p0 [hbm4b:s11+s24], $0x80, v4, vm1, $0xb8;
	[tilespmem:$0x13200] =	vst v63  }
0xee: {  	v3 =	vadd.s32 @!p0 v6, v3;
	s25 =	simm.s32 @!p0 $0x5200  }
0xef: {  	[tilespmem:s25], [sflag:$0x1] =	stream.indirect_vreg.gather @!p0 [hbm4b:s12+s24], $0x80, v4, vm1, $0xb8;
	[tilespmem:$0x13200] =	vst v63  }
0xf0: {  	s25 =	simm.s32 @!p0 $0x5A00  }
0xf1: {  	[tilespmem:s25], [sflag:$0x1] =	stream.indirect_vreg.gather @!p0 [hbm4b:s13+s24], $0x80, v4, vm1, $0xb8;
	[tilespmem:$0x13200] =	vst v63  }
0xf2: {  	s25 =	simm.s32 @!p0 $0x6200  }
0xf3: {  	[tilespmem:s25], [sflag:$0x1] =	stream.indirect_vreg.gather @!p0 [hbm4b:s2+s24], $0x80, v3, vm1, $0xb8;
	[tilespmem:$0x13200] =	vst v63  }
0xf4: {  	s25 =	simm.s32 @!p0 $0x6A00  }
0xf5: {  	[tilespmem:s25], [sflag:$0x1] =	stream.indirect_vreg.gather @!p0 [hbm4b:s7+s24], $0x80, v3, vm1, $0xb8;
	[tilespmem:$0x13200] =	vst v63  }
0xf6: {  	s25 =	simm.s32 @!p0 $0x7200  }
0xf7: {  	[tilespmem:s25], [sflag:$0x1] =	stream.indirect_vreg.gather @!p0 [hbm4b:s8+s24], $0x80, v3, vm1, $0xb8;
	[tilespmem:$0x13200] =	vst v63  }
0xf8: {  	s25 =	simm.s32 @!p0 $0x7A00  }
0xf9: {  	[tilespmem:s25], [sflag:$0x1] =	stream.indirect_vreg.gather @!p0 [hbm4b:s9+s24], $0x80, v3, vm1, $0xb8;
	[tilespmem:$0x13200] =	vst v63  }
0xfa: {  	s25 =	simm.s32 @!p0 $0x8200  }
0xfb: {  	[tilespmem:s25], [sflag:$0x1] =	stream.indirect_vreg.gather @!p0 [hbm4b:s10+s24], $0x80, v3, vm1, $0xb8;
	[tilespmem:$0x13200] =	vst v63  }
0xfc: {  	s25 =	simm.s32 @!p0 $0x8A00  }
0xfd: {  	[tilespmem:s25], [sflag:$0x1] =	stream.indirect_vreg.gather @!p0 [hbm4b:s11+s24], $0x80, v3, vm1, $0xb8;
	[tilespmem:$0x13200] =	vst v63  }
0xfe: {  	s25 =	simm.s32 @!p0 $0x9200  }
0xff: {  	[tilespmem:s25], [sflag:$0x1] =	stream.indirect_vreg.gather @!p0 [hbm4b:s12+s24], $0x80, v3, vm1, $0xb8;
	[tilespmem:$0x13200] =	vst v63  }
0x100: {  	s25 =	simm.s32 @!p0 $0x9A00  }
0x101: {  	[tilespmem:s25], [sflag:$0x1] =	stream.indirect_vreg.gather @!p0 [hbm4b:s13+s24], $0x80, v3, vm1, $0xb8;
	[tilespmem:$0x13200] =	vst v63  }
0x102: {  	_ =	swait.ge [sflag:s18], $0x8000  }
0x103: {  	[sflag:s18] =	ssyncset.done $0x0  }
0x104: {  	s24 =	simm.s32 $0x0;
	[sflag:s18] =	ssyncadd.s32 $0xFFFF8000  }
0x105: {  	s25 =	sand.u32 $0x70, s24;
	s26 =	sand.u32 $0x3C00, s24;
	v6 =	vld [tilespmem:s22+$0x300]  }
0x106: {  	s26 =	sor.u32 s25, s26;
	v7 =	vld [tilespmem:s22+$0x310]  }
0x107: {  	s25 =	simm.s32 $0x12A00;
	v3 =	vld [tilespmem:s26+$0xA200]  }
0x108: {  	v4 =	vld [tilespmem:s25+$0x0]  }
0x109: {  	v8 =	vld [tilespmem:s26+$0xA280]  }
0x10a: {  	v9 =	vld [tilespmem:s22+$0x320]  }
0x10b: {  	v10 =	vld [tilespmem:s26+$0xA300]  }
0x10c: {  	v5 =	vld [tilespmem:s22+$0x330];
	v11 =	vmul.f32 v3, v6  }
0x10d: {  	v12 =	vld [tilespmem:s26+$0xA380]  }
0x10e: {  	v13 =	vld [tilespmem:s26+$0xA400];
	v8 =	vmul.f32 v8, v7;
	v11 =	vadd.f32 v11, v4  }
0x10f: {  	v3 =	vld [tilespmem:s22+$0x340]  }
0x110: {  	s28 =	sand.u32 $0x7, s24;
	v14 =	vld [tilespmem:s26+$0xA480];
	v10 =	vmul.f32 v10, v9;
	v11 =	vadd.f32 v8, v11  }
0x111: {  	s28 =	sshll.u32 s28, $0x4;
	v4 =	vld [tilespmem:s22+$0x350]  }
0x112: {  	s28 =	sadd.s32 $0x0, s28;
	v15 =	vld [tilespmem:s26+$0xA500];
	v12 =	vmul.f32 v12, v5;
	v11 =	vadd.f32 v10, v11  }
0x113: {  	s28 =	sor.u32 $0x380, s28;
	v8 =	vld [tilespmem:s22+$0x360]  }
0x114: {  	v16 =	vld [tilespmem:s28+$0xA200];
	v13 =	vmul.f32 v13, v3;
	v12 =	vadd.f32 v12, v11  }
0x115: {  	v10 =	vld [tilespmem:s22+$0x370]  }
0x116: {  	v17 =	vld [tilespmem:s26+$0xE200];
	v14 =	vmul.f32 v14, v4;
	v13 =	vadd.f32 v13, v12  }
0x117: {  	v11 =	vld [tilespmem:s22+$0x380]  }
0x118: {  	v18 =	vld [tilespmem:s26+$0xE280];
	v15 =	vmul.f32 v15, v8;
	v14 =	vadd.f32 v14, v13  }
0x119: {  	v12 =	vld [tilespmem:s22+$0x390]  }
0x11a: {  	v19 =	vld [tilespmem:s26+$0xE300];
	v16 =	vmul.f32 v16, v10;
	v15 =	vadd.f32 v15, v14  }
0x11b: {  	v13 =	vld [tilespmem:s22+$0x3A0]  }
0x11c: {  	v20 =	vld [tilespmem:s26+$0xE380];
	v17 =	vmul.f32 v17, v11;
	v16 =	vadd.f32 v16, v15  }
0x11d: {  	v14 =	vld [tilespmem:s22+$0x3B0]  }
0x11e: {  	v61 =	vld [tilespmem:s26+$0xE400];
	v18 =	vmul.f32 v18, v12;
	v17 =	vadd.f32 v17, v16  }
0x11f: {  	v15 =	vld [tilespmem:s22+$0x3C0]  }
0x120: {  	v62 =	vld [tilespmem:s26+$0xE480];
	v19 =	vmul.f32 v19, v13;
	v18 =	vadd.f32 v18, v17  }
0x121: {  	v16 =	vld [tilespmem:s22+$0x3D0]  }
0x122: {  	v23 =	vld [tilespmem:s26+$0xE500];
	v20 =	vmul.f32 v20, v14;
	v19 =	vadd.f32 v19, v18  }
0x123: {  	v17 =	vld [tilespmem:s22+$0x3E0]  }
0x124: {  	v63 =	vld [tilespmem:s26+$0xE580];
	v19 =	vadd.f32 v20, v19;
	v20 =	vmul.f32 v61, v15  }
0x125: {  	v18 =	vld [tilespmem:s22+$0x3F0]  }
0x126: {  	v19 =	vadd.f32 v20, v19;
	v20 =	vmul.f32 v62, v16;
	_ =	sdelay $0x1  }
0x127: {  	v19 =	vadd.f32 v20, v19;
	v20 =	vmul.f32 v23, v17;
	_ =	sdelay $0x1  }
0x128: {  	v19 =	vadd.f32 v20, v19;
	v20 =	vmul.f32 v63, v18  }
0x129: {  	s26 =	simm.s32 $0x80  }
0x12a: {  	s28 =	simm.s32 $0x10;
	s30 =	sand.u32 $0x3C00, s26;
	v19 =	vadd.f32 v20, v19  }
0x12b: {  	s29 =	sand.u32 $0x70, s28;
	s28 =	simm.s32 $0x20;
	s22 =	sadd.s32 $0x1, s21  }
.LBB2_5:
0x12c: {  	p1 =	sne.s32 s28, $0x7F0;
	s29 =	sor.u32 s29, s30;
	[tilespmem:s25+$0x0] =	vst v19  }
0x12d: {  	s25 =	sadd.s32 $0x10, s25;
	v19 =	vld [tilespmem:s29+$0xA200]  }
0x12e: {  	v20 =	vld [tilespmem:s25+$0x0]  }
0x12f: {  	v21 =	vld [tilespmem:s29+$0xA280];
	_ =	sdelay $0x1  }
0x130: {  	v22 =	vld [tilespmem:s29+$0xA300]  }
0x131: {  	v19 =	vmul.f32 v19, v6  }
0x132: {  	v23 =	vld [tilespmem:s29+$0xA380]  }
0x133: {  	v19 =	vadd.f32 v19, v20;
	v20 =	vmul.f32 v21, v7  }
0x134: {  	v21 =	vld [tilespmem:s29+$0xA400]  }
0x135: {  	s24 =	sadd.s32 $0x1, s24;
	v19 =	vadd.f32 v20, v19;
	v20 =	vmul.f32 v22, v9  }
0x136: {  	s30 =	sand.u32 $0x7, s24;
	v22 =	vld [tilespmem:s29+$0xA480]  }
0x137: {  	s30 =	sshll.u32 s30, $0x4;
	v19 =	vadd.f32 v20, v19;
	v20 =	vmul.f32 v23, v5  }
0x138: {  	s30 =	sadd.s32 s30, s26;
	v23 =	vld [tilespmem:s29+$0xA500]  }
0x139: {  	s30 =	sor.u32 $0x380, s30;
	v19 =	vadd.f32 v20, v19;
	v20 =	vmul.f32 v21, v3  }
0x13a: {  	v21 =	vld [tilespmem:s30+$0xA200]  }
0x13b: {  	v19 =	vadd.f32 v20, v19;
	v20 =	vmul.f32 v22, v4  }
0x13c: {  	v22 =	vld [tilespmem:s29+$0xE200]  }
0x13d: {  	v19 =	vadd.f32 v20, v19;
	v20 =	vmul.f32 v23, v8  }
0x13e: {  	v23 =	vld [tilespmem:s29+$0xE280]  }
0x13f: {  	v19 =	vadd.f32 v20, v19;
	v20 =	vmul.f32 v21, v10  }
0x140: {  	v21 =	vld [tilespmem:s29+$0xE300]  }
0x141: {  	v19 =	vadd.f32 v20, v19;
	v20 =	vmul.f32 v22, v11  }
0x142: {  	v22 =	vld [tilespmem:s29+$0xE380]  }
0x143: {  	v19 =	vadd.f32 v20, v19;
	v20 =	vmul.f32 v23, v12  }
0x144: {  	v23 =	vld [tilespmem:s29+$0xE400]  }
0x145: {  	v19 =	vadd.f32 v20, v19;
	v20 =	vmul.f32 v21, v13  }
0x146: {  	v21 =	vld [tilespmem:s29+$0xE480]  }
0x147: {  	v19 =	vadd.f32 v20, v19;
	v20 =	vmul.f32 v22, v14  }
0x148: {  	v22 =	vld [tilespmem:s29+$0xE500]  }
0x149: {  	v19 =	vadd.f32 v20, v19;
	v20 =	vmul.f32 v23, v15  }
0x14a: {  	v23 =	vld [tilespmem:s29+$0xE580]  }
0x14b: {  	v19 =	vadd.f32 v20, v19;
	v20 =	vmul.f32 v21, v16;
	_ =	sdelay $0x1  }
0x14c: {  	v19 =	vadd.f32 v20, v19;
	v20 =	vmul.f32 v22, v17  }
.Ltmp1:
0x14d: {  	(pc) =	sbr.rel @p1 .LBB2_5-.Ltmp1, $3  }
0x14e: {  	v19 =	vadd.f32 v20, v19;
	v20 =	vmul.f32 v23, v18;
	_ =	sdelay $0x1  }
0x14f: {  	s26 =	sadd.s32 $0x80, s26;
	v19 =	vadd.f32 v20, v19  }
0x150: {  	s30 =	sand.u32 $0x3C00, s26;
	s29 =	sand.u32 $0x70, s28;
	s28 =	sadd.s32 $0x10, s28  }
0x151: {  	s28 =	sor.u32 s29, s30;
	[tilespmem:s25+$0x0] =	vst v19  }
0x152: {  	s30 =	sadd.s32 $0x10, s25;
	v19 =	vld [tilespmem:s28+$0xA200]  }
0x153: {  	v20 =	vld [tilespmem:s30+$0x0]  }
0x154: {  	v21 =	vld [tilespmem:s28+$0xA280];
	_ =	sdelay $0x1  }
0x155: {  	v22 =	vld [tilespmem:s28+$0xA300]  }
0x156: {  	v6 =	vmul.f32 v19, v6  }
0x157: {  	v40 =	vld [tilespmem:s28+$0xA380]  }
0x158: {  	v7 =	vmul.f32 v21, v7;
	v6 =	vadd.f32 v6, v20  }
0x159: {  	v41 =	vld [tilespmem:s28+$0xA400]  }
0x15a: {  	s24 =	sadd.s32 $0x1, s24;
	v42 =	vmul.f32 v22, v9;
	v6 =	vadd.f32 v7, v6  }
0x15b: {  	s24 =	sand.u32 $0x7, s24;
	v43 =	vld [tilespmem:s28+$0xA480]  }
0x15c: {  	s24 =	sshll.u32 s24, $0x4;
	v5 =	vmul.f32 v40, v5;
	v6 =	vadd.f32 v42, v6  }
0x15d: {  	v44 =	vld [tilespmem:s28+$0xA500];
	s24 =	sadd.s32 s24, s26  }
0x15e: {  	s24 =	sor.u32 $0x380, s24;
	v3 =	vmul.f32 v41, v3;
	v5 =	vadd.f32 v5, v6  }
0x15f: {  	v45 =	vld [tilespmem:s24+$0xA200]  }
0x160: {  	v4 =	vmul.f32 v43, v4;
	v3 =	vadd.f32 v3, v5  }
0x161: {  	v46 =	vld [tilespmem:s28+$0xE200]  }
0x162: {  	v47 =	vmul.f32 v44, v8;
	v3 =	vadd.f32 v4, v3  }
0x163: {  	v48 =	vld [tilespmem:s28+$0xE280]  }
0x164: {  	v49 =	vmul.f32 v45, v10;
	v3 =	vadd.f32 v47, v3  }
0x165: {  	v50 =	vld [tilespmem:s28+$0xE300]  }
0x166: {  	v51 =	vmul.f32 v46, v11;
	v3 =	vadd.f32 v49, v3  }
0x167: {  	v52 =	vld [tilespmem:s28+$0xE380]  }
0x168: {  	v53 =	vmul.f32 v48, v12;
	v3 =	vadd.f32 v51, v3  }
0x169: {  	v54 =	vld [tilespmem:s28+$0xE400]  }
0x16a: {  	v55 =	vmul.f32 v50, v13;
	v3 =	vadd.f32 v53, v3  }
0x16b: {  	v56 =	vld [tilespmem:s28+$0xE480]  }
0x16c: {  	v57 =	vmul.f32 v52, v14;
	v3 =	vadd.f32 v55, v3  }
0x16d: {  	v58 =	vld [tilespmem:s28+$0xE500]  }
0x16e: {  	v59 =	vmul.f32 v54, v15;
	v3 =	vadd.f32 v57, v3  }
0x16f: {  	v60 =	vld [tilespmem:s28+$0xE580]  }
0x170: {  	v61 =	vmul.f32 v56, v16;
	v3 =	vadd.f32 v59, v3;
	_ =	sdelay $0x1  }
0x171: {  	v62 =	vmul.f32 v58, v17;
	v3 =	vadd.f32 v61, v3;
	_ =	sdelay $0x1  }
0x172: {  	v63 =	vmul.f32 v60, v18;
	v3 =	vadd.f32 v62, v3;
	_ =	sdelay $0x1  }
0x173: {  	v3 =	vadd.f32 v63, v3;
	_ =	sdelay $0x1  }
0x174: {  	[tilespmem:s30+$0x0] =	vst v3  }
0x175: {  	v3 =	vld @!p0 [tilespmem:s23+$0x30];
	_ =	sdelay $0x4  }
0x176: {  	v4 =	vshll.u32 @!p0 v3, $0x4  }
0x177: {  	v5 =	vlaneseq.u32 @!p0;
	v3 =	vand.u32 @!p0 $0x7, v3;
	v4 =	vand.u32 @!p0 $0xFFFFFF80, v4  }
0x178: {  	v6 =	vshrl.u32 @!p0 v5, $0x3;
	v3 =	vor.u32 @!p0 v3, v4;
	v4 =	vand.u32 @!p0 $0x7, v5  }
0x179: {  	v6 =	vmul.u32 @!p0 $0x8, v6;
	v4 =	vperm.xlane @!p0 v3, v4;
	_ =	sdelay $0x1  }
0x17a: {  	v4 =	vadd.s32 @!p0 v6, v4;
	_ =	sdelay $0x3  }
0x17b: {  	s24 =	simm.s32 @!p0 $0xA200;
	s23 =	simm.s32 @!p0 $0x0  }
0x17c: {  	[tilespmem:s24], [sflag:$0x2] =	stream.indirect_vreg.gather @!p0 [hbm4b:s2+s23], $0x80, v4, vm1, $0xb8;
	[tilespmem:$0x13200] =	vst v63  }
0x17d: {  	s24 =	simm.s32 @!p0 $0xAA00  }
0x17e: {  	[tilespmem:s24], [sflag:$0x2] =	stream.indirect_vreg.gather @!p0 [hbm4b:s7+s23], $0x80, v4, vm1, $0xb8;
	[tilespmem:$0x13200] =	vst v63  }
0x17f: {  	s24 =	simm.s32 @!p0 $0xB200  }
0x180: {  	[tilespmem:s24], [sflag:$0x2] =	stream.indirect_vreg.gather @!p0 [hbm4b:s8+s23], $0x80, v4, vm1, $0xb8;
	[tilespmem:$0x13200] =	vst v63  }
0x181: {  	s24 =	simm.s32 @!p0 $0xBA00  }
0x182: {  	[tilespmem:s24], [sflag:$0x2] =	stream.indirect_vreg.gather @!p0 [hbm4b:s9+s23], $0x80, v4, vm1, $0xb8;
	[tilespmem:$0x13200] =	vst v63  }
0x183: {  	s24 =	simm.s32 @!p0 $0xC200  }
0x184: {  	v5 =	vor.u32 @!p0 $0x8, v5;
	[tilespmem:s24], [sflag:$0x2] =	stream.indirect_vreg.gather @!p0 [hbm4b:s10+s23], $0x80, v4, vm1, $0xb8;
	[tilespmem:$0x13200] =	vst v63  }
0x185: {  	v3 =	vperm.xlane @!p0 v3, v5;
	s24 =	simm.s32 @!p0 $0xCA00  }
0x186: {  	[tilespmem:s24], [sflag:$0x2] =	stream.indirect_vreg.gather @!p0 [hbm4b:s11+s23], $0x80, v4, vm1, $0xb8;
	[tilespmem:$0x13200] =	vst v63  }
0x187: {  	v3 =	vadd.s32 @!p0 v6, v3;
	s24 =	simm.s32 @!p0 $0xD200  }
0x188: {  	[tilespmem:s24], [sflag:$0x2] =	stream.indirect_vreg.gather @!p0 [hbm4b:s12+s23], $0x80, v4, vm1, $0xb8;
	[tilespmem:$0x13200] =	vst v63  }
0x189: {  	s24 =	simm.s32 @!p0 $0xDA00  }
0x18a: {  	[tilespmem:s24], [sflag:$0x2] =	stream.indirect_vreg.gather @!p0 [hbm4b:s13+s23], $0x80, v4, vm1, $0xb8;
	[tilespmem:$0x13200] =	vst v63  }
0x18b: {  	s24 =	simm.s32 @!p0 $0xE200  }
0x18c: {  	[tilespmem:s24], [sflag:$0x2] =	stream.indirect_vreg.gather @!p0 [hbm4b:s2+s23], $0x80, v3, vm1, $0xb8;
	[tilespmem:$0x13200] =	vst v63  }
0x18d: {  	s24 =	simm.s32 @!p0 $0xEA00  }
0x18e: {  	[tilespmem:s24], [sflag:$0x2] =	stream.indirect_vreg.gather @!p0 [hbm4b:s7+s23], $0x80, v3, vm1, $0xb8;
	[tilespmem:$0x13200] =	vst v63  }
0x18f: {  	s24 =	simm.s32 @!p0 $0xF200  }
0x190: {  	[tilespmem:s24], [sflag:$0x2] =	stream.indirect_vreg.gather @!p0 [hbm4b:s8+s23], $0x80, v3, vm1, $0xb8;
	[tilespmem:$0x13200] =	vst v63  }
0x191: {  	s24 =	simm.s32 @!p0 $0xFA00  }
0x192: {  	[tilespmem:s24], [sflag:$0x2] =	stream.indirect_vreg.gather @!p0 [hbm4b:s9+s23], $0x80, v3, vm1, $0xb8;
	[tilespmem:$0x13200] =	vst v63  }
0x193: {  	s24 =	simm.s32 @!p0 $0x10200  }
0x194: {  	[tilespmem:s24], [sflag:$0x2] =	stream.indirect_vreg.gather @!p0 [hbm4b:s10+s23], $0x80, v3, vm1, $0xb8;
	[tilespmem:$0x13200] =	vst v63  }
0x195: {  	s24 =	simm.s32 @!p0 $0x10A00  }
0x196: {  	[tilespmem:s24], [sflag:$0x2] =	stream.indirect_vreg.gather @!p0 [hbm4b:s11+s23], $0x80, v3, vm1, $0xb8;
	[tilespmem:$0x13200] =	vst v63  }
0x197: {  	s24 =	simm.s32 @!p0 $0x11200  }
0x198: {  	[tilespmem:s24], [sflag:$0x2] =	stream.indirect_vreg.gather @!p0 [hbm4b:s12+s23], $0x80, v3, vm1, $0xb8;
	[tilespmem:$0x13200] =	vst v63  }
0x199: {  	s24 =	simm.s32 @!p0 $0x11A00  }
0x19a: {  	[tilespmem:s24], [sflag:$0x2] =	stream.indirect_vreg.gather @!p0 [hbm4b:s13+s23], $0x80, v3, vm1, $0xb8;
	[tilespmem:$0x13200] =	vst v63  }
0x19b: {  	s21 =	sshll.u32 s21, $0x8;
	p0 =	sne.s32 s22, $0x10  }
.Ltmp2:
0x19c: {  	s21 =	sadd.s32 s21, s14;
	(pc) =	sbr.rel @p0 .LBB2_2-.Ltmp2, $4  }
0x19d: {  	[hbm4b:s21+s4] =	stream.linear.scatter [tilespmem:s19], [sflag:$0x3], $0x800, $0x38;
	[tilespmem:$0x13200] =	vst v63  }
0x19e: {  	_ =	swait.ge [sflag:s17], $0x800  }
0x19f: {  	[sflag:s17] =	ssyncset.done $0x0  }
0x1a0: {  	s21 =	smov.u32 s22;
	[sflag:s17] =	ssyncadd.s32 $0xFFFFF800  }
0x1a1: {  	s20 =	sadd.s32 $0x1, s20  }
0x1a2: {  	p0 =	sne.s32 s20, s15  }
.Ltmp3:
0x1a3: {  	_ = 	snop;
	(pc) =	sbr.rel @p0 .LBB2_1-.Ltmp3, $1  }
0x1a4: {  	_ =	sdelay $0x3  }
0x1a5: {  	_ =	sfence.sel $0x180000  }
0x1a6: {  	[bflag:$0x0] =	sbarrier.arrive $0xFFFF  }
0x1a7: {  	_ =	strace $0x90000047  }
0x1a8: {  	s0 =	stileid.u32;
	[bflag:$0x2] =	sbarrier.arrive $0xFFFF  }
0x1a9: {  	p0 =	sne.s32 s0, $0x0;
	s0 =	rddreg [dreg:$0x3]  }
0x1aa: {  	s0 =	sadd.s32 @!p0 $0x100000, s0  }
0x1ab: {  	[sflag:s0] =	ssyncadd.tile.s32 @!p0 $0x1;
	_ =	shalt  }
.Lfunc_end2:
_tile_overlayer_lowered:
.L_overlay_start_2:
0x1ac: {  	(tag) =	ssettag $0x2  }
0x1ad: {  	s0 =	rddreg [dreg:$0x0];
	s2 =	stileid.u32  }
0x1ae: {  	s1 =	rddreg [dreg:$0x1];
	p0 =	sne.s32 s2, $0x0  }
0x1af: {  	s3 =	rddreg [dreg:$0x2];
	[bflag:$0x3] =	sbarrier.arrive $0xFFFF;
	s2 =	simm.s32 @!p0 $0x1C03  }
0x1b0: {  	[timem:s3], [sflag:s2] =	dma.local @!p0 [hbm:s0], s1  }
0x1b1: {  	s0 =	simm.s32 @!p0 $0x3  }
0x1b2: {  	_ =	swait.ge @!p0 [sflag:s0], s1  }
0x1b3: {  	s1 =	ssub.s32 @!p0 $0x0, s1;
	[sflag:s0] =	ssyncset.done @!p0 $0x0  }
0x1b4: {  	[sflag:s0] =	ssyncadd.s32 @!p0 s1  }
0x1b5: {  	[bflag:$0x3] =	sbarrier.arrive $0xFFFF  }
0x1b6: {  	_ =	shalt  }

// kernel: kernel.9.cloned.1.call-start
scs
__scs_entry_jumppad:
0x0: {  	(pc) =	sbr.rel $0x88, $3  }
0x1: {  	(tag) =	ssettag $0x0;
	lr =	simm.s32 $0x1  }
0x2: {  	[smem:$0x3F9C] =	sst lr;
	_ =	strace $0xD0000000  }
0x3: {  	_ = 	snop  }
0x4: {  	_ = 	snop  }
0x5: {  	_ = 	snop  }
0x6: {  	_ = 	snop  }
0x7: {  	_ = 	snop  }
__scs_overlays_trampoline_lowered:
0x8: {  	[smem:$0x3FAB] =	sst s0  }
0x9: {  	[smem:$0x3FAC] =	sst s1  }
0xa: {  	[smem:$0x3FAD] =	sst s2  }
0xb: {  	[smem:$0x3FAE] =	sst s3  }
0xc: {  	[smem:$0x3FAF] =	sst s4  }
0xd: {  	[smem:$0x3FB0] =	sst s5  }
0xe: {  	[smem:$0x3FB1] =	sst s6  }
0xf: {  	[smem:$0x3FB2] =	sst s7  }
0x10: {  	[smem:$0x3FB3] =	sst s8  }
0x11: {  	[smem:$0x3FB4] =	sst s9;
	s0 =	simm.s32 @!p0 $0x0  }
0x12: {  	s1 =	sld [smem:$0x3F9A];
	s0 =	simm.s32 @p0 $0x1  }
0x13: {  	[smem:$0x3FB5] =	sst s0;
	s0 =	simm.s32 @!p1 $0x0  }
0x14: {  	s2 =	sld [smem:$0x3F99];
	s0 =	simm.s32 @p1 $0x1  }
0x15: {  	[smem:$0x3FB6] =	sst s0;
	s0 =	simm.s32 @!p2 $0x0  }
0x16: {  	s3 =	sld [smem:$0x3FDB];
	s0 =	simm.s32 @p2 $0x1  }
0x17: {  	s4 =	simm.s32 $0x1BF5;
	[smem:$0x3FB8] =	sst s0  }
0x18: {  	s0 =	sld [smem:$0x3F9B];
	_ =	swait.ge [sflag:s4], $0x0  }
0x19: {  	s7 =	sld [smem:$0x3F9C]  }
0x1a: {  	s8 =	sadd.s32 $0xFFFFE003, lr  }
0x1b: {  	s9 =	sadd.s32 $0xFFFFFEF7, lr;
	s5 =	simm.s32 $0xFFFFFFFF;
	p2 =	slt.u32 s8, $0xFFFFF086  }
0x1c: {  	p1 =	slt.u32 s9, $0xF7A;
	s5 =	simm.s32 @!p2 $0x0  }
0x1d: {  	s5 =	simm.s32 @p1 $0x1;
	p0 =	seq.s32 s7, s2  }
0x1e: {  	s7 =	smul.u32 @!p0 $0xF7A, s2;
	p2 =	seq.s32 @!p0 s5, $0x0  }
0x1f: {  	s9 =	smul.u32 $0xF7A, s1;
	s8 =	simm.s32 @!p0 $0x1BF5;
	p2 =	por !p2, p0  }
0x20: {  	[sflag:s8] =	ssyncset.s32 @!p0 $0xFFFFF086;
	s6 =	sadd.s32 @!p0 s3, s7;
	s7 =	simm.s32 @!p0 $0x108  }
0x21: {  	s3 =	sadd.s32 s3, s9;
	s6 =	sadd.s32 @!p0 $0x88, s6;
	s7 =	simm.s32 @p2 $0x1082  }
0x22: {  	[simem:s7], [sflag:s8] =	dma.local @!p0 [hbm:s6], $0xF7A  }
0x23: {  	s9 =	sor.u32 $0xD0000000, s2;
	s6 =	simm.s32 $0x108;
	_ =	swait.ge @!p0 [sflag:s8], $0x0  }
0x24: {  	s3 =	sadd.s32 $0x88, s3;
	s6 =	simm.s32 @!p1 $0x1082;
	[sflag:s4] =	ssyncset.s32 $0xFFFFF086  }
0x25: {  	[simem:s6], [sflag:s4] =	dma.local [hbm:s3], $0xF7A  }
0x26: {  	[smem:$0x3F9C] =	sst s1;
	(tag) =	ssettag s2;
	_ =	strace s9  }
0x27: {  	s1 =	sld [smem:$0x3FAC]  }
0x28: {  	s2 =	sld [smem:$0x3FAD]  }
0x29: {  	s4 =	sld [smem:$0x3FAF]  }
0x2a: {  	p0 =	seq.s32 s5, $0x0;
	s5 =	sld [smem:$0x3FB0]  }
0x2b: {  	s6 =	sld [smem:$0x3FB1]  }
0x2c: {  	s7 =	sld [smem:$0x3FB2]  }
0x2d: {  	s3 =	simm.s32 $0x108;
	s8 =	sld [smem:$0x3FB3]  }
0x2e: {  	s3 =	simm.s32 @!p0 $0x1082;
	s9 =	sld [smem:$0x3FB4]  }
0x2f: {  	lr =	sadd.s32 s0, s3;
	s0 =	sld [smem:$0x3FAB]  }
0x30: {  	s3 =	sld [smem:$0x3FAE]  }
0x31: {  	[smem:$0x3FB7] =	sst s10  }
0x32: {  	s10 =	sld [smem:$0x3FB5];
	_ =	sdelay $0x3  }
0x33: {  	p0 =	seq.s32 s10, $0x1;
	s10 =	sld [smem:$0x3FB7];
	_ =	sdelay $0x3  }
0x34: {  	[smem:$0x3FB7] =	sst s10  }
0x35: {  	s10 =	sld [smem:$0x3FB6];
	_ =	sdelay $0x3  }
0x36: {  	p1 =	seq.s32 s10, $0x1;
	s10 =	sld [smem:$0x3FB7];
	_ =	sdelay $0x3  }
0x37: {  	[smem:$0x3FB7] =	sst s10  }
0x38: {  	s10 =	sld [smem:$0x3FB8]  }
0x39: {  	_ = 	snop;
	(pc) =	sbr.ind lr, $3  }
0x3a: {  	_ = 	snop  }
0x3b: {  	_ = 	snop  }
0x3c: {  	p2 =	seq.s32 s10, $0x1;
	s10 =	sld [smem:$0x3FB7]  }
0x3d: {  	_ =	shalt  }
0x3e: {  	_ =	shalt  }
0x3f: {  	_ =	shalt  }
0x40: {  	_ =	shalt  }
0x41: {  	_ =	shalt  }
0x42: {  	_ =	shalt  }
0x43: {  	_ =	shalt  }
0x44: {  	_ =	shalt  }
0x45: {  	_ =	shalt  }
0x46: {  	_ =	shalt  }
0x47: {  	_ =	shalt  }
0x48: {  	_ =	shalt  }
0x49: {  	_ =	shalt  }
0x4a: {  	_ =	shalt  }
0x4b: {  	_ =	shalt  }
0x4c: {  	_ =	shalt  }
0x4d: {  	_ =	shalt  }
0x4e: {  	_ =	shalt  }
0x4f: {  	_ =	shalt  }
0x50: {  	_ =	shalt  }
0x51: {  	_ =	shalt  }
0x52: {  	_ =	shalt  }
0x53: {  	_ =	shalt  }
0x54: {  	_ =	shalt  }
0x55: {  	_ =	shalt  }
0x56: {  	_ =	shalt  }
0x57: {  	_ =	shalt  }
0x58: {  	_ =	shalt  }
0x59: {  	_ =	shalt  }
0x5a: {  	_ =	shalt  }
0x5b: {  	_ =	shalt  }
0x5c: {  	_ =	shalt  }
0x5d: {  	_ =	shalt  }
0x5e: {  	_ =	shalt  }
0x5f: {  	_ =	shalt  }
0x60: {  	_ =	shalt  }
0x61: {  	_ =	shalt  }
0x62: {  	_ =	shalt  }
0x63: {  	_ =	shalt  }
0x64: {  	_ =	shalt  }
0x65: {  	_ =	shalt  }
0x66: {  	_ =	shalt  }
0x67: {  	_ =	shalt  }
0x68: {  	_ =	shalt  }
0x69: {  	_ =	shalt  }
0x6a: {  	_ =	shalt  }
0x6b: {  	_ =	shalt  }
0x6c: {  	_ =	shalt  }
0x6d: {  	_ =	shalt  }
0x6e: {  	_ =	shalt  }
0x6f: {  	_ =	shalt  }
0x70: {  	_ =	shalt  }
0x71: {  	_ =	shalt  }
0x72: {  	_ =	shalt  }
0x73: {  	_ =	shalt  }
0x74: {  	_ =	shalt  }
0x75: {  	_ =	shalt  }
0x76: {  	_ =	shalt  }
0x77: {  	_ =	shalt  }
0x78: {  	_ =	shalt  }
0x79: {  	_ =	shalt  }
0x7a: {  	_ =	shalt  }
0x7b: {  	_ =	shalt  }
0x7c: {  	_ =	shalt  }
0x7d: {  	_ =	shalt  }
0x7e: {  	_ =	shalt  }
0x7f: {  	_ =	shalt  }
0x80: {  	_ =	shalt  }
0x81: {  	_ =	shalt  }
0x82: {  	_ =	shalt  }
0x83: {  	_ =	shalt  }
0x84: {  	_ =	shalt  }
0x85: {  	_ =	shalt  }
0x86: {  	_ =	shalt  }
0x87: {  	_ =	shalt  }
.Lfunc_end0:
.L_simem_size_0:
called_computation.1_lowered:
.L_overlay_start_0:
0x88: {  	s2 =	sld [smem:$0x3FD9]  }
0x89: {  	s3 =	sld [smem:$0x3FFE];
	_ =	sdelay $0x1  }
0x8a: {  	s1 =	srdreg.scid  }
0x8b: {  	s0 =	sand.u32 $0x1, s1  }
0x8c: {  	s17 =	sshll.u32 s0, $0xA;
	s2 =	sadd.s32 s3, s2  }
0x8d: {  	s2 =	sadd.s32 s2, s17  }
0x8e: {  	[smem:$0x3FC3] =	sst s2  }
0x8f: {  	_ = 	snop  }
0x90: {  	s18 =	sld [smem:$0x3FC6]  }
0x91: {  	s4 =	sld [smem:$0x3FC5]  }
0x92: {  	s5 =	sld [smem:$0x3FD0];
	(tm) =	ssettm $0x1  }
0x93: {  	s19 =	sld [smem:$0x3FFB];
	_ =	sdelay $0x3  }
0x94: {  	_ =	strace s19  }
0x95: {  	s2 =	sld [smem:$0x3FFC];
	_ =	sdelay $0x3  }
0x96: {  	_ =	strace s2  }
0x97: {  	s2 =	sld [smem:$0x3FFD];
	_ =	sdelay $0x3  }
0x98: {  	_ =	strace s2  }
0x99: {  	_ =	strace $0x8FFFFFFF  }
0x9a: {  	s20 =	sld [smem:$0x3FDB];
	_ =	sdelay $0x1  }
0x9b: {  	s6 =	simm.s32 $_scs_section_size  }
0x9c: {  	s7 =	simm.s32 $_size__tile_overlayer_lowered;
	s8 =	simm.s32 $_tile_overlayer_lowered  }
0x9d: {  	s9 =	simm.s32 $0x1BFF;
	s21 =	sshll.u32 s8, $0x1;
	s6 =	sadd.s32 s6, s20  }
0x9e: {  	s22 =	simm.s32 $0x0;
	s7 =	sshll.u32 s7, $0x1;
	s8 =	sadd.s32 s21, s6  }
0x9f: {  	[timem:s22], [sflag:s9] =	dma.local [hbm:s8], s7  }
0xa0: {  	_ =	swait.ge [sflag:s9], s7  }
0xa1: {  	s7 =	ssub.s32 $0x0, s7;
	[sflag:s9] =	ssyncset.done $0x0  }
0xa2: {  	[sflag:s9] =	ssyncadd.s32 s7;
	_ =	sdelay $0x1  }
0xa3: {  	s23 =	simm.s32 $0x1B8B  }
0xa4: {  	_ =	swait.ge [sflag:s23], $0x1  }
0xa5: {  	[sflag:s23] =	ssyncset.done $0x0  }
0xa6: {  	[sflag:s23] =	ssyncadd.s32 $0xFFFFFFFF  }
0xa7: {  	s7 =	sld [smem:$0x0]  }
0xa8: {  	s8 =	sand.u32 $0xFFFFFFFE, s1  }
0xa9: {  	p0 =	sne.s32 s1, s8  }
0xaa: {  	s8 =	sshll.u32 @p0 s8, $0xE  }
0xab: {  	s8 =	sadd.s32 @p0 $0x11B8D, s8;
	s9 =	sshll.u32 @p0 s7, $0x11  }
0xac: {  	s8 =	sor.u32 @p0 s9, s8  }
0xad: {  	[sflag:s8] =	ssyncadd.remote.s32 @p0 $0x1;
	_ =	sdelay $0x1  }
0xae: {  	s8 =	simm.s32 @p0 $0x1B8D  }
0xaf: {  	_ =	swait.eq @p0 [sflag:s8], $0x1  }
0xb0: {  	[sflag:s8] =	ssyncadd.s32 @p0 $0xFFFFFFFF  }
0xb1: {  	s9 =	sshll.u32 @!p0 s1, $0xE  }
0xb2: {  	s9 =	sor.u32 @!p0 $0x4000, s9;
	s8 =	simm.s32 @!p0 $0x1B8D  }
0xb3: {  	s7 =	sshll.u32 @!p0 s7, $0x11;
	s9 =	sadd.s32 @!p0 $0x11B8D, s9;
	_ =	swait.eq @!p0 [sflag:s8], $0x1  }
0xb4: {  	s7 =	sor.u32 @!p0 s7, s9;
	[sflag:s8] =	ssyncadd.s32 @!p0 $0xFFFFFFFF  }
0xb5: {  	s25 =	simm.s32 $0x1B8E;
	s24 =	sld [smem:$0x3FFE];
	[sflag:s7] =	ssyncadd.remote.s32 @!p0 $0x1  }
0xb6: {  	s26 =	simm.s32 $execute0_lowered;
	[smem:$0x3FD2] =	sst s25  }
0xb7: {  	s8 =	sshll.u32 s26, $0x1;
	_ =	strace $0x80000049;
	[dreg:$0x1] =	wrdreg $0xFFFFFFFF  }
0xb8: {  	s28 =	simm.s32 $_size_execute0_lowered;
	s6 =	sadd.s32 s6, s8;
	[dreg:$0x0] =	wrdreg $0x0  }
0xb9: {  	s8 =	sshll.u32 s28, $0x1;
	[dreg:$0x2] =	wrdreg s6  }
0xba: {  	[dreg:$0x3] =	wrdreg s8  }
0xbb: {  	[dreg:$0x4] =	wrdreg $0xC0  }
0xbc: {  	_ =	task [dreg:s22], $0x5FFFF  }
0xbd: {  	[dreg:$0x1] =	wrdreg $0xFFFFFFFF  }
0xbe: {  	[dreg:$0x0] =	wrdreg $0x60  }
0xbf: {  	[dreg:$0x2] =	wrdreg s24  }
0xc0: {  	[dreg:$0x3] =	wrdreg s18  }
0xc1: {  	[dreg:$0x4] =	wrdreg s4  }
0xc2: {  	[dreg:$0x5] =	wrdreg s5  }
0xc3: {  	[dreg:$0x6] =	wrdreg $0xA  }
0xc4: {  	_ =	task.clear_ibuf [dreg:s22], $0x7FFFF;
	_ =	strace $0x90000049  }
0xc5: {  	s29 =	simm.s32 $0xA;
	_ =	strace $0x8000004B  }
0xc6: {  	_ =	swait.ge [sflag:s29], $0x1  }
0xc7: {  	[sflag:s29] =	ssyncadd.s32 $0xFFFFFFFF  }
0xc8: {  	_ =	strace $0x9000004B  }
0xc9: {  	_ =	sfence  }
0xca: {  	s30 =	sld [smem:$0x0];
	_ =	sdelay $0x2  }
0xcb: {  	s31 =	sshll.u32 s1, $0xD;
	s1 =	sshrl.u32 s1, $0x2  }
0xcc: {  	s4 =	sand.u32 $0x4000, s31;
	s1 =	sadd.s32 s1, s30  }
0xcd: {  	s0 =	sor.u32 s4, s0;
	s1 =	sshll.u32 s1, $0x11  }
0xce: {  	s0 =	sor.u32 s1, s0  }
0xcf: {  	s0 =	sadd.s32 $0x8F2B, s0  }
0xd0: {  	[sflag:s0] =	ssyncadd.remote.s32 $0x1  }
0xd1: {  	_ =	sfence.sel $0xFFFF  }
0xd2: {  	[dreg:$0x0] =	wrdreg $0xFFFFFFFF;
	(pc) =	sbr.abs _section_cstart, $3  }
0xd3: {  	[dreg:$0x1] =	wrdreg $0xFFFFFFFF  }
0xd4: {  	_ =	task.clear_ibuf [dreg:s22], $0x2FFFF;
	_ =	strace $0x9FFFFFFF  }
0xd5: {  	(tm) =	ssettm $0x7FFFFFFF  }
tec
execute0_lowered:
.L_overlay_start_1:
0x0: {  	(tag) =	ssettag $0x1  }
0x1: {  	s0 =	rddreg [dreg:$0x0]  }
0x2: {  	s1 =	rddreg [dreg:$0x1]  }
0x3: {  	s2 =	rddreg [dreg:$0x3]  }
0x4: {  	s4 =	simm.s32 $0x0;
	s3 =	srdreg.scid;
	s5 =	stileid.u32  }
0x5: {  	s17 =	simm.s32 $0x3;
	s31 =	simm.s32 $0x10200;
	s16 =	simm.s32 $0x1  }
0x6: {  	s18 =	simm.s32 $0x2;
	s19 =	simm.s32 $0x12A00;
	s20 =	simm.s32 $0x0  }
0x7: {  	[smem:$0x7FF] =	sst s4;
	s3 =	sand.u32 $0x1, s3;
	s5 =	sshll.u32 s5, $0x1  }
0x8: {  	s9 =	sadd.s32 $0x300, s1;
	s10 =	sadd.s32 $0x400, s1;
	s11 =	sadd.s32 $0x500, s1  }
0x9: {  	s12 =	sadd.s32 $0x600, s1;
	_ =	strace $0x8000004A;
	s13 =	sor.u32 s3, s5  }
0xa: {  	s3 =	ssub.s32 $0x2, s3;
	s5 =	sshll.u32 s13, $0xA;
	s6 =	sshll.u32 s13, $0x6  }
0xb: {  	s7 =	sshrl.u32 s3, $0x1;
	s30 =	sshll.u32 s13, $0xC;
	s13 =	sadd.s32 $0x700, s1  }
0xc: {  	s8 =	sadd.s32 s5, s0;
	s0 =	sadd.s32 s6, s0;
	s3 =	ssub.s32 s3, s7  }
0xd: {  	v2 =	vlaneseq.u32;
	s7 =	sadd.s32 $0x100, s1;
	s14 =	sadd.s32 s2, s30;
	s2 =	simm.s32 $0x11A00  }
0xe: {  	vm0 =	vmmov $0xffff;
	v1 =	vshrl.u32 v2, $0x3;
	s5 =	sadd.s32 $0x2A000, s0;
	s6 =	sadd.s32 $0x2A800, s8;
	s8 =	sadd.s32 $0x200, s1  }
0xf: {  	v0 =	vand.u32 $0x7, v2;
	v2 =	vor.u32 $0x8, v2;
	v1 =	vmul.u32 $0x8, v1;
	s15 =	smax.u32 s3, $0x1;
	s0 =	simm.s32 $0x10A00;
	s3 =	simm.s32 $0x11200  }
.LBB2_1:
0x10: {  	s21 =	rddreg [dreg:$0x2];
	s22 =	simm.s32 $0x12200  }
0x11: {  	[tilespmem:s22], [sflag:$0x3] =	stream.linear.gather [hbm4b:s21+s4], $0x800, $0x38;
	[tilespmem:$0x13200] =	vst v63  }
0x12: {  	_ =	swait.ge [sflag:s17], $0x800  }
0x13: {  	[sflag:s17] =	ssyncset.done $0x0  }
0x14: {  	[sflag:s17] =	ssyncadd.s32 $0xFFFFF800  }
0x15: {  	[tilespmem:s4], [sflag:$0x3] =	stream.linear.gather [hbm4b:s5+s4], $0x200, $0x38;
	[tilespmem:$0x13200] =	vst v63  }
0x16: {  	_ =	swait.ge [sflag:s17], $0x200  }
0x17: {  	[sflag:s17] =	ssyncset.done $0x0  }
0x18: {  	s25 =	simm.s32 $0x200;
	[sflag:s17] =	ssyncadd.s32 $0xFFFFFE00  }
0x19: {  	[tilespmem:s25], [sflag:$0x3] =	stream.linear.gather [hbm4b:s6+s4], $0x2000, $0x38;
	[tilespmem:$0x13200] =	vst v63  }
0x1a: {  	_ =	swait.ge [sflag:s17], $0x2000  }
0x1b: {  	[sflag:s17] =	ssyncset.done $0x0  }
0x1c: {  	[sflag:s17] =	ssyncadd.s32 $0xFFFFE000  }
0x1d: {  	v3 =	vld [tilespmem:$0x0];
	_ =	sdelay $0x4  }
0x1e: {  	v4 =	vshll.u32 v3, $0x4  }
0x1f: {  	v3 =	vand.u32 $0x7, v3;
	v4 =	vand.u32 $0xFFFFFF80, v4  }
0x20: {  	v3 =	vor.u32 v3, v4  }
0x21: {  	v4 =	vperm.xlane v3, v0;
	_ =	sdelay $0x1  }
0x22: {  	v4 =	vadd.s32 v1, v4;
	_ =	sdelay $0x3  }
0x23: {  	s26 =	simm.s32 $0x2200  }
0x24: {  	[tilespmem:s26], [sflag:$0x1] =	stream.indirect_vreg.gather [hbm4b:s1+s4], $0x80, v4, vm0, $0xb8;
	[tilespmem:$0x13200] =	vst v63  }
0x25: {  	s28 =	simm.s32 $0x2A00  }
0x26: {  	[tilespmem:s28], [sflag:$0x1] =	stream.indirect_vreg.gather [hbm4b:s7+s4], $0x80, v4, vm0, $0xb8;
	[tilespmem:$0x13200] =	vst v63  }
0x27: {  	s29 =	simm.s32 $0x3200  }
0x28: {  	[tilespmem:s29], [sflag:$0x1] =	stream.indirect_vreg.gather [hbm4b:s8+s4], $0x80, v4, vm0, $0xb8;
	[tilespmem:$0x13200] =	vst v63  }
0x29: {  	s30 =	simm.s32 $0x3A00  }
0x2a: {  	[tilespmem:s30], [sflag:$0x1] =	stream.indirect_vreg.gather [hbm4b:s9+s4], $0x80, v4, vm0, $0xb8;
	[tilespmem:$0x13200] =	vst v63  }
0x2b: {  	s22 =	simm.s32 $0x4200  }
0x2c: {  	[tilespmem:s22], [sflag:$0x1] =	stream.indirect_vreg.gather [hbm4b:s10+s4], $0x80, v4, vm0, $0xb8;
	[tilespmem:$0x13200] =	vst v63  }
0x2d: {  	s23 =	simm.s32 $0x4A00;
	v3 =	vperm.xlane v3, v2  }
0x2e: {  	[tilespmem:s23], [sflag:$0x1] =	stream.indirect_vreg.gather [hbm4b:s11+s4], $0x80, v4, vm0, $0xb8;
	[tilespmem:$0x13200] =	vst v63  }
0x2f: {  	s24 =	simm.s32 $0x5200;
	v3 =	vadd.s32 v1, v3  }
0x30: {  	[tilespmem:s24], [sflag:$0x1] =	stream.indirect_vreg.gather [hbm4b:s12+s4], $0x80, v4, vm0, $0xb8;
	[tilespmem:$0x13200] =	vst v63  }
0x31: {  	s25 =	simm.s32 $0x5A00  }
0x32: {  	[tilespmem:s25], [sflag:$0x1] =	stream.indirect_vreg.gather [hbm4b:s13+s4], $0x80, v4, vm0, $0xb8;
	[tilespmem:$0x13200] =	vst v63  }
0x33: {  	s26 =	simm.s32 $0x6200  }
0x34: {  	[tilespmem:s26], [sflag:$0x1] =	stream.indirect_vreg.gather [hbm4b:s1+s4], $0x80, v3, vm0, $0xb8;
	[tilespmem:$0x13200] =	vst v63  }
0x35: {  	s28 =	simm.s32 $0x6A00  }
0x36: {  	[tilespmem:s28], [sflag:$0x1] =	stream.indirect_vreg.gather [hbm4b:s7+s4], $0x80, v3, vm0, $0xb8;
	[tilespmem:$0x13200] =	vst v63  }
0x37: {  	s29 =	simm.s32 $0x7200  }
0x38: {  	[tilespmem:s29], [sflag:$0x1] =	stream.indirect_vreg.gather [hbm4b:s8+s4], $0x80, v3, vm0, $0xb8;
	[tilespmem:$0x13200] =	vst v63  }
0x39: {  	s30 =	simm.s32 $0x7A00  }
0x3a: {  	[tilespmem:s30], [sflag:$0x1] =	stream.indirect_vreg.gather [hbm4b:s9+s4], $0x80, v3, vm0, $0xb8;
	[tilespmem:$0x13200] =	vst v63  }
0x3b: {  	s22 =	simm.s32 $0x8200  }
0x3c: {  	[tilespmem:s22], [sflag:$0x1] =	stream.indirect_vreg.gather [hbm4b:s10+s4], $0x80, v3, vm0, $0xb8;
	[tilespmem:$0x13200] =	vst v63  }
0x3d: {  	s23 =	simm.s32 $0x8A00  }
0x3e: {  	[tilespmem:s23], [sflag:$0x1] =	stream.indirect_vreg.gather [hbm4b:s11+s4], $0x80, v3, vm0, $0xb8;
	[tilespmem:$0x13200] =	vst v63  }
0x3f: {  	s24 =	simm.s32 $0x9200  }
0x40: {  	[tilespmem:s24], [sflag:$0x1] =	stream.indirect_vreg.gather [hbm4b:s12+s4], $0x80, v3, vm0, $0xb8;
	[tilespmem:$0x13200] =	vst v63  }
0x41: {  	s25 =	simm.s32 $0x9A00  }
0x42: {  	[tilespmem:s25], [sflag:$0x1] =	stream.indirect_vreg.gather [hbm4b:s13+s4], $0x80, v3, vm0, $0xb8;
	[tilespmem:$0x13200] =	vst v63  }
0x43: {  	v3 =	vld [tilespmem:$0x10];
	_ =	sdelay $0x4  }
0x44: {  	v63 =	vshll.u32 v3, $0x4  }
0x45: {  	v3 =	vand.u32 $0x7, v3;
	v4 =	vand.u32 $0xFFFFFF80, v63  }
0x46: {  	v3 =	vor.u32 v3, v4  }
0x47: {  	v4 =	vperm.xlane v3, v0;
	_ =	sdelay $0x1  }
0x48: {  	v4 =	vadd.s32 v1, v4;
	_ =	sdelay $0x3  }
0x49: {  	s26 =	simm.s32 $0xA200  }
0x4a: {  	[tilespmem:s26], [sflag:$0x2] =	stream.indirect_vreg.gather [hbm4b:s1+s4], $0x80, v4, vm0, $0xb8;
	[tilespmem:$0x13200] =	vst v63  }
0x4b: {  	s28 =	simm.s32 $0xAA00  }
0x4c: {  	[tilespmem:s28], [sflag:$0x2] =	stream.indirect_vreg.gather [hbm4b:s7+s4], $0x80, v4, vm0, $0xb8;
	[tilespmem:$0x13200] =	vst v63  }
0x4d: {  	s29 =	simm.s32 $0xB200  }
0x4e: {  	[tilespmem:s29], [sflag:$0x2] =	stream.indirect_vreg.gather [hbm4b:s8+s4], $0x80, v4, vm0, $0xb8;
	[tilespmem:$0x13200] =	vst v63  }
0x4f: {  	s30 =	simm.s32 $0xBA00  }
0x50: {  	[tilespmem:s30], [sflag:$0x2] =	stream.indirect_vreg.gather [hbm4b:s9+s4], $0x80, v4, vm0, $0xb8;
	[tilespmem:$0x13200] =	vst v63  }
0x51: {  	s22 =	simm.s32 $0xC200  }
0x52: {  	[tilespmem:s22], [sflag:$0x2] =	stream.indirect_vreg.gather [hbm4b:s10+s4], $0x80, v4, vm0, $0xb8;
	[tilespmem:$0x13200] =	vst v63  }
0x53: {  	s23 =	simm.s32 $0xCA00;
	v3 =	vperm.xlane v3, v2  }
0x54: {  	[tilespmem:s23], [sflag:$0x2] =	stream.indirect_vreg.gather [hbm4b:s11+s4], $0x80, v4, vm0, $0xb8;
	[tilespmem:$0x13200] =	vst v63  }
0x55: {  	s24 =	simm.s32 $0xD200;
	v3 =	vadd.s32 v1, v3  }
0x56: {  	[tilespmem:s24], [sflag:$0x2] =	stream.indirect_vreg.gather [hbm4b:s12+s4], $0x80, v4, vm0, $0xb8;
	[tilespmem:$0x13200] =	vst v63  }
0x57: {  	s25 =	simm.s32 $0xDA00  }
0x58: {  	[tilespmem:s25], [sflag:$0x2] =	stream.indirect_vreg.gather [hbm4b:s13+s4], $0x80, v4, vm0, $0xb8;
	[tilespmem:$0x13200] =	vst v63  }
0x59: {  	s26 =	simm.s32 $0xE200  }
0x5a: {  	[tilespmem:s26], [sflag:$0x2] =	stream.indirect_vreg.gather [hbm4b:s1+s4], $0x80, v3, vm0, $0xb8;
	[tilespmem:$0x13200] =	vst v63  }
0x5b: {  	s28 =	simm.s32 $0xEA00  }
0x5c: {  	[tilespmem:s28], [sflag:$0x2] =	stream.indirect_vreg.gather [hbm4b:s7+s4], $0x80, v3, vm0, $0xb8;
	[tilespmem:$0x13200] =	vst v63  }
0x5d: {  	s29 =	simm.s32 $0xF200  }
0x5e: {  	[tilespmem:s29], [sflag:$0x2] =	stream.indirect_vreg.gather [hbm4b:s8+s4], $0x80, v3, vm0, $0xb8;
	[tilespmem:$0x13200] =	vst v63  }
0x5f: {  	s30 =	simm.s32 $0xFA00  }
0x60: {  	[tilespmem:s30], [sflag:$0x2] =	stream.indirect_vreg.gather [hbm4b:s9+s4], $0x80, v3, vm0, $0xb8;
	[tilespmem:$0x13200] =	vst v63  }
0x61: {  	_ = 	snop  }
0x62: {  	[tilespmem:s31], [sflag:$0x2] =	stream.indirect_vreg.gather [hbm4b:s10+s4], $0x80, v3, vm0, $0xb8;
	[tilespmem:$0x13200] =	vst v63  }
0x63: {  	_ = 	snop  }
0x64: {  	[tilespmem:s0], [sflag:$0x2] =	stream.indirect_vreg.gather [hbm4b:s11+s4], $0x80, v3, vm0, $0xb8;
	[tilespmem:$0x13200] =	vst v63  }
0x65: {  	_ = 	snop  }
0x66: {  	[tilespmem:s3], [sflag:$0x2] =	stream.indirect_vreg.gather [hbm4b:s12+s4], $0x80, v3, vm0, $0xb8;
	[tilespmem:$0x13200] =	vst v63  }
0x67: {  	s21 =	simm.s32 $0x0  }
0x68: {  	[tilespmem:s2], [sflag:$0x2] =	stream.indirect_vreg.gather [hbm4b:s13+s4], $0x80, v3, vm0, $0xb8;
	[tilespmem:$0x13200] =	vst v63  }
.LBB2_2:
0x69: {  	_ =	swait.ge [sflag:s16], $0x8000  }
0x6a: {  	s22 =	sshll.u32 s21, $0x9;
	[sflag:s16] =	ssyncset.done $0x0  }
0x6b: {  	s23 =	simm.s32 $0x0;
	s22 =	sand.u32 $0x3FFFFE00, s22;
	[sflag:s16] =	ssyncadd.s32 $0xFFFF8000  }
0x6c: {  	s24 =	sand.u32 $0x70, s23;
	s25 =	sand.u32 $0x3C00, s23;
	v6 =	vld [tilespmem:s22+$0x200]  }
0x6d: {  	s25 =	sor.u32 s24, s25;
	v7 =	vld [tilespmem:s22+$0x210]  }
0x6e: {  	s24 =	simm.s32 $0x12200;
	v3 =	vld [tilespmem:s25+$0x2200]  }
0x6f: {  	v4 =	vld [tilespmem:s24+$0x0]  }
0x70: {  	v8 =	vld [tilespmem:s25+$0x2280]  }
0x71: {  	v9 =	vld [tilespmem:s22+$0x220]  }
0x72: {  	v10 =	vld [tilespmem:s25+$0x2300]  }
0x73: {  	v5 =	vld [tilespmem:s22+$0x230];
	v11 =	vmul.f32 v3, v6  }
0x74: {  	v12 =	vld [tilespmem:s25+$0x2380]  }
0x75: {  	v13 =	vld [tilespmem:s25+$0x2400];
	v8 =	vmul.f32 v8, v7;
	v11 =	vadd.f32 v11, v4  }
0x76: {  	v3 =	vld [tilespmem:s22+$0x240]  }
0x77: {  	s26 =	sand.u32 $0x7, s23;
	v14 =	vld [tilespmem:s25+$0x2480];
	v10 =	vmul.f32 v10, v9;
	v11 =	vadd.f32 v8, v11  }
0x78: {  	s26 =	sshll.u32 s26, $0x4;
	v4 =	vld [tilespmem:s22+$0x250]  }
0x79: {  	s26 =	sadd.s32 $0x0, s26;
	v15 =	vld [tilespmem:s25+$0x2500];
	v12 =	vmul.f32 v12, v5;
	v11 =	vadd.f32 v10, v11  }
0x7a: {  	s26 =	sor.u32 $0x380, s26;
	v8 =	vld [tilespmem:s22+$0x260]  }
0x7b: {  	v16 =	vld [tilespmem:s26+$0x2200];
	v13 =	vmul.f32 v13, v3;
	v12 =	vadd.f32 v12, v11  }
0x7c: {  	v10 =	vld [tilespmem:s22+$0x270]  }
0x7d: {  	v17 =	vld [tilespmem:s25+$0x6200];
	v14 =	vmul.f32 v14, v4;
	v13 =	vadd.f32 v13, v12  }
0x7e: {  	v11 =	vld [tilespmem:s22+$0x280]  }
0x7f: {  	v18 =	vld [tilespmem:s25+$0x6280];
	v15 =	vmul.f32 v15, v8;
	v14 =	vadd.f32 v14, v13  }
0x80: {  	v12 =	vld [tilespmem:s22+$0x290]  }
0x81: {  	v19 =	vld [tilespmem:s25+$0x6300];
	v16 =	vmul.f32 v16, v10;
	v15 =	vadd.f32 v15, v14  }
0x82: {  	v13 =	vld [tilespmem:s22+$0x2A0]  }
0x83: {  	v20 =	vld [tilespmem:s25+$0x6380];
	v17 =	vmul.f32 v17, v11;
	v16 =	vadd.f32 v16, v15  }
0x84: {  	v14 =	vld [tilespmem:s22+$0x2B0]  }
0x85: {  	v21 =	vld [tilespmem:s25+$0x6400];
	v18 =	vmul.f32 v18, v12;
	v17 =	vadd.f32 v17, v16  }
0x86: {  	v15 =	vld [tilespmem:s22+$0x2C0]  }
0x87: {  	v22 =	vld [tilespmem:s25+$0x6480];
	v19 =	vmul.f32 v19, v13;
	v18 =	vadd.f32 v18, v17  }
0x88: {  	v16 =	vld [tilespmem:s22+$0x2D0]  }
0x89: {  	v23 =	vld [tilespmem:s25+$0x6500];
	v20 =	vmul.f32 v20, v14;
	v19 =	vadd.f32 v19, v18  }
0x8a: {  	v17 =	vld [tilespmem:s22+$0x2E0]  }
0x8b: {  	v63 =	vld [tilespmem:s25+$0x6580];
	v19 =	vadd.f32 v20, v19;
	v20 =	vmul.f32 v21, v15  }
0x8c: {  	v18 =	vld [tilespmem:s22+$0x2F0]  }
0x8d: {  	v19 =	vadd.f32 v20, v19;
	v20 =	vmul.f32 v22, v16;
	_ =	sdelay $0x1  }
0x8e: {  	v19 =	vadd.f32 v20, v19;
	v20 =	vmul.f32 v23, v17;
	_ =	sdelay $0x1  }
0x8f: {  	v19 =	vadd.f32 v20, v19;
	v20 =	vmul.f32 v63, v18  }
0x90: {  	s28 =	simm.s32 $0x10  }
0x91: {  	s29 =	sand.u32 $0x70, s28;
	s26 =	simm.s32 $0x80;
	v19 =	vadd.f32 v20, v19  }
0x92: {  	s28 =	simm.s32 $0x20;
	s25 =	simm.s32 $0x12A00;
	s30 =	sand.u32 $0x3C00, s26  }
.LBB2_3:
0x93: {  	p0 =	sne.s32 s28, $0x7F0;
	s29 =	sor.u32 s29, s30;
	[tilespmem:s25+$0x0] =	vst v19  }
0x94: {  	s24 =	sadd.s32 $0x10, s24;
	v19 =	vld [tilespmem:s29+$0x2200]  }
0x95: {  	v20 =	vld [tilespmem:s24+$0x0]  }
0x96: {  	v21 =	vld [tilespmem:s29+$0x2280];
	_ =	sdelay $0x1  }
0x97: {  	v22 =	vld [tilespmem:s29+$0x2300]  }
0x98: {  	v19 =	vmul.f32 v19, v6  }
0x99: {  	v23 =	vld [tilespmem:s29+$0x2380]  }
0x9a: {  	v19 =	vadd.f32 v19, v20;
	v20 =	vmul.f32 v21, v7  }
0x9b: {  	v21 =	vld [tilespmem:s29+$0x2400]  }
0x9c: {  	s23 =	sadd.s32 $0x1, s23;
	v19 =	vadd.f32 v20, v19;
	v20 =	vmul.f32 v22, v9  }
0x9d: {  	s30 =	sand.u32 $0x7, s23;
	v22 =	vld [tilespmem:s29+$0x2480]  }
0x9e: {  	s30 =	sshll.u32 s30, $0x4;
	v19 =	vadd.f32 v20, v19;
	v20 =	vmul.f32 v23, v5  }
0x9f: {  	s30 =	sadd.s32 s30, s26;
	v23 =	vld [tilespmem:s29+$0x2500]  }
0xa0: {  	s30 =	sor.u32 $0x380, s30;
	v19 =	vadd.f32 v20, v19;
	v20 =	vmul.f32 v21, v3  }
0xa1: {  	v21 =	vld [tilespmem:s30+$0x2200]  }
0xa2: {  	v19 =	vadd.f32 v20, v19;
	v20 =	vmul.f32 v22, v4  }
0xa3: {  	v22 =	vld [tilespmem:s29+$0x6200]  }
0xa4: {  	v19 =	vadd.f32 v20, v19;
	v20 =	vmul.f32 v23, v8  }
0xa5: {  	v23 =	vld [tilespmem:s29+$0x6280]  }
0xa6: {  	v19 =	vadd.f32 v20, v19;
	v20 =	vmul.f32 v21, v10  }
0xa7: {  	v21 =	vld [tilespmem:s29+$0x6300]  }
0xa8: {  	v19 =	vadd.f32 v20, v19;
	v20 =	vmul.f32 v22, v11  }
0xa9: {  	v22 =	vld [tilespmem:s29+$0x6380]  }
0xaa: {  	v19 =	vadd.f32 v20, v19;
	v20 =	vmul.f32 v23, v12  }
0xab: {  	v23 =	vld [tilespmem:s29+$0x6400]  }
0xac: {  	v19 =	vadd.f32 v20, v19;
	v20 =	vmul.f32 v21, v13  }
0xad: {  	v21 =	vld [tilespmem:s29+$0x6480]  }
0xae: {  	v19 =	vadd.f32 v20, v19;
	v20 =	vmul.f32 v22, v14  }
0xaf: {  	v22 =	vld [tilespmem:s29+$0x6500]  }
0xb0: {  	v19 =	vadd.f32 v20, v19;
	v20 =	vmul.f32 v23, v15  }
0xb1: {  	v23 =	vld [tilespmem:s29+$0x6580]  }
0xb2: {  	v19 =	vadd.f32 v20, v19;
	v20 =	vmul.f32 v21, v16;
	_ =	sdelay $0x1  }
0xb3: {  	v19 =	vadd.f32 v20, v19;
	v20 =	vmul.f32 v22, v17  }
.Ltmp0:
0xb4: {  	(pc) =	sbr.rel @p0 .LBB2_3-.Ltmp0, $3  }
0xb5: {  	v19 =	vadd.f32 v20, v19;
	v20 =	vmul.f32 v23, v18;
	_ =	sdelay $0x1  }
0xb6: {  	s25 =	sadd.s32 $0x10, s25;
	s26 =	sadd.s32 $0x80, s26;
	v19 =	vadd.f32 v20, v19  }
0xb7: {  	s30 =	sand.u32 $0x3C00, s26;
	s29 =	sand.u32 $0x70, s28;
	s28 =	sadd.s32 $0x10, s28  }
0xb8: {  	s28 =	sor.u32 s29, s30;
	[tilespmem:s25+$0x0] =	vst v19  }
0xb9: {  	s24 =	sadd.s32 $0x10, s24;
	v19 =	vld [tilespmem:s28+$0x2200]  }
0xba: {  	v20 =	vld [tilespmem:s24+$0x0]  }
0xbb: {  	v21 =	vld [tilespmem:s28+$0x2280];
	_ =	sdelay $0x1  }
0xbc: {  	v22 =	vld [tilespmem:s28+$0x2300]  }
0xbd: {  	v6 =	vmul.f32 v19, v6  }
0xbe: {  	v19 =	vld [tilespmem:s28+$0x2380]  }
0xbf: {  	v7 =	vmul.f32 v21, v7;
	v6 =	vadd.f32 v6, v20  }
0xc0: {  	v20 =	vld [tilespmem:s28+$0x2400]  }
0xc1: {  	s23 =	sadd.s32 $0x1, s23;
	v6 =	vadd.f32 v7, v6;
	v7 =	vmul.f32 v22, v9  }
0xc2: {  	s23 =	sand.u32 $0x7, s23;
	v9 =	vld [tilespmem:s28+$0x2480]  }
0xc3: {  	s23 =	sshll.u32 s23, $0x4;
	v5 =	vmul.f32 v19, v5;
	v6 =	vadd.f32 v7, v6  }
0xc4: {  	s23 =	sadd.s32 s23, s26;
	v7 =	vld [tilespmem:s28+$0x2500]  }
0xc5: {  	s23 =	sor.u32 $0x380, s23;
	v3 =	vmul.f32 v20, v3;
	v5 =	vadd.f32 v5, v6  }
0xc6: {  	v6 =	vld [tilespmem:s23+$0x2200]  }
0xc7: {  	v4 =	vmul.f32 v9, v4;
	v3 =	vadd.f32 v3, v5  }
0xc8: {  	v5 =	vld [tilespmem:s28+$0x6200]  }
0xc9: {  	v3 =	vadd.f32 v4, v3;
	v4 =	vmul.f32 v7, v8  }
0xca: {  	v7 =	vld [tilespmem:s28+$0x6280]  }
0xcb: {  	v3 =	vadd.f32 v4, v3;
	v4 =	vmul.f32 v6, v10  }
0xcc: {  	v6 =	vld [tilespmem:s28+$0x6300]  }
0xcd: {  	v3 =	vadd.f32 v4, v3;
	v4 =	vmul.f32 v5, v11  }
0xce: {  	v5 =	vld [tilespmem:s28+$0x6380]  }
0xcf: {  	v3 =	vadd.f32 v4, v3;
	v4 =	vmul.f32 v7, v12  }
0xd0: {  	v7 =	vld [tilespmem:s28+$0x6400]  }
0xd1: {  	v3 =	vadd.f32 v4, v3;
	v4 =	vmul.f32 v6, v13  }
0xd2: {  	v6 =	vld [tilespmem:s28+$0x6480]  }
0xd3: {  	v3 =	vadd.f32 v4, v3;
	v4 =	vmul.f32 v5, v14  }
0xd4: {  	v5 =	vld [tilespmem:s28+$0x6500]  }
0xd5: {  	v3 =	vadd.f32 v4, v3;
	v4 =	vmul.f32 v7, v15  }
0xd6: {  	v7 =	vld [tilespmem:s28+$0x6580]  }
0xd7: {  	v3 =	vadd.f32 v4, v3;
	v4 =	vmul.f32 v6, v16;
	_ =	sdelay $0x1  }
0xd8: {  	v3 =	vadd.f32 v4, v3;
	v4 =	vmul.f32 v5, v17;
	_ =	sdelay $0x1  }
0xd9: {  	v3 =	vadd.f32 v4, v3;
	v4 =	vmul.f32 v7, v18;
	_ =	sdelay $0x1  }
0xda: {  	p0 =	seq.s32 s21, $0xF;
	v3 =	vadd.f32 v4, v3  }
0xdb: {  	s24 =	sshll.u32 @!p0 s21, $0x5;
	s26 =	sadd.s32 $0x10, s25  }
0xdc: {  	s23 =	sand.u32 @!p0 $0x3FFFFFE0, s24;
	[tilespmem:s26+$0x0] =	vst v3  }
0xdd: {  	v3 =	vld @!p0 [tilespmem:s23+$0x20];
	_ =	sdelay $0x4  }
0xde: {  	v4 =	vshll.u32 @!p0 v3, $0x4  }
0xdf: {  	v5 =	vlaneseq.u32 @!p0;
	v3 =	vand.u32 @!p0 $0x7, v3;
	v4 =	vand.u32 @!p0 $0xFFFFFF80, v4  }
0xe0: {  	v6 =	vshrl.u32 @!p0 v5, $0x3;
	v3 =	vor.u32 @!p0 v3, v4;
	v4 =	vand.u32 @!p0 $0x7, v5  }
0xe1: {  	v6 =	vmul.u32 @!p0 $0x8, v6;
	v4 =	vperm.xlane @!p0 v3, v4;
	_ =	sdelay $0x1  }
0xe2: {  	v4 =	vadd.s32 @!p0 v6, v4;
	_ =	sdelay $0x3  }
0xe3: {  	vm1 =	vmmov @!p0 $0xffff;
	s25 =	simm.s32 @!p0 $0x2200;
	s24 =	simm.s32 @!p0 $0x0  }
0xe4: {  	[tilespmem:s25], [sflag:$0x1] =	stream.indirect_vreg.gather @!p0 [hbm4b:s1+s24], $0x80, v4, vm1, $0xb8;
	[tilespmem:$0x13200] =	vst v63  }
0xe5: {  	s25 =	simm.s32 @!p0 $0x2A00  }
0xe6: {  	[tilespmem:s25], [sflag:$0x1] =	stream.indirect_vreg.gather @!p0 [hbm4b:s7+s24], $0x80, v4, vm1, $0xb8;
	[tilespmem:$0x13200] =	vst v63  }
0xe7: {  	s25 =	simm.s32 @!p0 $0x3200  }
0xe8: {  	[tilespmem:s25], [sflag:$0x1] =	stream.indirect_vreg.gather @!p0 [hbm4b:s8+s24], $0x80, v4, vm1, $0xb8;
	[tilespmem:$0x13200] =	vst v63  }
0xe9: {  	s25 =	simm.s32 @!p0 $0x3A00  }
0xea: {  	[tilespmem:s25], [sflag:$0x1] =	stream.indirect_vreg.gather @!p0 [hbm4b:s9+s24], $0x80, v4, vm1, $0xb8;
	[tilespmem:$0x13200] =	vst v63  }
0xeb: {  	s25 =	simm.s32 @!p0 $0x4200  }
0xec: {  	v5 =	vor.u32 @!p0 $0x8, v5;
	[tilespmem:s25], [sflag:$0x1] =	stream.indirect_vreg.gather @!p0 [hbm4b:s10+s24], $0x80, v4, vm1, $0xb8;
	[tilespmem:$0x13200] =	vst v63  }
0xed: {  	v3 =	vperm.xlane @!p0 v3, v5;
	s25 =	simm.s32 @!p0 $0x4A00  }
0xee: {  	[tilespmem:s25], [sflag:$0x1] =	stream.indirect_vreg.gather @!p0 [hbm4b:s11+s24], $0x80, v4, vm1, $0xb8;
	[tilespmem:$0x13200] =	vst v63  }
0xef: {  	v3 =	vadd.s32 @!p0 v6, v3;
	s25 =	simm.s32 @!p0 $0x5200  }
0xf0: {  	[tilespmem:s25], [sflag:$0x1] =	stream.indirect_vreg.gather @!p0 [hbm4b:s12+s24], $0x80, v4, vm1, $0xb8;
	[tilespmem:$0x13200] =	vst v63  }
0xf1: {  	s25 =	simm.s32 @!p0 $0x5A00  }
0xf2: {  	[tilespmem:s25], [sflag:$0x1] =	stream.indirect_vreg.gather @!p0 [hbm4b:s13+s24], $0x80, v4, vm1, $0xb8;
	[tilespmem:$0x13200] =	vst v63  }
0xf3: {  	s25 =	simm.s32 @!p0 $0x6200  }
0xf4: {  	[tilespmem:s25], [sflag:$0x1] =	stream.indirect_vreg.gather @!p0 [hbm4b:s1+s24], $0x80, v3, vm1, $0xb8;
	[tilespmem:$0x13200] =	vst v63  }
0xf5: {  	s25 =	simm.s32 @!p0 $0x6A00  }
0xf6: {  	[tilespmem:s25], [sflag:$0x1] =	stream.indirect_vreg.gather @!p0 [hbm4b:s7+s24], $0x80, v3, vm1, $0xb8;
	[tilespmem:$0x13200] =	vst v63  }
0xf7: {  	s25 =	simm.s32 @!p0 $0x7200  }
0xf8: {  	[tilespmem:s25], [sflag:$0x1] =	stream.indirect_vreg.gather @!p0 [hbm4b:s8+s24], $0x80, v3, vm1, $0xb8;
	[tilespmem:$0x13200] =	vst v63  }
0xf9: {  	s25 =	simm.s32 @!p0 $0x7A00  }
0xfa: {  	[tilespmem:s25], [sflag:$0x1] =	stream.indirect_vreg.gather @!p0 [hbm4b:s9+s24], $0x80, v3, vm1, $0xb8;
	[tilespmem:$0x13200] =	vst v63  }
0xfb: {  	s25 =	simm.s32 @!p0 $0x8200  }
0xfc: {  	[tilespmem:s25], [sflag:$0x1] =	stream.indirect_vreg.gather @!p0 [hbm4b:s10+s24], $0x80, v3, vm1, $0xb8;
	[tilespmem:$0x13200] =	vst v63  }
0xfd: {  	s25 =	simm.s32 @!p0 $0x8A00  }
0xfe: {  	[tilespmem:s25], [sflag:$0x1] =	stream.indirect_vreg.gather @!p0 [hbm4b:s11+s24], $0x80, v3, vm1, $0xb8;
	[tilespmem:$0x13200] =	vst v63  }
0xff: {  	s25 =	simm.s32 @!p0 $0x9200  }
0x100: {  	[tilespmem:s25], [sflag:$0x1] =	stream.indirect_vreg.gather @!p0 [hbm4b:s12+s24], $0x80, v3, vm1, $0xb8;
	[tilespmem:$0x13200] =	vst v63  }
0x101: {  	s25 =	simm.s32 @!p0 $0x9A00  }
0x102: {  	[tilespmem:s25], [sflag:$0x1] =	stream.indirect_vreg.gather @!p0 [hbm4b:s13+s24], $0x80, v3, vm1, $0xb8;
	[tilespmem:$0x13200] =	vst v63  }
0x103: {  	_ =	swait.ge [sflag:s18], $0x8000  }
0x104: {  	[sflag:s18] =	ssyncset.done $0x0  }
0x105: {  	s24 =	simm.s32 $0x0;
	[sflag:s18] =	ssyncadd.s32 $0xFFFF8000  }
0x106: {  	s25 =	sand.u32 $0x70, s24;
	s26 =	sand.u32 $0x3C00, s24;
	v6 =	vld [tilespmem:s22+$0x300]  }
0x107: {  	s26 =	sor.u32 s25, s26;
	v7 =	vld [tilespmem:s22+$0x310]  }
0x108: {  	s25 =	simm.s32 $0x12A00;
	v3 =	vld [tilespmem:s26+$0xA200]  }
0x109: {  	v4 =	vld [tilespmem:s25+$0x0]  }
0x10a: {  	v8 =	vld [tilespmem:s26+$0xA280]  }
0x10b: {  	v9 =	vld [tilespmem:s22+$0x320]  }
0x10c: {  	v10 =	vld [tilespmem:s26+$0xA300]  }
0x10d: {  	v5 =	vld [tilespmem:s22+$0x330];
	v11 =	vmul.f32 v3, v6  }
0x10e: {  	v12 =	vld [tilespmem:s26+$0xA380]  }
0x10f: {  	v13 =	vld [tilespmem:s26+$0xA400];
	v8 =	vmul.f32 v8, v7;
	v11 =	vadd.f32 v11, v4  }
0x110: {  	v3 =	vld [tilespmem:s22+$0x340]  }
0x111: {  	s28 =	sand.u32 $0x7, s24;
	v14 =	vld [tilespmem:s26+$0xA480];
	v10 =	vmul.f32 v10, v9;
	v11 =	vadd.f32 v8, v11  }
0x112: {  	s28 =	sshll.u32 s28, $0x4;
	v4 =	vld [tilespmem:s22+$0x350]  }
0x113: {  	s28 =	sadd.s32 $0x0, s28;
	v15 =	vld [tilespmem:s26+$0xA500];
	v12 =	vmul.f32 v12, v5;
	v11 =	vadd.f32 v10, v11  }
0x114: {  	s28 =	sor.u32 $0x380, s28;
	v8 =	vld [tilespmem:s22+$0x360]  }
0x115: {  	v16 =	vld [tilespmem:s28+$0xA200];
	v13 =	vmul.f32 v13, v3;
	v12 =	vadd.f32 v12, v11  }
0x116: {  	v10 =	vld [tilespmem:s22+$0x370]  }
0x117: {  	v17 =	vld [tilespmem:s26+$0xE200];
	v14 =	vmul.f32 v14, v4;
	v13 =	vadd.f32 v13, v12  }
0x118: {  	v11 =	vld [tilespmem:s22+$0x380]  }
0x119: {  	v18 =	vld [tilespmem:s26+$0xE280];
	v15 =	vmul.f32 v15, v8;
	v14 =	vadd.f32 v14, v13  }
0x11a: {  	v12 =	vld [tilespmem:s22+$0x390]  }
0x11b: {  	v19 =	vld [tilespmem:s26+$0xE300];
	v16 =	vmul.f32 v16, v10;
	v15 =	vadd.f32 v15, v14  }
0x11c: {  	v13 =	vld [tilespmem:s22+$0x3A0]  }
0x11d: {  	v20 =	vld [tilespmem:s26+$0xE380];
	v17 =	vmul.f32 v17, v11;
	v16 =	vadd.f32 v16, v15  }
0x11e: {  	v14 =	vld [tilespmem:s22+$0x3B0]  }
0x11f: {  	v61 =	vld [tilespmem:s26+$0xE400];
	v18 =	vmul.f32 v18, v12;
	v17 =	vadd.f32 v17, v16  }
0x120: {  	v15 =	vld [tilespmem:s22+$0x3C0]  }
0x121: {  	v62 =	vld [tilespmem:s26+$0xE480];
	v19 =	vmul.f32 v19, v13;
	v18 =	vadd.f32 v18, v17  }
0x122: {  	v16 =	vld [tilespmem:s22+$0x3D0]  }
0x123: {  	v23 =	vld [tilespmem:s26+$0xE500];
	v20 =	vmul.f32 v20, v14;
	v19 =	vadd.f32 v19, v18  }
0x124: {  	v17 =	vld [tilespmem:s22+$0x3E0]  }
0x125: {  	v63 =	vld [tilespmem:s26+$0xE580];
	v19 =	vadd.f32 v20, v19;
	v20 =	vmul.f32 v61, v15  }
0x126: {  	v18 =	vld [tilespmem:s22+$0x3F0]  }
0x127: {  	v19 =	vadd.f32 v20, v19;
	v20 =	vmul.f32 v62, v16;
	_ =	sdelay $0x1  }
0x128: {  	v19 =	vadd.f32 v20, v19;
	v20 =	vmul.f32 v23, v17;
	_ =	sdelay $0x1  }
0x129: {  	v19 =	vadd.f32 v20, v19;
	v20 =	vmul.f32 v63, v18  }
0x12a: {  	s26 =	simm.s32 $0x80  }
0x12b: {  	s28 =	simm.s32 $0x10;
	s30 =	sand.u32 $0x3C00, s26;
	v19 =	vadd.f32 v20, v19  }
0x12c: {  	s29 =	sand.u32 $0x70, s28;
	s28 =	simm.s32 $0x20;
	s22 =	sadd.s32 $0x1, s21  }
.LBB2_5:
0x12d: {  	p1 =	sne.s32 s28, $0x7F0;
	s29 =	sor.u32 s29, s30;
	[tilespmem:s25+$0x0] =	vst v19  }
0x12e: {  	s25 =	sadd.s32 $0x10, s25;
	v19 =	vld [tilespmem:s29+$0xA200]  }
0x12f: {  	v20 =	vld [tilespmem:s25+$0x0]  }
0x130: {  	v21 =	vld [tilespmem:s29+$0xA280];
	_ =	sdelay $0x1  }
0x131: {  	v22 =	vld [tilespmem:s29+$0xA300]  }
0x132: {  	v19 =	vmul.f32 v19, v6  }
0x133: {  	v23 =	vld [tilespmem:s29+$0xA380]  }
0x134: {  	v19 =	vadd.f32 v19, v20;
	v20 =	vmul.f32 v21, v7  }
0x135: {  	v21 =	vld [tilespmem:s29+$0xA400]  }
0x136: {  	s24 =	sadd.s32 $0x1, s24;
	v19 =	vadd.f32 v20, v19;
	v20 =	vmul.f32 v22, v9  }
0x137: {  	s30 =	sand.u32 $0x7, s24;
	v22 =	vld [tilespmem:s29+$0xA480]  }
0x138: {  	s30 =	sshll.u32 s30, $0x4;
	v19 =	vadd.f32 v20, v19;
	v20 =	vmul.f32 v23, v5  }
0x139: {  	s30 =	sadd.s32 s30, s26;
	v23 =	vld [tilespmem:s29+$0xA500]  }
0x13a: {  	s30 =	sor.u32 $0x380, s30;
	v19 =	vadd.f32 v20, v19;
	v20 =	vmul.f32 v21, v3  }
0x13b: {  	v21 =	vld [tilespmem:s30+$0xA200]  }
0x13c: {  	v19 =	vadd.f32 v20, v19;
	v20 =	vmul.f32 v22, v4  }
0x13d: {  	v22 =	vld [tilespmem:s29+$0xE200]  }
0x13e: {  	v19 =	vadd.f32 v20, v19;
	v20 =	vmul.f32 v23, v8  }
0x13f: {  	v23 =	vld [tilespmem:s29+$0xE280]  }
0x140: {  	v19 =	vadd.f32 v20, v19;
	v20 =	vmul.f32 v21, v10  }
0x141: {  	v21 =	vld [tilespmem:s29+$0xE300]  }
0x142: {  	v19 =	vadd.f32 v20, v19;
	v20 =	vmul.f32 v22, v11  }
0x143: {  	v22 =	vld [tilespmem:s29+$0xE380]  }
0x144: {  	v19 =	vadd.f32 v20, v19;
	v20 =	vmul.f32 v23, v12  }
0x145: {  	v23 =	vld [tilespmem:s29+$0xE400]  }
0x146: {  	v19 =	vadd.f32 v20, v19;
	v20 =	vmul.f32 v21, v13  }
0x147: {  	v21 =	vld [tilespmem:s29+$0xE480]  }
0x148: {  	v19 =	vadd.f32 v20, v19;
	v20 =	vmul.f32 v22, v14  }
0x149: {  	v22 =	vld [tilespmem:s29+$0xE500]  }
0x14a: {  	v19 =	vadd.f32 v20, v19;
	v20 =	vmul.f32 v23, v15  }
0x14b: {  	v23 =	vld [tilespmem:s29+$0xE580]  }
0x14c: {  	v19 =	vadd.f32 v20, v19;
	v20 =	vmul.f32 v21, v16;
	_ =	sdelay $0x1  }
0x14d: {  	v19 =	vadd.f32 v20, v19;
	v20 =	vmul.f32 v22, v17  }
.Ltmp1:
0x14e: {  	(pc) =	sbr.rel @p1 .LBB2_5-.Ltmp1, $3  }
0x14f: {  	v19 =	vadd.f32 v20, v19;
	v20 =	vmul.f32 v23, v18;
	_ =	sdelay $0x1  }
0x150: {  	s26 =	sadd.s32 $0x80, s26;
	v19 =	vadd.f32 v20, v19  }
0x151: {  	s30 =	sand.u32 $0x3C00, s26;
	s29 =	sand.u32 $0x70, s28;
	s28 =	sadd.s32 $0x10, s28  }
0x152: {  	s28 =	sor.u32 s29, s30;
	[tilespmem:s25+$0x0] =	vst v19  }
0x153: {  	s30 =	sadd.s32 $0x10, s25;
	v19 =	vld [tilespmem:s28+$0xA200]  }
0x154: {  	v20 =	vld [tilespmem:s30+$0x0]  }
0x155: {  	v21 =	vld [tilespmem:s28+$0xA280];
	_ =	sdelay $0x1  }
0x156: {  	v22 =	vld [tilespmem:s28+$0xA300]  }
0x157: {  	v6 =	vmul.f32 v19, v6  }
0x158: {  	v40 =	vld [tilespmem:s28+$0xA380]  }
0x159: {  	v7 =	vmul.f32 v21, v7;
	v6 =	vadd.f32 v6, v20  }
0x15a: {  	v41 =	vld [tilespmem:s28+$0xA400]  }
0x15b: {  	s24 =	sadd.s32 $0x1, s24;
	v42 =	vmul.f32 v22, v9;
	v6 =	vadd.f32 v7, v6  }
0x15c: {  	s24 =	sand.u32 $0x7, s24;
	v43 =	vld [tilespmem:s28+$0xA480]  }
0x15d: {  	s24 =	sshll.u32 s24, $0x4;
	v5 =	vmul.f32 v40, v5;
	v6 =	vadd.f32 v42, v6  }
0x15e: {  	v44 =	vld [tilespmem:s28+$0xA500];
	s24 =	sadd.s32 s24, s26  }
0x15f: {  	s24 =	sor.u32 $0x380, s24;
	v3 =	vmul.f32 v41, v3;
	v5 =	vadd.f32 v5, v6  }
0x160: {  	v45 =	vld [tilespmem:s24+$0xA200]  }
0x161: {  	v4 =	vmul.f32 v43, v4;
	v3 =	vadd.f32 v3, v5  }
0x162: {  	v46 =	vld [tilespmem:s28+$0xE200]  }
0x163: {  	v47 =	vmul.f32 v44, v8;
	v3 =	vadd.f32 v4, v3  }
0x164: {  	v48 =	vld [tilespmem:s28+$0xE280]  }
0x165: {  	v49 =	vmul.f32 v45, v10;
	v3 =	vadd.f32 v47, v3  }
0x166: {  	v50 =	vld [tilespmem:s28+$0xE300]  }
0x167: {  	v51 =	vmul.f32 v46, v11;
	v3 =	vadd.f32 v49, v3  }
0x168: {  	v52 =	vld [tilespmem:s28+$0xE380]  }
0x169: {  	v53 =	vmul.f32 v48, v12;
	v3 =	vadd.f32 v51, v3  }
0x16a: {  	v54 =	vld [tilespmem:s28+$0xE400]  }
0x16b: {  	v55 =	vmul.f32 v50, v13;
	v3 =	vadd.f32 v53, v3  }
0x16c: {  	v56 =	vld [tilespmem:s28+$0xE480]  }
0x16d: {  	v57 =	vmul.f32 v52, v14;
	v3 =	vadd.f32 v55, v3  }
0x16e: {  	v58 =	vld [tilespmem:s28+$0xE500]  }
0x16f: {  	v59 =	vmul.f32 v54, v15;
	v3 =	vadd.f32 v57, v3  }
0x170: {  	v60 =	vld [tilespmem:s28+$0xE580]  }
0x171: {  	v61 =	vmul.f32 v56, v16;
	v3 =	vadd.f32 v59, v3;
	_ =	sdelay $0x1  }
0x172: {  	v62 =	vmul.f32 v58, v17;
	v3 =	vadd.f32 v61, v3;
	_ =	sdelay $0x1  }
0x173: {  	v63 =	vmul.f32 v60, v18;
	v3 =	vadd.f32 v62, v3;
	_ =	sdelay $0x1  }
0x174: {  	v3 =	vadd.f32 v63, v3;
	_ =	sdelay $0x1  }
0x175: {  	[tilespmem:s30+$0x0] =	vst v3  }
0x176: {  	v3 =	vld @!p0 [tilespmem:s23+$0x30];
	_ =	sdelay $0x4  }
0x177: {  	v4 =	vshll.u32 @!p0 v3, $0x4  }
0x178: {  	v5 =	vlaneseq.u32 @!p0;
	v3 =	vand.u32 @!p0 $0x7, v3;
	v4 =	vand.u32 @!p0 $0xFFFFFF80, v4  }
0x179: {  	v6 =	vshrl.u32 @!p0 v5, $0x3;
	v3 =	vor.u32 @!p0 v3, v4;
	v4 =	vand.u32 @!p0 $0x7, v5  }
0x17a: {  	v6 =	vmul.u32 @!p0 $0x8, v6;
	v4 =	vperm.xlane @!p0 v3, v4;
	_ =	sdelay $0x1  }
0x17b: {  	v4 =	vadd.s32 @!p0 v6, v4;
	_ =	sdelay $0x3  }
0x17c: {  	s24 =	simm.s32 @!p0 $0xA200;
	s23 =	simm.s32 @!p0 $0x0  }
0x17d: {  	[tilespmem:s24], [sflag:$0x2] =	stream.indirect_vreg.gather @!p0 [hbm4b:s1+s23], $0x80, v4, vm1, $0xb8;
	[tilespmem:$0x13200] =	vst v63  }
0x17e: {  	s24 =	simm.s32 @!p0 $0xAA00  }
0x17f: {  	[tilespmem:s24], [sflag:$0x2] =	stream.indirect_vreg.gather @!p0 [hbm4b:s7+s23], $0x80, v4, vm1, $0xb8;
	[tilespmem:$0x13200] =	vst v63  }
0x180: {  	s24 =	simm.s32 @!p0 $0xB200  }
0x181: {  	[tilespmem:s24], [sflag:$0x2] =	stream.indirect_vreg.gather @!p0 [hbm4b:s8+s23], $0x80, v4, vm1, $0xb8;
	[tilespmem:$0x13200] =	vst v63  }
0x182: {  	s24 =	simm.s32 @!p0 $0xBA00  }
0x183: {  	[tilespmem:s24], [sflag:$0x2] =	stream.indirect_vreg.gather @!p0 [hbm4b:s9+s23], $0x80, v4, vm1, $0xb8;
	[tilespmem:$0x13200] =	vst v63  }
0x184: {  	s24 =	simm.s32 @!p0 $0xC200  }
0x185: {  	v5 =	vor.u32 @!p0 $0x8, v5;
	[tilespmem:s24], [sflag:$0x2] =	stream.indirect_vreg.gather @!p0 [hbm4b:s10+s23], $0x80, v4, vm1, $0xb8;
	[tilespmem:$0x13200] =	vst v63  }
0x186: {  	v3 =	vperm.xlane @!p0 v3, v5;
	s24 =	simm.s32 @!p0 $0xCA00  }
0x187: {  	[tilespmem:s24], [sflag:$0x2] =	stream.indirect_vreg.gather @!p0 [hbm4b:s11+s23], $0x80, v4, vm1, $0xb8;
	[tilespmem:$0x13200] =	vst v63  }
0x188: {  	v3 =	vadd.s32 @!p0 v6, v3;
	s24 =	simm.s32 @!p0 $0xD200  }
0x189: {  	[tilespmem:s24], [sflag:$0x2] =	stream.indirect_vreg.gather @!p0 [hbm4b:s12+s23], $0x80, v4, vm1, $0xb8;
	[tilespmem:$0x13200] =	vst v63  }
0x18a: {  	s24 =	simm.s32 @!p0 $0xDA00  }
0x18b: {  	[tilespmem:s24], [sflag:$0x2] =	stream.indirect_vreg.gather @!p0 [hbm4b:s13+s23], $0x80, v4, vm1, $0xb8;
	[tilespmem:$0x13200] =	vst v63  }
0x18c: {  	s24 =	simm.s32 @!p0 $0xE200  }
0x18d: {  	[tilespmem:s24], [sflag:$0x2] =	stream.indirect_vreg.gather @!p0 [hbm4b:s1+s23], $0x80, v3, vm1, $0xb8;
	[tilespmem:$0x13200] =	vst v63  }
0x18e: {  	s24 =	simm.s32 @!p0 $0xEA00  }
0x18f: {  	[tilespmem:s24], [sflag:$0x2] =	stream.indirect_vreg.gather @!p0 [hbm4b:s7+s23], $0x80, v3, vm1, $0xb8;
	[tilespmem:$0x13200] =	vst v63  }
0x190: {  	s24 =	simm.s32 @!p0 $0xF200  }
0x191: {  	[tilespmem:s24], [sflag:$0x2] =	stream.indirect_vreg.gather @!p0 [hbm4b:s8+s23], $0x80, v3, vm1, $0xb8;
	[tilespmem:$0x13200] =	vst v63  }
0x192: {  	s24 =	simm.s32 @!p0 $0xFA00  }
0x193: {  	[tilespmem:s24], [sflag:$0x2] =	stream.indirect_vreg.gather @!p0 [hbm4b:s9+s23], $0x80, v3, vm1, $0xb8;
	[tilespmem:$0x13200] =	vst v63  }
0x194: {  	s24 =	simm.s32 @!p0 $0x10200  }
0x195: {  	[tilespmem:s24], [sflag:$0x2] =	stream.indirect_vreg.gather @!p0 [hbm4b:s10+s23], $0x80, v3, vm1, $0xb8;
	[tilespmem:$0x13200] =	vst v63  }
0x196: {  	s24 =	simm.s32 @!p0 $0x10A00  }
0x197: {  	[tilespmem:s24], [sflag:$0x2] =	stream.indirect_vreg.gather @!p0 [hbm4b:s11+s23], $0x80, v3, vm1, $0xb8;
	[tilespmem:$0x13200] =	vst v63  }
0x198: {  	s24 =	simm.s32 @!p0 $0x11200  }
0x199: {  	[tilespmem:s24], [sflag:$0x2] =	stream.indirect_vreg.gather @!p0 [hbm4b:s12+s23], $0x80, v3, vm1, $0xb8;
	[tilespmem:$0x13200] =	vst v63  }
0x19a: {  	s24 =	simm.s32 @!p0 $0x11A00  }
0x19b: {  	[tilespmem:s24], [sflag:$0x2] =	stream.indirect_vreg.gather @!p0 [hbm4b:s13+s23], $0x80, v3, vm1, $0xb8;
	[tilespmem:$0x13200] =	vst v63  }
0x19c: {  	s21 =	sshll.u32 s21, $0x8;
	p0 =	sne.s32 s22, $0x10  }
.Ltmp2:
0x19d: {  	s21 =	sadd.s32 s21, s14;
	(pc) =	sbr.rel @p0 .LBB2_2-.Ltmp2, $4  }
0x19e: {  	[hbm4b:s21+s4] =	stream.linear.scatter [tilespmem:s19], [sflag:$0x3], $0x800, $0x38;
	[tilespmem:$0x13200] =	vst v63  }
0x19f: {  	_ =	swait.ge [sflag:s17], $0x800  }
0x1a0: {  	[sflag:s17] =	ssyncset.done $0x0  }
0x1a1: {  	s21 =	smov.u32 s22;
	[sflag:s17] =	ssyncadd.s32 $0xFFFFF800  }
0x1a2: {  	s20 =	sadd.s32 $0x1, s20  }
0x1a3: {  	p0 =	sne.s32 s20, s15  }
.Ltmp3:
0x1a4: {  	_ = 	snop;
	(pc) =	sbr.rel @p0 .LBB2_1-.Ltmp3, $1  }
0x1a5: {  	_ =	sdelay $0x3  }
0x1a6: {  	_ =	sfence.sel $0x180000  }
0x1a7: {  	[bflag:$0x0] =	sbarrier.arrive $0xFFFF  }
0x1a8: {  	_ =	strace $0x9000004A  }
0x1a9: {  	s0 =	stileid.u32;
	[bflag:$0x2] =	sbarrier.arrive $0xFFFF  }
0x1aa: {  	p0 =	sne.s32 s0, $0x0;
	s0 =	rddreg [dreg:$0x4]  }
0x1ab: {  	s0 =	sadd.s32 @!p0 $0x100000, s0  }
0x1ac: {  	[sflag:s0] =	ssyncadd.tile.s32 @!p0 $0x1;
	_ =	shalt  }
.Lfunc_end2:
_tile_overlayer_lowered:
.L_overlay_start_2:
0x1ad: {  	(tag) =	ssettag $0x2  }
0x1ae: {  	s0 =	rddreg [dreg:$0x0];
	s2 =	stileid.u32  }
0x1af: {  	s1 =	rddreg [dreg:$0x1];
	p0 =	sne.s32 s2, $0x0  }
0x1b0: {  	s3 =	rddreg [dreg:$0x2];
	[bflag:$0x3] =	sbarrier.arrive $0xFFFF;
	s2 =	simm.s32 @!p0 $0x1C03  }
0x1b1: {  	[timem:s3], [sflag:s2] =	dma.local @!p0 [hbm:s0], s1  }
0x1b2: {  	s0 =	simm.s32 @!p0 $0x3  }
0x1b3: {  	_ =	swait.ge @!p0 [sflag:s0], s1  }
0x1b4: {  	s1 =	ssub.s32 @!p0 $0x0, s1;
	[sflag:s0] =	ssyncset.done @!p0 $0x0  }
0x1b5: {  	[sflag:s0] =	ssyncadd.s32 @!p0 s1  }
0x1b6: {  	[bflag:$0x3] =	sbarrier.arrive $0xFFFF  }
0x1b7: {  	_ =	shalt  }

</sc_bundles>
